<compile_context>
chip_gen: v7x
topology: tpu7x:2x2x1
jax: 0.10.2.dev20260603
libtpu: 0.0.44.dev20260713+nightly
codegen_flags: <defaults>
</compile_context>

<pallas_src>
import jax
import jax.numpy as jnp
from jax import lax
from jax.experimental import pallas as pl
from jax.experimental.pallas import tpu as pltpu
from jax.experimental.pallas import tpu_sc as plsc

E_NEW = 65536
NUM_CORES = 2
NUM_SUBCORES = 16
LANES = 16
CHUNK = 4000
UNROLL = 5
SUNROLL = 10


NBUF = 3


def _unpool_body(feat_hbm, oidx_hbm, l_hbm, r_hbm, ne_hbm, nel_hbm, ner_hbm,
                 out_hbm, out_v, feat_v0, feat_v1, feat_v2,
                 oidx_v0, oidx_v1, oidx_v2,
                 l_v, r_v, ne_v, nel_v, ner_v, ix0, ix1, ix2, ix3,
                 sem_a, sem_b, sem_c, sem_out, *, B, C, E_old, U):
    n_chunks = E_old // CHUNK
    sems = (sem_a, sem_b, sem_c)
    feat_bufs = (feat_v0, feat_v1, feat_v2)
    oidx_bufs = (oidx_v0, oidx_v1, oidx_v2)

    cid = lax.axis_index("c")
    sid = lax.axis_index("s")
    wid = cid * NUM_SUBCORES + sid
    nw = NUM_CORES * NUM_SUBCORES
    workers_per_b = nw // B
    rows_per_worker = C // workers_per_b
    b = wid // workers_per_b
    c0 = (wid % workers_per_b) * rows_per_worker
    zeros = jnp.zeros((LANES,), jnp.float32)
    iota = lax.iota(jnp.int32, LANES)
    idx_bufs = (ix0, ix1, ix2, ix3)

    def zbody(i, _):
        for u in range(8):
            dv = (i * 8 + u) * LANES + iota
            plsc.store_scatter(out_v, [lax.shift_right_logical(dv, 7),
                                       dv & 127], zeros)
        return _

    lax.fori_loop(0, E_NEW // (8 * LANES), zbody, None)

    pltpu.sync_copy(l_hbm.at[pl.ds(b * U, U)], l_v)
    pltpu.sync_copy(r_hbm.at[pl.ds(b * U, U)], r_v)
    pltpu.sync_copy(ne_hbm.at[pl.ds(b * U, U)], ne_v)
    pltpu.sync_copy(nel_hbm.at[pl.ds(b * U, U)], nel_v)
    pltpu.sync_copy(ner_hbm.at[pl.ds(b * U, U)], ner_v)

    def issue_chunk(c, k):
        slot = k % NBUF
        feat_base = (b * C + c) * E_old
        cp_o = pltpu.async_copy(
            oidx_hbm.at[pl.ds(b * E_old + k * CHUNK, CHUNK)],
            oidx_bufs[slot], sems[slot])
        cp_f = pltpu.async_copy(
            feat_hbm.at[pl.ds(feat_base + k * CHUNK, CHUNK)],
            feat_bufs[slot], sems[slot])
        return cp_o, cp_f

    def wait_slot(slot):
        pltpu.make_async_copy(oidx_hbm.at[pl.ds(0, CHUNK)],
                              oidx_bufs[slot], sems[slot]).wait()
        pltpu.make_async_copy(feat_hbm.at[pl.ds(0, CHUNK)],
                              feat_bufs[slot], sems[slot]).wait()

    for k in range(NBUF):
        issue_chunk(c0, k)

    def row(ci, _):
        c = c0 + ci

        @pl.when(ci > 0)
        def _():
            for q in range(4):
                pltpu.make_async_copy(out_v.at[pl.ds(q * 128, 128)],
                                      out_hbm.at[idx_bufs[q]],
                                      sem_out).wait()

        pending = {}
        for k in range(n_chunks):
            slot = k % NBUF
            if k < NBUF:
                wait_slot(slot)
            else:
                cp_o, cp_f = pending.pop(k)
                cp_o.wait()
                cp_f.wait()
            ob = oidx_bufs[slot]
            fb = feat_bufs[slot]

            def scat(i, _):
                for u in range(SUNROLL):
                    sl = pl.ds(i * SUNROLL * LANES + u * LANES, LANES)
                    dv = ob[sl]
                    plsc.store_scatter(out_v,
                                       [lax.shift_right_logical(dv, 7),
                                        dv & 127], fb[sl])
                return _

            lax.fori_loop(0, CHUNK // (SUNROLL * LANES), scat, None)
            if k + NBUF < n_chunks:
                pending[k + NBUF] = issue_chunk(c, k + NBUF)

        @pl.when(ci + 1 < rows_per_worker)
        def _():
            for k in range(NBUF):
                issue_chunk(c + 1, k)

        def child(i, _):
            for u in range(UNROLL):
                sl = pl.ds(i * UNROLL * LANES + u * LANES, LANES)
                lv = l_v[sl]
                rv = r_v[sl]
                lf = plsc.load_gather(out_v, [lax.shift_right_logical(lv, 7),
                                              lv & 127])
                rf = plsc.load_gather(out_v, [lax.shift_right_logical(rv, 7),
                                              rv & 127])
                nlv = nel_v[sl]
                nrv = ner_v[sl]
                nev = ne_v[sl]
                plsc.store_scatter(out_v, [lax.shift_right_logical(nlv, 7),
                                           nlv & 127], lf)
                plsc.store_scatter(out_v, [lax.shift_right_logical(nrv, 7),
                                           nrv & 127], rf)
                plsc.store_scatter(out_v, [lax.shift_right_logical(nev, 7),
                                           nev & 127],
                                   (lf + rf) * jnp.float32(0.5))
            return _

        lax.fori_loop(0, U // (UNROLL * LANES), child, None)

        nb = ((b * (C // 8) + c // 8) * (E_NEW // 128)) * 8 + (c % 8)
        for q in range(4):
            for u in range(8):
                et = q * 128 + u * LANES
                idx_bufs[q][pl.ds(u * LANES, LANES)] = nb + (et + iota) * 8
        for q in range(4):
            pltpu.async_copy(out_v.at[pl.ds(q * 128, 128)],
                             out_hbm.at[idx_bufs[q]], sem_out)
        return _

    lax.fori_loop(0, rows_per_worker, row, None)
    for q in range(4):
        pltpu.make_async_copy(out_v.at[pl.ds(q * 128, 128)],
                              out_hbm.at[idx_bufs[q]], sem_out).wait()


def kernel(features, old_indices, left_idx, right_idx, new_e_idx,
           new_e_left_idx, new_e_right_idx):
    B, C, E_old = features.shape
    U = left_idx.shape[1]

    mesh = plsc.VectorSubcoreMesh(core_axis_name="c", subcore_axis_name="s",
                                  num_cores=NUM_CORES,
                                  num_subcores=NUM_SUBCORES)

    def body(*refs):
        _unpool_body(*refs, B=B, C=C, E_old=E_old, U=U)

    run = pl.kernel(
        body,
        out_type=jax.ShapeDtypeStruct((B * C * (E_NEW // 128), 128),
                                      jnp.float32),
        mesh=mesh,
        scratch_types=[
            pltpu.VMEM((E_NEW // 128, 128), jnp.float32),
            pltpu.VMEM((CHUNK,), jnp.float32),
            pltpu.VMEM((CHUNK,), jnp.float32),
            pltpu.VMEM((CHUNK,), jnp.float32),
            pltpu.VMEM((CHUNK,), jnp.int32),
            pltpu.VMEM((CHUNK,), jnp.int32),
            pltpu.VMEM((CHUNK,), jnp.int32),
            pltpu.VMEM((U,), jnp.int32),
            pltpu.VMEM((U,), jnp.int32),
            pltpu.VMEM((U,), jnp.int32),
            pltpu.VMEM((U,), jnp.int32),
            pltpu.VMEM((U,), jnp.int32),
            pltpu.VMEM((128,), jnp.int32),
            pltpu.VMEM((128,), jnp.int32),
            pltpu.VMEM((128,), jnp.int32),
            pltpu.VMEM((128,), jnp.int32),
            pltpu.SemaphoreType.DMA,
            pltpu.SemaphoreType.DMA,
            pltpu.SemaphoreType.DMA,
            pltpu.SemaphoreType.DMA,
        ],
        compiler_params=pltpu.CompilerParams(needs_layout_passes=False),
    )
    out2 = run(features.reshape(-1), old_indices.reshape(-1),
               left_idx.reshape(-1), right_idx.reshape(-1),
               new_e_idx.reshape(-1), new_e_left_idx.reshape(-1),
               new_e_right_idx.reshape(-1))
    out5 = out2.reshape(B, C // 8, E_NEW // 128, 8, 128)
    return out5.transpose(0, 1, 3, 2, 4).reshape(B, C, E_NEW)

# --- scband reference (transcript-rebuilt; emitter-appended) ---
"""Pipeline reference for scband-mesh-unpool-52261162058491 (READ-ONLY COPY).

The authoritative reference and input builder live on the scoring server;
editing this copy changes nothing except your own understanding.
"""

import jax, jax.numpy as jnp
import numpy as np

UNROLL_TARGET = 65536
B, C, E_OLD, U = 4, 128, 40000, 8000


def setup_inputs(seed: int = 0) -> dict:
    key = jax.random.key(seed)
    k1, k2, k3, k4 = jax.random.split(key, 4)
    features = jax.random.normal(k1, (B, C, E_OLD), dtype=jnp.float32)
    # Per-mesh disjoint index layout: a permutation of [0, E_new) split into
    # positions for old (surviving) edges and the three new edges created by
    # each unpool op (new_e, new_e_left, new_e_right). This mirrors the
    # topo_to_inds remapping in the original MeshUnpool.
    perms = jax.vmap(lambda k: jax.random.permutation(k, UNROLL_TARGET))(jax.random.split(k2, B))
    perms = perms.astype(jnp.int32)
    old_indices = perms[:, :E_OLD]
    new_e_idx = perms[:, E_OLD:E_OLD + U]
    new_e_left_idx = perms[:, E_OLD + U:E_OLD + 2 * U]
    new_e_right_idx = perms[:, E_OLD + 2 * U:E_OLD + 3 * U]
    # left/right parent edges are already-visited (old) edges
    l_sel = jax.random.randint(k3, (B, U), 0, E_OLD, dtype=jnp.int32)
    r_sel = jax.random.randint(k4, (B, U), 0, E_OLD, dtype=jnp.int32)
    left_idx = jnp.take_along_axis(old_indices, l_sel, axis=1)
    right_idx = jnp.take_along_axis(old_indices, r_sel, axis=1)
    return {
        "features": features,
        "old_indices": old_indices,
        "left_idx": left_idx,
        "right_idx": right_idx,
        "new_e_idx": new_e_idx,
        "new_e_left_idx": new_e_left_idx,
        "new_e_right_idx": new_e_right_idx,
    }


def _unpool_one(feat, old_idx, l_idx, r_idx, ne_idx, nel_idx, ner_idx):
    # feat: [C, E_old] -> buf: [C, E_new]
    buf = jnp.zeros((feat.shape[0], UNROLL_TARGET), dtype=feat.dtype)
    # scatter old features into their new positions (new_mesh_features[:, old_indices] = ...)
    buf = buf.at[:, old_idx].set(feat)
    # unweighted unpool: copy parent edge features to split children,
    # new bridging edge gets the average of left/right parents
    left = buf[:, l_idx]
    right = buf[:, r_idx]
    buf = buf.at[:, nel_idx].set(left)
    buf = buf.at[:, ner_idx].set(right)
    buf = buf.at[:, ne_idx].set((left + right) * 0.5)
    return buf


def reference(features, old_indices, left_idx, right_idx, new_e_idx, new_e_left_idx, new_e_right_idx):
    # stack over meshes -> [B, C, E_new] (all meshes padded to unroll_target)
    return jax.vmap(_unpool_one)(features, old_indices, left_idx, right_idx, new_e_idx, new_e_left_idx, new_e_right_idx)

if __name__ == "__main__":
    import jax
    _d = setup_inputs()
    print(jax.jit(kernel)(*tuple(_d.values())))

</pallas_src>

<mosaic_0001>
#map = affine_map<(d0, d1) -> (0)>
#map1 = affine_map<(d0, d1) -> (0, 0)>
module attributes {stable_mosaic.version = 14 : i64} {
  func.func @body(%arg0: i32, %arg1: i32, %arg2: memref<20480000xf32, #tpu.memory_space<hbm>>, %arg3: memref<160000xi32, #tpu.memory_space<hbm>>, %arg4: memref<32000xi32, #tpu.memory_space<hbm>>, %arg5: memref<32000xi32, #tpu.memory_space<hbm>>, %arg6: memref<32000xi32, #tpu.memory_space<hbm>>, %arg7: memref<32000xi32, #tpu.memory_space<hbm>>, %arg8: memref<32000xi32, #tpu.memory_space<hbm>>, %arg9: memref<262144x128xf32, #tpu.memory_space<hbm>>, %arg10: memref<512x128xf32, #tpu.memory_space<vmem>>, %arg11: memref<4000xf32, #tpu.memory_space<vmem>>, %arg12: memref<4000xf32, #tpu.memory_space<vmem>>, %arg13: memref<4000xf32, #tpu.memory_space<vmem>>, %arg14: memref<4000xi32, #tpu.memory_space<vmem>>, %arg15: memref<4000xi32, #tpu.memory_space<vmem>>, %arg16: memref<4000xi32, #tpu.memory_space<vmem>>, %arg17: memref<8000xi32, #tpu.memory_space<vmem>>, %arg18: memref<8000xi32, #tpu.memory_space<vmem>>, %arg19: memref<8000xi32, #tpu.memory_space<vmem>>, %arg20: memref<8000xi32, #tpu.memory_space<vmem>>, %arg21: memref<8000xi32, #tpu.memory_space<vmem>>, %arg22: memref<128xi32, #tpu.memory_space<vmem>>, %arg23: memref<128xi32, #tpu.memory_space<vmem>>, %arg24: memref<128xi32, #tpu.memory_space<vmem>>, %arg25: memref<128xi32, #tpu.memory_space<vmem>>, %arg26: memref<!tpu.dma_semaphore, #tpu.memory_space<semaphore_mem>>, %arg27: memref<!tpu.dma_semaphore, #tpu.memory_space<semaphore_mem>>, %arg28: memref<!tpu.dma_semaphore, #tpu.memory_space<semaphore_mem>>, %arg29: memref<!tpu.dma_semaphore, #tpu.memory_space<semaphore_mem>>) attributes {dimension_semantics = [#tpu.dimension_semantics<core_parallel>, #tpu.dimension_semantics<subcore_parallel>], iteration_bounds = array<i64: 2, 16>, scalar_prefetch = 0 : i64, scratch_operands = 20 : i64, tpu.core_type = #tpu.core_type<sc_vector_subcore>, window_params = [{transform_indices = #map}, {transform_indices = #map}, {transform_indices = #map}, {transform_indices = #map}, {transform_indices = #map}, {transform_indices = #map}, {transform_indices = #map}, {transform_indices = #map1}]} {
    %mul3A = arith.constant 16 : i32
    %mul3A_0 = arith.muli %arg0, %mul3A : i32
    %add3A = arith.addi %mul3A_0, %arg1 : i32
    %jit3A = arith.constant 8 : i32
    %div3A = arith.divsi %add3A, %jit3A : i32
    %sign3A = arith.constant 0 : i32
    %sign3A_1 = arith.cmpi sgt, %add3A, %sign3A : i32
    %sign3A_2 = arith.extui %sign3A_1 : i1 to i32
    %sign3A_3 = arith.constant 0 : i32
    %sign3A_4 = arith.cmpi slt, %add3A, %sign3A_3 : i32
    %sign3A_5 = arith.extui %sign3A_4 : i1 to i32
    %sign3A_6 = arith.subi %sign3A_2, %sign3A_5 : i32
    %sign3A_7 = arith.constant 0 : i32
    %sign3A_8 = arith.cmpi sgt, %jit3A, %sign3A_7 : i32
    %sign3A_9 = arith.extui %sign3A_8 : i1 to i32
    %sign3A_10 = arith.constant 0 : i32
    %sign3A_11 = arith.cmpi slt, %jit3A, %sign3A_10 : i32
    %sign3A_12 = arith.extui %sign3A_11 : i1 to i32
    %sign3A_13 = arith.subi %sign3A_9, %sign3A_12 : i32
    %ne3A = arith.cmpi ne, %sign3A_6, %sign3A_13 : i32
    %rem3A = arith.remsi %add3A, %jit3A : i32
    %ne3A_14 = arith.constant 0 : i32
    %ne3A_15 = arith.cmpi ne, %rem3A, %ne3A_14 : i32
    %and3A = arith.andi %ne3A, %ne3A_15 : i1
    %sub3A = arith.constant 1 : i32
    %sub3A_16 = arith.subi %div3A, %sub3A : i32
    %select_n3A = arith.select %and3A, %sub3A_16, %div3A : i32
    %jit3A_17 = arith.constant 8 : i32
    %eq3A = arith.constant 0 : i32
    %eq3A_18 = arith.cmpi eq, %jit3A_17, %eq3A : i32
    %jit3A_19 = arith.constant 1 : i32
    %select_n3A_20 = arith.select %eq3A_18, %jit3A_19, %jit3A_17 : i32
    %rem3A_21 = arith.remsi %add3A, %select_n3A_20 : i32
    %ne3A_22 = arith.constant 0 : i32
    %ne3A_23 = arith.cmpi ne, %rem3A_21, %ne3A_22 : i32
    %lt3A = arith.constant 0 : i32
    %lt3A_24 = arith.cmpi slt, %rem3A_21, %lt3A : i32
    %lt3A_25 = arith.constant 0 : i32
    %lt3A_26 = arith.cmpi slt, %select_n3A_20, %lt3A_25 : i32
    %ne3A_27 = arith.xori %lt3A_24, %lt3A_26 : i1
    %and3A_28 = arith.andi %ne3A_27, %ne3A_23 : i1
    %add3A_29 = arith.addi %rem3A_21, %select_n3A_20 : i32
    %select_n3A_30 = arith.select %and3A_28, %add3A_29, %rem3A_21 : i32
    %mul3A_31 = arith.constant 16 : i32
    %mul3A_32 = arith.muli %select_n3A_30, %mul3A_31 : i32
    %broadcast_in_dim3A = arith.constant 0.000000e+00 : f32
    %broadcast_in_dim3A_33 = vector.broadcast %broadcast_in_dim3A : f32 to vector<16xf32>
    %iota3A = tpu.iota {dimensions = array<i32: 0>} : vector<16xi32>
    %scan3A = arith.constant 0 : i32
    %scan3A_34 = arith.constant 512 : i32
    %scan3A_35 = arith.addi %scan3A, %scan3A_34 : i32
    %scan3A_36 = arith.constant 1 : i32
    scf.for %scan3A_120 = %scan3A to %scan3A_35 step %scan3A_36  : i32 {
      %mul3A_121 = arith.constant 8 : i32
      %mul3A_122 = arith.muli %scan3A_120, %mul3A_121 : i32
      %add3A_123 = arith.constant 0 : i32
      %add3A_124 = arith.addi %mul3A_122, %add3A_123 : i32
      %mul3A_125 = arith.constant 16 : i32
      %mul3A_126 = arith.muli %add3A_124, %mul3A_125 : i32
      %add3A_127 = vector.broadcast %mul3A_126 : i32 to vector<16xi32>
      %add3A_128 = arith.addi %add3A_127, %iota3A : vector<16xi32>
      %shift_right_logical3A = arith.constant 7 : i32
      %shift_right_logical3A_129 = vector.broadcast %shift_right_logical3A : i32 to vector<16xi32>
      %shift_right_logical3A_130 = arith.shrui %add3A_128, %shift_right_logical3A_129 : vector<16xi32>
      %and3A_131 = arith.constant 127 : i32
      %and3A_132 = vector.broadcast %and3A_131 : i32 to vector<16xi32>
      %and3A_133 = arith.andi %add3A_128, %and3A_132 : vector<16xi32>
      tpu.vector_store_idx %arg10[%shift_right_logical3A_130, %and3A_133], %broadcast_in_dim3A_33 : memref<512x128xf32, #tpu.memory_space<vmem>>[vector<16xi32>, vector<16xi32>], vector<16xf32>,
      %mul3A_134 = arith.constant 8 : i32
      %mul3A_135 = arith.muli %scan3A_120, %mul3A_134 : i32
      %add3A_136 = arith.constant 1 : i32
      %add3A_137 = arith.addi %mul3A_135, %add3A_136 : i32
      %mul3A_138 = arith.constant 16 : i32
      %mul3A_139 = arith.muli %add3A_137, %mul3A_138 : i32
      %add3A_140 = vector.broadcast %mul3A_139 : i32 to vector<16xi32>
      %add3A_141 = arith.addi %add3A_140, %iota3A : vector<16xi32>
      %shift_right_logical3A_142 = arith.constant 7 : i32
      %shift_right_logical3A_143 = vector.broadcast %shift_right_logical3A_142 : i32 to vector<16xi32>
      %shift_right_logical3A_144 = arith.shrui %add3A_141, %shift_right_logical3A_143 : vector<16xi32>
      %and3A_145 = arith.constant 127 : i32
      %and3A_146 = vector.broadcast %and3A_145 : i32 to vector<16xi32>
      %and3A_147 = arith.andi %add3A_141, %and3A_146 : vector<16xi32>
      tpu.vector_store_idx %arg10[%shift_right_logical3A_144, %and3A_147], %broadcast_in_dim3A_33 : memref<512x128xf32, #tpu.memory_space<vmem>>[vector<16xi32>, vector<16xi32>], vector<16xf32>,
      %mul3A_148 = arith.constant 8 : i32
      %mul3A_149 = arith.muli %scan3A_120, %mul3A_148 : i32
      %add3A_150 = arith.constant 2 : i32
      %add3A_151 = arith.addi %mul3A_149, %add3A_150 : i32
      %mul3A_152 = arith.constant 16 : i32
      %mul3A_153 = arith.muli %add3A_151, %mul3A_152 : i32
      %add3A_154 = vector.broadcast %mul3A_153 : i32 to vector<16xi32>
      %add3A_155 = arith.addi %add3A_154, %iota3A : vector<16xi32>
      %shift_right_logical3A_156 = arith.constant 7 : i32
      %shift_right_logical3A_157 = vector.broadcast %shift_right_logical3A_156 : i32 to vector<16xi32>
      %shift_right_logical3A_158 = arith.shrui %add3A_155, %shift_right_logical3A_157 : vector<16xi32>
      %and3A_159 = arith.constant 127 : i32
      %and3A_160 = vector.broadcast %and3A_159 : i32 to vector<16xi32>
      %and3A_161 = arith.andi %add3A_155, %and3A_160 : vector<16xi32>
      tpu.vector_store_idx %arg10[%shift_right_logical3A_158, %and3A_161], %broadcast_in_dim3A_33 : memref<512x128xf32, #tpu.memory_space<vmem>>[vector<16xi32>, vector<16xi32>], vector<16xf32>,
      %mul3A_162 = arith.constant 8 : i32
      %mul3A_163 = arith.muli %scan3A_120, %mul3A_162 : i32
      %add3A_164 = arith.constant 3 : i32
      %add3A_165 = arith.addi %mul3A_163, %add3A_164 : i32
      %mul3A_166 = arith.constant 16 : i32
      %mul3A_167 = arith.muli %add3A_165, %mul3A_166 : i32
      %add3A_168 = vector.broadcast %mul3A_167 : i32 to vector<16xi32>
      %add3A_169 = arith.addi %add3A_168, %iota3A : vector<16xi32>
      %shift_right_logical3A_170 = arith.constant 7 : i32
      %shift_right_logical3A_171 = vector.broadcast %shift_right_logical3A_170 : i32 to vector<16xi32>
      %shift_right_logical3A_172 = arith.shrui %add3A_169, %shift_right_logical3A_171 : vector<16xi32>
      %and3A_173 = arith.constant 127 : i32
      %and3A_174 = vector.broadcast %and3A_173 : i32 to vector<16xi32>
      %and3A_175 = arith.andi %add3A_169, %and3A_174 : vector<16xi32>
      tpu.vector_store_idx %arg10[%shift_right_logical3A_172, %and3A_175], %broadcast_in_dim3A_33 : memref<512x128xf32, #tpu.memory_space<vmem>>[vector<16xi32>, vector<16xi32>], vector<16xf32>,
      %mul3A_176 = arith.constant 8 : i32
      %mul3A_177 = arith.muli %scan3A_120, %mul3A_176 : i32
      %add3A_178 = arith.constant 4 : i32
      %add3A_179 = arith.addi %mul3A_177, %add3A_178 : i32
      %mul3A_180 = arith.constant 16 : i32
      %mul3A_181 = arith.muli %add3A_179, %mul3A_180 : i32
      %add3A_182 = vector.broadcast %mul3A_181 : i32 to vector<16xi32>
      %add3A_183 = arith.addi %add3A_182, %iota3A : vector<16xi32>
      %shift_right_logical3A_184 = arith.constant 7 : i32
      %shift_right_logical3A_185 = vector.broadcast %shift_right_logical3A_184 : i32 to vector<16xi32>
      %shift_right_logical3A_186 = arith.shrui %add3A_183, %shift_right_logical3A_185 : vector<16xi32>
      %and3A_187 = arith.constant 127 : i32
      %and3A_188 = vector.broadcast %and3A_187 : i32 to vector<16xi32>
      %and3A_189 = arith.andi %add3A_183, %and3A_188 : vector<16xi32>
      tpu.vector_store_idx %arg10[%shift_right_logical3A_186, %and3A_189], %broadcast_in_dim3A_33 : memref<512x128xf32, #tpu.memory_space<vmem>>[vector<16xi32>, vector<16xi32>], vector<16xf32>,
      %mul3A_190 = arith.constant 8 : i32
      %mul3A_191 = arith.muli %scan3A_120, %mul3A_190 : i32
      %add3A_192 = arith.constant 5 : i32
      %add3A_193 = arith.addi %mul3A_191, %add3A_192 : i32
      %mul3A_194 = arith.constant 16 : i32
      %mul3A_195 = arith.muli %add3A_193, %mul3A_194 : i32
      %add3A_196 = vector.broadcast %mul3A_195 : i32 to vector<16xi32>
      %add3A_197 = arith.addi %add3A_196, %iota3A : vector<16xi32>
      %shift_right_logical3A_198 = arith.constant 7 : i32
      %shift_right_logical3A_199 = vector.broadcast %shift_right_logical3A_198 : i32 to vector<16xi32>
      %shift_right_logical3A_200 = arith.shrui %add3A_197, %shift_right_logical3A_199 : vector<16xi32>
      %and3A_201 = arith.constant 127 : i32
      %and3A_202 = vector.broadcast %and3A_201 : i32 to vector<16xi32>
      %and3A_203 = arith.andi %add3A_197, %and3A_202 : vector<16xi32>
      tpu.vector_store_idx %arg10[%shift_right_logical3A_200, %and3A_203], %broadcast_in_dim3A_33 : memref<512x128xf32, #tpu.memory_space<vmem>>[vector<16xi32>, vector<16xi32>], vector<16xf32>,
      %mul3A_204 = arith.constant 8 : i32
      %mul3A_205 = arith.muli %scan3A_120, %mul3A_204 : i32
      %add3A_206 = arith.constant 6 : i32
      %add3A_207 = arith.addi %mul3A_205, %add3A_206 : i32
      %mul3A_208 = arith.constant 16 : i32
      %mul3A_209 = arith.muli %add3A_207, %mul3A_208 : i32
      %add3A_210 = vector.broadcast %mul3A_209 : i32 to vector<16xi32>
      %add3A_211 = arith.addi %add3A_210, %iota3A : vector<16xi32>
      %shift_right_logical3A_212 = arith.constant 7 : i32
      %shift_right_logical3A_213 = vector.broadcast %shift_right_logical3A_212 : i32 to vector<16xi32>
      %shift_right_logical3A_214 = arith.shrui %add3A_211, %shift_right_logical3A_213 : vector<16xi32>
      %and3A_215 = arith.constant 127 : i32
      %and3A_216 = vector.broadcast %and3A_215 : i32 to vector<16xi32>
      %and3A_217 = arith.andi %add3A_211, %and3A_216 : vector<16xi32>
      tpu.vector_store_idx %arg10[%shift_right_logical3A_214, %and3A_217], %broadcast_in_dim3A_33 : memref<512x128xf32, #tpu.memory_space<vmem>>[vector<16xi32>, vector<16xi32>], vector<16xf32>,
      %mul3A_218 = arith.constant 8 : i32
      %mul3A_219 = arith.muli %scan3A_120, %mul3A_218 : i32
      %add3A_220 = arith.constant 7 : i32
      %add3A_221 = arith.addi %mul3A_219, %add3A_220 : i32
      %mul3A_222 = arith.constant 16 : i32
      %mul3A_223 = arith.muli %add3A_221, %mul3A_222 : i32
      %add3A_224 = vector.broadcast %mul3A_223 : i32 to vector<16xi32>
      %add3A_225 = arith.addi %add3A_224, %iota3A : vector<16xi32>
      %shift_right_logical3A_226 = arith.constant 7 : i32
      %shift_right_logical3A_227 = vector.broadcast %shift_right_logical3A_226 : i32 to vector<16xi32>
      %shift_right_logical3A_228 = arith.shrui %add3A_225, %shift_right_logical3A_227 : vector<16xi32>
      %and3A_229 = arith.constant 127 : i32
      %and3A_230 = vector.broadcast %and3A_229 : i32 to vector<16xi32>
      %and3A_231 = arith.andi %add3A_225, %and3A_230 : vector<16xi32>
      tpu.vector_store_idx %arg10[%shift_right_logical3A_228, %and3A_231], %broadcast_in_dim3A_33 : memref<512x128xf32, #tpu.memory_space<vmem>>[vector<16xi32>, vector<16xi32>], vector<16xf32>,
    }
    %scan3A_37 = arith.constant 512 : i32
    %mul3A_38 = arith.constant 8000 : i32
    %mul3A_39 = arith.muli %select_n3A, %mul3A_38 : i32
    "tpu.region"() ({
      %run_scoped3A = tpu.sem_alloc : memref<!tpu.dma_semaphore, #tpu.memory_space<semaphore_mem>>
      %dma_start3A_120 = tpu.memref_slice %arg4[%mul3A_39] : memref<32000xi32, #tpu.memory_space<hbm>> -> memref<8000xi32, #tpu.memory_space<hbm>>
      %dma_start3A_121 = tpu.memref_slice %arg4[%mul3A_39] : memref<32000xi32, #tpu.memory_space<hbm>> -> memref<8000xi32, #tpu.memory_space<hbm>>
      tpu.enqueue_dma source(%dma_start3A_121 : memref<8000xi32, #tpu.memory_space<hbm>>) target(%arg17 : memref<8000xi32, #tpu.memory_space<vmem>>) target_semaphore(%run_scoped3A : memref<!tpu.dma_semaphore, #tpu.memory_space<semaphore_mem>>)
      %dma_wait3A_122 = tpu.memref_slice %arg4[%mul3A_39] : memref<32000xi32, #tpu.memory_space<hbm>> -> memref<8000xi32, #tpu.memory_space<hbm>>
      %dma_wait3A_123 = tpu.memref_slice %arg4[%mul3A_39] : memref<32000xi32, #tpu.memory_space<hbm>> -> memref<8000xi32, #tpu.memory_space<hbm>>
      tpu.wait_dma2 semaphore(%run_scoped3A : memref<!tpu.dma_semaphore, #tpu.memory_space<semaphore_mem>>) src(%dma_wait3A_123 : memref<8000xi32, #tpu.memory_space<hbm>>) dst(%arg17 : memref<8000xi32, #tpu.memory_space<vmem>>)
      tpu.yield
    }) : () -> ()
    %mul3A_40 = arith.constant 8000 : i32
    %mul3A_41 = arith.muli %select_n3A, %mul3A_40 : i32
    "tpu.region"() ({
      %run_scoped3A = tpu.sem_alloc : memref<!tpu.dma_semaphore, #tpu.memory_space<semaphore_mem>>
      %dma_start3A_120 = tpu.memref_slice %arg5[%mul3A_41] : memref<32000xi32, #tpu.memory_space<hbm>> -> memref<8000xi32, #tpu.memory_space<hbm>>
      %dma_start3A_121 = tpu.memref_slice %arg5[%mul3A_41] : memref<32000xi32, #tpu.memory_space<hbm>> -> memref<8000xi32, #tpu.memory_space<hbm>>
      tpu.enqueue_dma source(%dma_start3A_121 : memref<8000xi32, #tpu.memory_space<hbm>>) target(%arg18 : memref<8000xi32, #tpu.memory_space<vmem>>) target_semaphore(%run_scoped3A : memref<!tpu.dma_semaphore, #tpu.memory_space<semaphore_mem>>)
      %dma_wait3A_122 = tpu.memref_slice %arg5[%mul3A_41] : memref<32000xi32, #tpu.memory_space<hbm>> -> memref<8000xi32, #tpu.memory_space<hbm>>
      %dma_wait3A_123 = tpu.memref_slice %arg5[%mul3A_41] : memref<32000xi32, #tpu.memory_space<hbm>> -> memref<8000xi32, #tpu.memory_space<hbm>>
      tpu.wait_dma2 semaphore(%run_scoped3A : memref<!tpu.dma_semaphore, #tpu.memory_space<semaphore_mem>>) src(%dma_wait3A_123 : memref<8000xi32, #tpu.memory_space<hbm>>) dst(%arg18 : memref<8000xi32, #tpu.memory_space<vmem>>)
      tpu.yield
    }) : () -> ()
    %mul3A_42 = arith.constant 8000 : i32
    %mul3A_43 = arith.muli %select_n3A, %mul3A_42 : i32
    "tpu.region"() ({
      %run_scoped3A = tpu.sem_alloc : memref<!tpu.dma_semaphore, #tpu.memory_space<semaphore_mem>>
      %dma_start3A_120 = tpu.memref_slice %arg6[%mul3A_43] : memref<32000xi32, #tpu.memory_space<hbm>> -> memref<8000xi32, #tpu.memory_space<hbm>>
      %dma_start3A_121 = tpu.memref_slice %arg6[%mul3A_43] : memref<32000xi32, #tpu.memory_space<hbm>> -> memref<8000xi32, #tpu.memory_space<hbm>>
      tpu.enqueue_dma source(%dma_start3A_121 : memref<8000xi32, #tpu.memory_space<hbm>>) target(%arg19 : memref<8000xi32, #tpu.memory_space<vmem>>) target_semaphore(%run_scoped3A : memref<!tpu.dma_semaphore, #tpu.memory_space<semaphore_mem>>)
      %dma_wait3A_122 = tpu.memref_slice %arg6[%mul3A_43] : memref<32000xi32, #tpu.memory_space<hbm>> -> memref<8000xi32, #tpu.memory_space<hbm>>
      %dma_wait3A_123 = tpu.memref_slice %arg6[%mul3A_43] : memref<32000xi32, #tpu.memory_space<hbm>> -> memref<8000xi32, #tpu.memory_space<hbm>>
      tpu.wait_dma2 semaphore(%run_scoped3A : memref<!tpu.dma_semaphore, #tpu.memory_space<semaphore_mem>>) src(%dma_wait3A_123 : memref<8000xi32, #tpu.memory_space<hbm>>) dst(%arg19 : memref<8000xi32, #tpu.memory_space<vmem>>)
      tpu.yield
    }) : () -> ()
    %mul3A_44 = arith.constant 8000 : i32
    %mul3A_45 = arith.muli %select_n3A, %mul3A_44 : i32
    "tpu.region"() ({
      %run_scoped3A = tpu.sem_alloc : memref<!tpu.dma_semaphore, #tpu.memory_space<semaphore_mem>>
      %dma_start3A_120 = tpu.memref_slice %arg7[%mul3A_45] : memref<32000xi32, #tpu.memory_space<hbm>> -> memref<8000xi32, #tpu.memory_space<hbm>>
      %dma_start3A_121 = tpu.memref_slice %arg7[%mul3A_45] : memref<32000xi32, #tpu.memory_space<hbm>> -> memref<8000xi32, #tpu.memory_space<hbm>>
      tpu.enqueue_dma source(%dma_start3A_121 : memref<8000xi32, #tpu.memory_space<hbm>>) target(%arg20 : memref<8000xi32, #tpu.memory_space<vmem>>) target_semaphore(%run_scoped3A : memref<!tpu.dma_semaphore, #tpu.memory_space<semaphore_mem>>)
      %dma_wait3A_122 = tpu.memref_slice %arg7[%mul3A_45] : memref<32000xi32, #tpu.memory_space<hbm>> -> memref<8000xi32, #tpu.memory_space<hbm>>
      %dma_wait3A_123 = tpu.memref_slice %arg7[%mul3A_45] : memref<32000xi32, #tpu.memory_space<hbm>> -> memref<8000xi32, #tpu.memory_space<hbm>>
      tpu.wait_dma2 semaphore(%run_scoped3A : memref<!tpu.dma_semaphore, #tpu.memory_space<semaphore_mem>>) src(%dma_wait3A_123 : memref<8000xi32, #tpu.memory_space<hbm>>) dst(%arg20 : memref<8000xi32, #tpu.memory_space<vmem>>)
      tpu.yield
    }) : () -> ()
    %mul3A_46 = arith.constant 8000 : i32
    %mul3A_47 = arith.muli %select_n3A, %mul3A_46 : i32
    "tpu.region"() ({
      %run_scoped3A = tpu.sem_alloc : memref<!tpu.dma_semaphore, #tpu.memory_space<semaphore_mem>>
      %dma_start3A_120 = tpu.memref_slice %arg8[%mul3A_47] : memref<32000xi32, #tpu.memory_space<hbm>> -> memref<8000xi32, #tpu.memory_space<hbm>>
      %dma_start3A_121 = tpu.memref_slice %arg8[%mul3A_47] : memref<32000xi32, #tpu.memory_space<hbm>> -> memref<8000xi32, #tpu.memory_space<hbm>>
      tpu.enqueue_dma source(%dma_start3A_121 : memref<8000xi32, #tpu.memory_space<hbm>>) target(%arg21 : memref<8000xi32, #tpu.memory_space<vmem>>) target_semaphore(%run_scoped3A : memref<!tpu.dma_semaphore, #tpu.memory_space<semaphore_mem>>)
      %dma_wait3A_122 = tpu.memref_slice %arg8[%mul3A_47] : memref<32000xi32, #tpu.memory_space<hbm>> -> memref<8000xi32, #tpu.memory_space<hbm>>
      %dma_wait3A_123 = tpu.memref_slice %arg8[%mul3A_47] : memref<32000xi32, #tpu.memory_space<hbm>> -> memref<8000xi32, #tpu.memory_space<hbm>>
      tpu.wait_dma2 semaphore(%run_scoped3A : memref<!tpu.dma_semaphore, #tpu.memory_space<semaphore_mem>>) src(%dma_wait3A_123 : memref<8000xi32, #tpu.memory_space<hbm>>) dst(%arg21 : memref<8000xi32, #tpu.memory_space<vmem>>)
      tpu.yield
    }) : () -> ()
    %mul3A_48 = arith.constant 128 : i32
    %mul3A_49 = arith.muli %select_n3A, %mul3A_48 : i32
    %add3A_50 = arith.addi %mul3A_49, %mul3A_32 : i32
    %mul3A_51 = arith.constant 40000 : i32
    %mul3A_52 = arith.muli %add3A_50, %mul3A_51 : i32
    %mul3A_53 = arith.constant 40000 : i32
    %mul3A_54 = arith.muli %select_n3A, %mul3A_53 : i32
    %add3A_55 = arith.constant 0 : i32
    %add3A_56 = arith.addi %mul3A_54, %add3A_55 : i32
    %dma_start3A = tpu.memref_slice %arg3[%add3A_56] : memref<160000xi32, #tpu.memory_space<hbm>> -> memref<4000xi32, #tpu.memory_space<hbm>>
    %dma_start3A_57 = tpu.memref_slice %arg3[%add3A_56] : memref<160000xi32, #tpu.memory_space<hbm>> -> memref<4000xi32, #tpu.memory_space<hbm>>
    tpu.enqueue_dma source(%dma_start3A_57 : memref<4000xi32, #tpu.memory_space<hbm>>) target(%arg14 : memref<4000xi32, #tpu.memory_space<vmem>>) target_semaphore(%arg26 : memref<!tpu.dma_semaphore, #tpu.memory_space<semaphore_mem>>)
    %add3A_58 = arith.constant 0 : i32
    %add3A_59 = arith.addi %mul3A_52, %add3A_58 : i32
    %dma_start3A_60 = tpu.memref_slice %arg2[%add3A_59] : memref<20480000xf32, #tpu.memory_space<hbm>> -> memref<4000xf32, #tpu.memory_space<hbm>>
    %dma_start3A_61 = tpu.memref_slice %arg2[%add3A_59] : memref<20480000xf32, #tpu.memory_space<hbm>> -> memref<4000xf32, #tpu.memory_space<hbm>>
    tpu.enqueue_dma source(%dma_start3A_61 : memref<4000xf32, #tpu.memory_space<hbm>>) target(%arg11 : memref<4000xf32, #tpu.memory_space<vmem>>) target_semaphore(%arg26 : memref<!tpu.dma_semaphore, #tpu.memory_space<semaphore_mem>>)
    %mul3A_62 = arith.constant 128 : i32
    %mul3A_63 = arith.muli %select_n3A, %mul3A_62 : i32
    %add3A_64 = arith.addi %mul3A_63, %mul3A_32 : i32
    %mul3A_65 = arith.constant 40000 : i32
    %mul3A_66 = arith.muli %add3A_64, %mul3A_65 : i32
    %mul3A_67 = arith.constant 40000 : i32
    %mul3A_68 = arith.muli %select_n3A, %mul3A_67 : i32
    %add3A_69 = arith.constant 4000 : i32
    %add3A_70 = arith.addi %mul3A_68, %add3A_69 : i32
    %dma_start3A_71 = tpu.memref_slice %arg3[%add3A_70] : memref<160000xi32, #tpu.memory_space<hbm>> -> memref<4000xi32, #tpu.memory_space<hbm>>
    %dma_start3A_72 = tpu.memref_slice %arg3[%add3A_70] : memref<160000xi32, #tpu.memory_space<hbm>> -> memref<4000xi32, #tpu.memory_space<hbm>>
    tpu.enqueue_dma source(%dma_start3A_72 : memref<4000xi32, #tpu.memory_space<hbm>>) target(%arg15 : memref<4000xi32, #tpu.memory_space<vmem>>) target_semaphore(%arg27 : memref<!tpu.dma_semaphore, #tpu.memory_space<semaphore_mem>>)
    %add3A_73 = arith.constant 4000 : i32
    %add3A_74 = arith.addi %mul3A_66, %add3A_73 : i32
    %dma_start3A_75 = tpu.memref_slice %arg2[%add3A_74] : memref<20480000xf32, #tpu.memory_space<hbm>> -> memref<4000xf32, #tpu.memory_space<hbm>>
    %dma_start3A_76 = tpu.memref_slice %arg2[%add3A_74] : memref<20480000xf32, #tpu.memory_space<hbm>> -> memref<4000xf32, #tpu.memory_space<hbm>>
    tpu.enqueue_dma source(%dma_start3A_76 : memref<4000xf32, #tpu.memory_space<hbm>>) target(%arg12 : memref<4000xf32, #tpu.memory_space<vmem>>) target_semaphore(%arg27 : memref<!tpu.dma_semaphore, #tpu.memory_space<semaphore_mem>>)
    %mul3A_77 = arith.constant 128 : i32
    %mul3A_78 = arith.muli %select_n3A, %mul3A_77 : i32
    %add3A_79 = arith.addi %mul3A_78, %mul3A_32 : i32
    %mul3A_80 = arith.constant 40000 : i32
    %mul3A_81 = arith.muli %add3A_79, %mul3A_80 : i32
    %mul3A_82 = arith.constant 40000 : i32
    %mul3A_83 = arith.muli %select_n3A, %mul3A_82 : i32
    %add3A_84 = arith.constant 8000 : i32
    %add3A_85 = arith.addi %mul3A_83, %add3A_84 : i32
    %dma_start3A_86 = tpu.memref_slice %arg3[%add3A_85] : memref<160000xi32, #tpu.memory_space<hbm>> -> memref<4000xi32, #tpu.memory_space<hbm>>
    %dma_start3A_87 = tpu.memref_slice %arg3[%add3A_85] : memref<160000xi32, #tpu.memory_space<hbm>> -> memref<4000xi32, #tpu.memory_space<hbm>>
    tpu.enqueue_dma source(%dma_start3A_87 : memref<4000xi32, #tpu.memory_space<hbm>>) target(%arg16 : memref<4000xi32, #tpu.memory_space<vmem>>) target_semaphore(%arg28 : memref<!tpu.dma_semaphore, #tpu.memory_space<semaphore_mem>>)
    %add3A_88 = arith.constant 8000 : i32
    %add3A_89 = arith.addi %mul3A_81, %add3A_88 : i32
    %dma_start3A_90 = tpu.memref_slice %arg2[%add3A_89] : memref<20480000xf32, #tpu.memory_space<hbm>> -> memref<4000xf32, #tpu.memory_space<hbm>>
    %dma_start3A_91 = tpu.memref_slice %arg2[%add3A_89] : memref<20480000xf32, #tpu.memory_space<hbm>> -> memref<4000xf32, #tpu.memory_space<hbm>>
    tpu.enqueue_dma source(%dma_start3A_91 : memref<4000xf32, #tpu.memory_space<hbm>>) target(%arg13 : memref<4000xf32, #tpu.memory_space<vmem>>) target_semaphore(%arg28 : memref<!tpu.dma_semaphore, #tpu.memory_space<semaphore_mem>>)
    %scan3A_92 = arith.constant 0 : i32
    %scan3A_93 = arith.constant 16 : i32
    %scan3A_94 = arith.addi %scan3A_92, %scan3A_93 : i32
    %scan3A_95 = arith.constant 1 : i32
    scf.for %scan3A_120 = %scan3A_92 to %scan3A_94 step %scan3A_95  : i32 {
      %add3A_121 = arith.addi %mul3A_32, %scan3A_120 : i32
      %gt3A = arith.constant 0 : i32
      %gt3A_122 = arith.cmpi sgt, %scan3A_120, %gt3A : i32
      %convert_element_type3A = arith.extui %gt3A_122 : i1 to i32
      %cond3A = arith.constant 0 : i32
      %cond3A_123 = arith.cmpi ne, %convert_element_type3A, %cond3A : i32
      scf.if %cond3A_123 {
        %dma_wait3A_734 = arith.constant 0 : i32
        %dma_wait3A_735 = arith.constant 0 : i32
        %dma_wait3A_736 = tpu.memref_slice %arg10[%dma_wait3A_734, %dma_wait3A_735] : memref<512x128xf32, #tpu.memory_space<vmem>> -> memref<128x128xf32, #tpu.memory_space<vmem>>
        %dma_wait3A_737 = arith.constant 0 : i32
        %dma_wait3A_738 = arith.constant 0 : i32
        %dma_wait3A_739 = tpu.memref_slice %arg9[%dma_wait3A_737, %dma_wait3A_738] : memref<262144x128xf32, #tpu.memory_space<hbm>> -> memref<262144x128xf32, #tpu.memory_space<hbm>>
        tpu.wait_indirect_dma semaphore(%arg29 : memref<!tpu.dma_semaphore, #tpu.memory_space<semaphore_mem>>) src(%dma_wait3A_736 : memref<128x128xf32, #tpu.memory_space<vmem>>) dst(%dma_wait3A_739 : memref<262144x128xf32, #tpu.memory_space<hbm>>)
        %dma_wait3A_740 = arith.constant 128 : i32
        %dma_wait3A_741 = arith.constant 0 : i32
        %dma_wait3A_742 = tpu.memref_slice %arg10[%dma_wait3A_740, %dma_wait3A_741] : memref<512x128xf32, #tpu.memory_space<vmem>> -> memref<128x128xf32, #tpu.memory_space<vmem>>
        %dma_wait3A_743 = arith.constant 0 : i32
        %dma_wait3A_744 = arith.constant 0 : i32
        %dma_wait3A_745 = tpu.memref_slice %arg9[%dma_wait3A_743, %dma_wait3A_744] : memref<262144x128xf32, #tpu.memory_space<hbm>> -> memref<262144x128xf32, #tpu.memory_space<hbm>>
        tpu.wait_indirect_dma semaphore(%arg29 : memref<!tpu.dma_semaphore, #tpu.memory_space<semaphore_mem>>) src(%dma_wait3A_742 : memref<128x128xf32, #tpu.memory_space<vmem>>) dst(%dma_wait3A_745 : memref<262144x128xf32, #tpu.memory_space<hbm>>)
        %dma_wait3A_746 = arith.constant 256 : i32
        %dma_wait3A_747 = arith.constant 0 : i32
        %dma_wait3A_748 = tpu.memref_slice %arg10[%dma_wait3A_746, %dma_wait3A_747] : memref<512x128xf32, #tpu.memory_space<vmem>> -> memref<128x128xf32, #tpu.memory_space<vmem>>
        %dma_wait3A_749 = arith.constant 0 : i32
        %dma_wait3A_750 = arith.constant 0 : i32
        %dma_wait3A_751 = tpu.memref_slice %arg9[%dma_wait3A_749, %dma_wait3A_750] : memref<262144x128xf32, #tpu.memory_space<hbm>> -> memref<262144x128xf32, #tpu.memory_space<hbm>>
        tpu.wait_indirect_dma semaphore(%arg29 : memref<!tpu.dma_semaphore, #tpu.memory_space<semaphore_mem>>) src(%dma_wait3A_748 : memref<128x128xf32, #tpu.memory_space<vmem>>) dst(%dma_wait3A_751 : memref<262144x128xf32, #tpu.memory_space<hbm>>)
        %dma_wait3A_752 = arith.constant 384 : i32
        %dma_wait3A_753 = arith.constant 0 : i32
        %dma_wait3A_754 = tpu.memref_slice %arg10[%dma_wait3A_752, %dma_wait3A_753] : memref<512x128xf32, #tpu.memory_space<vmem>> -> memref<128x128xf32, #tpu.memory_space<vmem>>
        %dma_wait3A_755 = arith.constant 0 : i32
        %dma_wait3A_756 = arith.constant 0 : i32
        %dma_wait3A_757 = tpu.memref_slice %arg9[%dma_wait3A_755, %dma_wait3A_756] : memref<262144x128xf32, #tpu.memory_space<hbm>> -> memref<262144x128xf32, #tpu.memory_space<hbm>>
        tpu.wait_indirect_dma semaphore(%arg29 : memref<!tpu.dma_semaphore, #tpu.memory_space<semaphore_mem>>) src(%dma_wait3A_754 : memref<128x128xf32, #tpu.memory_space<vmem>>) dst(%dma_wait3A_757 : memref<262144x128xf32, #tpu.memory_space<hbm>>)
      } else {
      }
      %dma_wait3A_124 = arith.constant 0 : i32
      %dma_wait3A_125 = tpu.memref_slice %arg3[%dma_wait3A_124] : memref<160000xi32, #tpu.memory_space<hbm>> -> memref<4000xi32, #tpu.memory_space<hbm>>
      %dma_wait3A_126 = arith.constant 0 : i32
      %dma_wait3A_127 = tpu.memref_slice %arg3[%dma_wait3A_126] : memref<160000xi32, #tpu.memory_space<hbm>> -> memref<4000xi32, #tpu.memory_space<hbm>>
      tpu.wait_dma2 semaphore(%arg26 : memref<!tpu.dma_semaphore, #tpu.memory_space<semaphore_mem>>) src(%dma_wait3A_127 : memref<4000xi32, #tpu.memory_space<hbm>>) dst(%arg14 : memref<4000xi32, #tpu.memory_space<vmem>>)
      %dma_wait3A_128 = arith.constant 0 : i32
      %dma_wait3A_129 = tpu.memref_slice %arg2[%dma_wait3A_128] : memref<20480000xf32, #tpu.memory_space<hbm>> -> memref<4000xf32, #tpu.memory_space<hbm>>
      %dma_wait3A_130 = arith.constant 0 : i32
      %dma_wait3A_131 = tpu.memref_slice %arg2[%dma_wait3A_130] : memref<20480000xf32, #tpu.memory_space<hbm>> -> memref<4000xf32, #tpu.memory_space<hbm>>
      tpu.wait_dma2 semaphore(%arg26 : memref<!tpu.dma_semaphore, #tpu.memory_space<semaphore_mem>>) src(%dma_wait3A_131 : memref<4000xf32, #tpu.memory_space<hbm>>) dst(%arg11 : memref<4000xf32, #tpu.memory_space<vmem>>)
      %scan3A_132 = arith.constant 0 : i32
      %scan3A_133 = arith.constant 25 : i32
      %scan3A_134 = arith.addi %scan3A_132, %scan3A_133 : i32
      %scan3A_135 = arith.constant 1 : i32
      scf.for %scan3A_734 = %scan3A_132 to %scan3A_134 step %scan3A_135  : i32 {
        %mul3A_735 = arith.constant 10 : i32
        %mul3A_736 = arith.muli %scan3A_734, %mul3A_735 : i32
        %mul3A_737 = arith.constant 16 : i32
        %mul3A_738 = arith.muli %mul3A_736, %mul3A_737 : i32
        %add3A_739 = arith.constant 0 : i32
        %add3A_740 = arith.addi %mul3A_738, %add3A_739 : i32
        %get3A = arith.index_cast %add3A_740 : i32 to index
        %get3A_741 = tpu.vector_load %arg14[%get3A] {strides = array<i32>} : memref<4000xi32, #tpu.memory_space<vmem>>, vector<16xi32>,
        %shift_right_logical3A = arith.constant 7 : i32
        %shift_right_logical3A_742 = vector.broadcast %shift_right_logical3A : i32 to vector<16xi32>
        %shift_right_logical3A_743 = arith.shrui %get3A_741, %shift_right_logical3A_742 : vector<16xi32>
        %and3A_744 = arith.constant 127 : i32
        %and3A_745 = vector.broadcast %and3A_744 : i32 to vector<16xi32>
        %and3A_746 = arith.andi %get3A_741, %and3A_745 : vector<16xi32>
        %get3A_747 = arith.index_cast %add3A_740 : i32 to index
        %get3A_748 = tpu.vector_load %arg11[%get3A_747] {strides = array<i32>} : memref<4000xf32, #tpu.memory_space<vmem>>, vector<16xf32>,
        tpu.vector_store_idx %arg10[%shift_right_logical3A_743, %and3A_746], %get3A_748 : memref<512x128xf32, #tpu.memory_space<vmem>>[vector<16xi32>, vector<16xi32>], vector<16xf32>,
        %mul3A_749 = arith.constant 10 : i32
        %mul3A_750 = arith.muli %scan3A_734, %mul3A_749 : i32
        %mul3A_751 = arith.constant 16 : i32
        %mul3A_752 = arith.muli %mul3A_750, %mul3A_751 : i32
        %add3A_753 = arith.constant 16 : i32
        %add3A_754 = arith.addi %mul3A_752, %add3A_753 : i32
        %get3A_755 = arith.index_cast %add3A_754 : i32 to index
        %get3A_756 = tpu.vector_load %arg14[%get3A_755] {strides = array<i32>} : memref<4000xi32, #tpu.memory_space<vmem>>, vector<16xi32>,
        %shift_right_logical3A_757 = arith.constant 7 : i32
        %shift_right_logical3A_758 = vector.broadcast %shift_right_logical3A_757 : i32 to vector<16xi32>
        %shift_right_logical3A_759 = arith.shrui %get3A_756, %shift_right_logical3A_758 : vector<16xi32>
        %and3A_760 = arith.constant 127 : i32
        %and3A_761 = vector.broadcast %and3A_760 : i32 to vector<16xi32>
        %and3A_762 = arith.andi %get3A_756, %and3A_761 : vector<16xi32>
        %get3A_763 = arith.index_cast %add3A_754 : i32 to index
        %get3A_764 = tpu.vector_load %arg11[%get3A_763] {strides = array<i32>} : memref<4000xf32, #tpu.memory_space<vmem>>, vector<16xf32>,
        tpu.vector_store_idx %arg10[%shift_right_logical3A_759, %and3A_762], %get3A_764 : memref<512x128xf32, #tpu.memory_space<vmem>>[vector<16xi32>, vector<16xi32>], vector<16xf32>,
        %mul3A_765 = arith.constant 10 : i32
        %mul3A_766 = arith.muli %scan3A_734, %mul3A_765 : i32
        %mul3A_767 = arith.constant 16 : i32
        %mul3A_768 = arith.muli %mul3A_766, %mul3A_767 : i32
        %add3A_769 = arith.constant 32 : i32
        %add3A_770 = arith.addi %mul3A_768, %add3A_769 : i32
        %get3A_771 = arith.index_cast %add3A_770 : i32 to index
        %get3A_772 = tpu.vector_load %arg14[%get3A_771] {strides = array<i32>} : memref<4000xi32, #tpu.memory_space<vmem>>, vector<16xi32>,
        %shift_right_logical3A_773 = arith.constant 7 : i32
        %shift_right_logical3A_774 = vector.broadcast %shift_right_logical3A_773 : i32 to vector<16xi32>
        %shift_right_logical3A_775 = arith.shrui %get3A_772, %shift_right_logical3A_774 : vector<16xi32>
        %and3A_776 = arith.constant 127 : i32
        %and3A_777 = vector.broadcast %and3A_776 : i32 to vector<16xi32>
        %and3A_778 = arith.andi %get3A_772, %and3A_777 : vector<16xi32>
        %get3A_779 = arith.index_cast %add3A_770 : i32 to index
        %get3A_780 = tpu.vector_load %arg11[%get3A_779] {strides = array<i32>} : memref<4000xf32, #tpu.memory_space<vmem>>, vector<16xf32>,
        tpu.vector_store_idx %arg10[%shift_right_logical3A_775, %and3A_778], %get3A_780 : memref<512x128xf32, #tpu.memory_space<vmem>>[vector<16xi32>, vector<16xi32>], vector<16xf32>,
        %mul3A_781 = arith.constant 10 : i32
        %mul3A_782 = arith.muli %scan3A_734, %mul3A_781 : i32
        %mul3A_783 = arith.constant 16 : i32
        %mul3A_784 = arith.muli %mul3A_782, %mul3A_783 : i32
        %add3A_785 = arith.constant 48 : i32
        %add3A_786 = arith.addi %mul3A_784, %add3A_785 : i32
        %get3A_787 = arith.index_cast %add3A_786 : i32 to index
        %get3A_788 = tpu.vector_load %arg14[%get3A_787] {strides = array<i32>} : memref<4000xi32, #tpu.memory_space<vmem>>, vector<16xi32>,
        %shift_right_logical3A_789 = arith.constant 7 : i32
        %shift_right_logical3A_790 = vector.broadcast %shift_right_logical3A_789 : i32 to vector<16xi32>
        %shift_right_logical3A_791 = arith.shrui %get3A_788, %shift_right_logical3A_790 : vector<16xi32>
        %and3A_792 = arith.constant 127 : i32
        %and3A_793 = vector.broadcast %and3A_792 : i32 to vector<16xi32>
        %and3A_794 = arith.andi %get3A_788, %and3A_793 : vector<16xi32>
        %get3A_795 = arith.index_cast %add3A_786 : i32 to index
        %get3A_796 = tpu.vector_load %arg11[%get3A_795] {strides = array<i32>} : memref<4000xf32, #tpu.memory_space<vmem>>, vector<16xf32>,
        tpu.vector_store_idx %arg10[%shift_right_logical3A_791, %and3A_794], %get3A_796 : memref<512x128xf32, #tpu.memory_space<vmem>>[vector<16xi32>, vector<16xi32>], vector<16xf32>,
        %mul3A_797 = arith.constant 10 : i32
        %mul3A_798 = arith.muli %scan3A_734, %mul3A_797 : i32
        %mul3A_799 = arith.constant 16 : i32
        %mul3A_800 = arith.muli %mul3A_798, %mul3A_799 : i32
        %add3A_801 = arith.constant 64 : i32
        %add3A_802 = arith.addi %mul3A_800, %add3A_801 : i32
        %get3A_803 = arith.index_cast %add3A_802 : i32 to index
        %get3A_804 = tpu.vector_load %arg14[%get3A_803] {strides = array<i32>} : memref<4000xi32, #tpu.memory_space<vmem>>, vector<16xi32>,
        %shift_right_logical3A_805 = arith.constant 7 : i32
        %shift_right_logical3A_806 = vector.broadcast %shift_right_logical3A_805 : i32 to vector<16xi32>
        %shift_right_logical3A_807 = arith.shrui %get3A_804, %shift_right_logical3A_806 : vector<16xi32>
        %and3A_808 = arith.constant 127 : i32
        %and3A_809 = vector.broadcast %and3A_808 : i32 to vector<16xi32>
        %and3A_810 = arith.andi %get3A_804, %and3A_809 : vector<16xi32>
        %get3A_811 = arith.index_cast %add3A_802 : i32 to index
        %get3A_812 = tpu.vector_load %arg11[%get3A_811] {strides = array<i32>} : memref<4000xf32, #tpu.memory_space<vmem>>, vector<16xf32>,
        tpu.vector_store_idx %arg10[%shift_right_logical3A_807, %and3A_810], %get3A_812 : memref<512x128xf32, #tpu.memory_space<vmem>>[vector<16xi32>, vector<16xi32>], vector<16xf32>,
        %mul3A_813 = arith.constant 10 : i32
        %mul3A_814 = arith.muli %scan3A_734, %mul3A_813 : i32
        %mul3A_815 = arith.constant 16 : i32
        %mul3A_816 = arith.muli %mul3A_814, %mul3A_815 : i32
        %add3A_817 = arith.constant 80 : i32
        %add3A_818 = arith.addi %mul3A_816, %add3A_817 : i32
        %get3A_819 = arith.index_cast %add3A_818 : i32 to index
        %get3A_820 = tpu.vector_load %arg14[%get3A_819] {strides = array<i32>} : memref<4000xi32, #tpu.memory_space<vmem>>, vector<16xi32>,
        %shift_right_logical3A_821 = arith.constant 7 : i32
        %shift_right_logical3A_822 = vector.broadcast %shift_right_logical3A_821 : i32 to vector<16xi32>
        %shift_right_logical3A_823 = arith.shrui %get3A_820, %shift_right_logical3A_822 : vector<16xi32>
        %and3A_824 = arith.constant 127 : i32
        %and3A_825 = vector.broadcast %and3A_824 : i32 to vector<16xi32>
        %and3A_826 = arith.andi %get3A_820, %and3A_825 : vector<16xi32>
        %get3A_827 = arith.index_cast %add3A_818 : i32 to index
        %get3A_828 = tpu.vector_load %arg11[%get3A_827] {strides = array<i32>} : memref<4000xf32, #tpu.memory_space<vmem>>, vector<16xf32>,
        tpu.vector_store_idx %arg10[%shift_right_logical3A_823, %and3A_826], %get3A_828 : memref<512x128xf32, #tpu.memory_space<vmem>>[vector<16xi32>, vector<16xi32>], vector<16xf32>,
        %mul3A_829 = arith.constant 10 : i32
        %mul3A_830 = arith.muli %scan3A_734, %mul3A_829 : i32
        %mul3A_831 = arith.constant 16 : i32
        %mul3A_832 = arith.muli %mul3A_830, %mul3A_831 : i32
        %add3A_833 = arith.constant 96 : i32
        %add3A_834 = arith.addi %mul3A_832, %add3A_833 : i32
        %get3A_835 = arith.index_cast %add3A_834 : i32 to index
        %get3A_836 = tpu.vector_load %arg14[%get3A_835] {strides = array<i32>} : memref<4000xi32, #tpu.memory_space<vmem>>, vector<16xi32>,
        %shift_right_logical3A_837 = arith.constant 7 : i32
        %shift_right_logical3A_838 = vector.broadcast %shift_right_logical3A_837 : i32 to vector<16xi32>
        %shift_right_logical3A_839 = arith.shrui %get3A_836, %shift_right_logical3A_838 : vector<16xi32>
        %and3A_840 = arith.constant 127 : i32
        %and3A_841 = vector.broadcast %and3A_840 : i32 to vector<16xi32>
        %and3A_842 = arith.andi %get3A_836, %and3A_841 : vector<16xi32>
        %get3A_843 = arith.index_cast %add3A_834 : i32 to index
        %get3A_844 = tpu.vector_load %arg11[%get3A_843] {strides = array<i32>} : memref<4000xf32, #tpu.memory_space<vmem>>, vector<16xf32>,
        tpu.vector_store_idx %arg10[%shift_right_logical3A_839, %and3A_842], %get3A_844 : memref<512x128xf32, #tpu.memory_space<vmem>>[vector<16xi32>, vector<16xi32>], vector<16xf32>,
        %mul3A_845 = arith.constant 10 : i32
        %mul3A_846 = arith.muli %scan3A_734, %mul3A_845 : i32
        %mul3A_847 = arith.constant 16 : i32
        %mul3A_848 = arith.muli %mul3A_846, %mul3A_847 : i32
        %add3A_849 = arith.constant 112 : i32
        %add3A_850 = arith.addi %mul3A_848, %add3A_849 : i32
        %get3A_851 = arith.index_cast %add3A_850 : i32 to index
        %get3A_852 = tpu.vector_load %arg14[%get3A_851] {strides = array<i32>} : memref<4000xi32, #tpu.memory_space<vmem>>, vector<16xi32>,
        %shift_right_logical3A_853 = arith.constant 7 : i32
        %shift_right_logical3A_854 = vector.broadcast %shift_right_logical3A_853 : i32 to vector<16xi32>
        %shift_right_logical3A_855 = arith.shrui %get3A_852, %shift_right_logical3A_854 : vector<16xi32>
        %and3A_856 = arith.constant 127 : i32
        %and3A_857 = vector.broadcast %and3A_856 : i32 to vector<16xi32>
        %and3A_858 = arith.andi %get3A_852, %and3A_857 : vector<16xi32>
        %get3A_859 = arith.index_cast %add3A_850 : i32 to index
        %get3A_860 = tpu.vector_load %arg11[%get3A_859] {strides = array<i32>} : memref<4000xf32, #tpu.memory_space<vmem>>, vector<16xf32>,
        tpu.vector_store_idx %arg10[%shift_right_logical3A_855, %and3A_858], %get3A_860 : memref<512x128xf32, #tpu.memory_space<vmem>>[vector<16xi32>, vector<16xi32>], vector<16xf32>,
        %mul3A_861 = arith.constant 10 : i32
        %mul3A_862 = arith.muli %scan3A_734, %mul3A_861 : i32
        %mul3A_863 = arith.constant 16 : i32
        %mul3A_864 = arith.muli %mul3A_862, %mul3A_863 : i32
        %add3A_865 = arith.constant 128 : i32
        %add3A_866 = arith.addi %mul3A_864, %add3A_865 : i32
        %get3A_867 = arith.index_cast %add3A_866 : i32 to index
        %get3A_868 = tpu.vector_load %arg14[%get3A_867] {strides = array<i32>} : memref<4000xi32, #tpu.memory_space<vmem>>, vector<16xi32>,
        %shift_right_logical3A_869 = arith.constant 7 : i32
        %shift_right_logical3A_870 = vector.broadcast %shift_right_logical3A_869 : i32 to vector<16xi32>
        %shift_right_logical3A_871 = arith.shrui %get3A_868, %shift_right_logical3A_870 : vector<16xi32>
        %and3A_872 = arith.constant 127 : i32
        %and3A_873 = vector.broadcast %and3A_872 : i32 to vector<16xi32>
        %and3A_874 = arith.andi %get3A_868, %and3A_873 : vector<16xi32>
        %get3A_875 = arith.index_cast %add3A_866 : i32 to index
        %get3A_876 = tpu.vector_load %arg11[%get3A_875] {strides = array<i32>} : memref<4000xf32, #tpu.memory_space<vmem>>, vector<16xf32>,
        tpu.vector_store_idx %arg10[%shift_right_logical3A_871, %and3A_874], %get3A_876 : memref<512x128xf32, #tpu.memory_space<vmem>>[vector<16xi32>, vector<16xi32>], vector<16xf32>,
        %mul3A_877 = arith.constant 10 : i32
        %mul3A_878 = arith.muli %scan3A_734, %mul3A_877 : i32
        %mul3A_879 = arith.constant 16 : i32
        %mul3A_880 = arith.muli %mul3A_878, %mul3A_879 : i32
        %add3A_881 = arith.constant 144 : i32
        %add3A_882 = arith.addi %mul3A_880, %add3A_881 : i32
        %get3A_883 = arith.index_cast %add3A_882 : i32 to index
        %get3A_884 = tpu.vector_load %arg14[%get3A_883] {strides = array<i32>} : memref<4000xi32, #tpu.memory_space<vmem>>, vector<16xi32>,
        %shift_right_logical3A_885 = arith.constant 7 : i32
        %shift_right_logical3A_886 = vector.broadcast %shift_right_logical3A_885 : i32 to vector<16xi32>
        %shift_right_logical3A_887 = arith.shrui %get3A_884, %shift_right_logical3A_886 : vector<16xi32>
        %and3A_888 = arith.constant 127 : i32
        %and3A_889 = vector.broadcast %and3A_888 : i32 to vector<16xi32>
        %and3A_890 = arith.andi %get3A_884, %and3A_889 : vector<16xi32>
        %get3A_891 = arith.index_cast %add3A_882 : i32 to index
        %get3A_892 = tpu.vector_load %arg11[%get3A_891] {strides = array<i32>} : memref<4000xf32, #tpu.memory_space<vmem>>, vector<16xf32>,
        tpu.vector_store_idx %arg10[%shift_right_logical3A_887, %and3A_890], %get3A_892 : memref<512x128xf32, #tpu.memory_space<vmem>>[vector<16xi32>, vector<16xi32>], vector<16xf32>,
      }
      %scan3A_136 = arith.constant 25 : i32
      %mul3A_137 = arith.constant 128 : i32
      %mul3A_138 = arith.muli %select_n3A, %mul3A_137 : i32
      %add3A_139 = arith.addi %mul3A_138, %add3A_121 : i32
      %mul3A_140 = arith.constant 40000 : i32
      %mul3A_141 = arith.muli %add3A_139, %mul3A_140 : i32
      %mul3A_142 = arith.constant 40000 : i32
      %mul3A_143 = arith.muli %select_n3A, %mul3A_142 : i32
      %add3A_144 = arith.constant 12000 : i32
      %add3A_145 = arith.addi %mul3A_143, %add3A_144 : i32
      %dma_start3A_146 = tpu.memref_slice %arg3[%add3A_145] : memref<160000xi32, #tpu.memory_space<hbm>> -> memref<4000xi32, #tpu.memory_space<hbm>>
      %dma_start3A_147 = tpu.memref_slice %arg3[%add3A_145] : memref<160000xi32, #tpu.memory_space<hbm>> -> memref<4000xi32, #tpu.memory_space<hbm>>
      tpu.enqueue_dma source(%dma_start3A_147 : memref<4000xi32, #tpu.memory_space<hbm>>) target(%arg14 : memref<4000xi32, #tpu.memory_space<vmem>>) target_semaphore(%arg26 : memref<!tpu.dma_semaphore, #tpu.memory_space<semaphore_mem>>)
      %add3A_148 = arith.constant 12000 : i32
      %add3A_149 = arith.addi %mul3A_141, %add3A_148 : i32
      %dma_start3A_150 = tpu.memref_slice %arg2[%add3A_149] : memref<20480000xf32, #tpu.memory_space<hbm>> -> memref<4000xf32, #tpu.memory_space<hbm>>
      %dma_start3A_151 = tpu.memref_slice %arg2[%add3A_149] : memref<20480000xf32, #tpu.memory_space<hbm>> -> memref<4000xf32, #tpu.memory_space<hbm>>
      tpu.enqueue_dma source(%dma_start3A_151 : memref<4000xf32, #tpu.memory_space<hbm>>) target(%arg11 : memref<4000xf32, #tpu.memory_space<vmem>>) target_semaphore(%arg26 : memref<!tpu.dma_semaphore, #tpu.memory_space<semaphore_mem>>)
      %dma_wait3A_152 = arith.constant 0 : i32
      %dma_wait3A_153 = tpu.memref_slice %arg3[%dma_wait3A_152] : memref<160000xi32, #tpu.memory_space<hbm>> -> memref<4000xi32, #tpu.memory_space<hbm>>
      %dma_wait3A_154 = arith.constant 0 : i32
      %dma_wait3A_155 = tpu.memref_slice %arg3[%dma_wait3A_154] : memref<160000xi32, #tpu.memory_space<hbm>> -> memref<4000xi32, #tpu.memory_space<hbm>>
      tpu.wait_dma2 semaphore(%arg27 : memref<!tpu.dma_semaphore, #tpu.memory_space<semaphore_mem>>) src(%dma_wait3A_155 : memref<4000xi32, #tpu.memory_space<hbm>>) dst(%arg15 : memref<4000xi32, #tpu.memory_space<vmem>>)
      %dma_wait3A_156 = arith.constant 0 : i32
      %dma_wait3A_157 = tpu.memref_slice %arg2[%dma_wait3A_156] : memref<20480000xf32, #tpu.memory_space<hbm>> -> memref<4000xf32, #tpu.memory_space<hbm>>
      %dma_wait3A_158 = arith.constant 0 : i32
      %dma_wait3A_159 = tpu.memref_slice %arg2[%dma_wait3A_158] : memref<20480000xf32, #tpu.memory_space<hbm>> -> memref<4000xf32, #tpu.memory_space<hbm>>
      tpu.wait_dma2 semaphore(%arg27 : memref<!tpu.dma_semaphore, #tpu.memory_space<semaphore_mem>>) src(%dma_wait3A_159 : memref<4000xf32, #tpu.memory_space<hbm>>) dst(%arg12 : memref<4000xf32, #tpu.memory_space<vmem>>)
      %scan3A_160 = arith.constant 0 : i32
      %scan3A_161 = arith.constant 25 : i32
      %scan3A_162 = arith.addi %scan3A_160, %scan3A_161 : i32
      %scan3A_163 = arith.constant 1 : i32
      scf.for %scan3A_734 = %scan3A_160 to %scan3A_162 step %scan3A_163  : i32 {
        %mul3A_735 = arith.constant 10 : i32
        %mul3A_736 = arith.muli %scan3A_734, %mul3A_735 : i32
        %mul3A_737 = arith.constant 16 : i32
        %mul3A_738 = arith.muli %mul3A_736, %mul3A_737 : i32
        %add3A_739 = arith.constant 0 : i32
        %add3A_740 = arith.addi %mul3A_738, %add3A_739 : i32
        %get3A = arith.index_cast %add3A_740 : i32 to index
        %get3A_741 = tpu.vector_load %arg15[%get3A] {strides = array<i32>} : memref<4000xi32, #tpu.memory_space<vmem>>, vector<16xi32>,
        %shift_right_logical3A = arith.constant 7 : i32
        %shift_right_logical3A_742 = vector.broadcast %shift_right_logical3A : i32 to vector<16xi32>
        %shift_right_logical3A_743 = arith.shrui %get3A_741, %shift_right_logical3A_742 : vector<16xi32>
        %and3A_744 = arith.constant 127 : i32
        %and3A_745 = vector.broadcast %and3A_744 : i32 to vector<16xi32>
        %and3A_746 = arith.andi %get3A_741, %and3A_745 : vector<16xi32>
        %get3A_747 = arith.index_cast %add3A_740 : i32 to index
        %get3A_748 = tpu.vector_load %arg12[%get3A_747] {strides = array<i32>} : memref<4000xf32, #tpu.memory_space<vmem>>, vector<16xf32>,
        tpu.vector_store_idx %arg10[%shift_right_logical3A_743, %and3A_746], %get3A_748 : memref<512x128xf32, #tpu.memory_space<vmem>>[vector<16xi32>, vector<16xi32>], vector<16xf32>,
        %mul3A_749 = arith.constant 10 : i32
        %mul3A_750 = arith.muli %scan3A_734, %mul3A_749 : i32
        %mul3A_751 = arith.constant 16 : i32
        %mul3A_752 = arith.muli %mul3A_750, %mul3A_751 : i32
        %add3A_753 = arith.constant 16 : i32
        %add3A_754 = arith.addi %mul3A_752, %add3A_753 : i32
        %get3A_755 = arith.index_cast %add3A_754 : i32 to index
        %get3A_756 = tpu.vector_load %arg15[%get3A_755] {strides = array<i32>} : memref<4000xi32, #tpu.memory_space<vmem>>, vector<16xi32>,
        %shift_right_logical3A_757 = arith.constant 7 : i32
        %shift_right_logical3A_758 = vector.broadcast %shift_right_logical3A_757 : i32 to vector<16xi32>
        %shift_right_logical3A_759 = arith.shrui %get3A_756, %shift_right_logical3A_758 : vector<16xi32>
        %and3A_760 = arith.constant 127 : i32
        %and3A_761 = vector.broadcast %and3A_760 : i32 to vector<16xi32>
        %and3A_762 = arith.andi %get3A_756, %and3A_761 : vector<16xi32>
        %get3A_763 = arith.index_cast %add3A_754 : i32 to index
        %get3A_764 = tpu.vector_load %arg12[%get3A_763] {strides = array<i32>} : memref<4000xf32, #tpu.memory_space<vmem>>, vector<16xf32>,
        tpu.vector_store_idx %arg10[%shift_right_logical3A_759, %and3A_762], %get3A_764 : memref<512x128xf32, #tpu.memory_space<vmem>>[vector<16xi32>, vector<16xi32>], vector<16xf32>,
        %mul3A_765 = arith.constant 10 : i32
        %mul3A_766 = arith.muli %scan3A_734, %mul3A_765 : i32
        %mul3A_767 = arith.constant 16 : i32
        %mul3A_768 = arith.muli %mul3A_766, %mul3A_767 : i32
        %add3A_769 = arith.constant 32 : i32
        %add3A_770 = arith.addi %mul3A_768, %add3A_769 : i32
        %get3A_771 = arith.index_cast %add3A_770 : i32 to index
        %get3A_772 = tpu.vector_load %arg15[%get3A_771] {strides = array<i32>} : memref<4000xi32, #tpu.memory_space<vmem>>, vector<16xi32>,
        %shift_right_logical3A_773 = arith.constant 7 : i32
        %shift_right_logical3A_774 = vector.broadcast %shift_right_logical3A_773 : i32 to vector<16xi32>
        %shift_right_logical3A_775 = arith.shrui %get3A_772, %shift_right_logical3A_774 : vector<16xi32>
        %and3A_776 = arith.constant 127 : i32
        %and3A_777 = vector.broadcast %and3A_776 : i32 to vector<16xi32>
        %and3A_778 = arith.andi %get3A_772, %and3A_777 : vector<16xi32>
        %get3A_779 = arith.index_cast %add3A_770 : i32 to index
        %get3A_780 = tpu.vector_load %arg12[%get3A_779] {strides = array<i32>} : memref<4000xf32, #tpu.memory_space<vmem>>, vector<16xf32>,
        tpu.vector_store_idx %arg10[%shift_right_logical3A_775, %and3A_778], %get3A_780 : memref<512x128xf32, #tpu.memory_space<vmem>>[vector<16xi32>, vector<16xi32>], vector<16xf32>,
        %mul3A_781 = arith.constant 10 : i32
        %mul3A_782 = arith.muli %scan3A_734, %mul3A_781 : i32
        %mul3A_783 = arith.constant 16 : i32
        %mul3A_784 = arith.muli %mul3A_782, %mul3A_783 : i32
        %add3A_785 = arith.constant 48 : i32
        %add3A_786 = arith.addi %mul3A_784, %add3A_785 : i32
        %get3A_787 = arith.index_cast %add3A_786 : i32 to index
        %get3A_788 = tpu.vector_load %arg15[%get3A_787] {strides = array<i32>} : memref<4000xi32, #tpu.memory_space<vmem>>, vector<16xi32>,
        %shift_right_logical3A_789 = arith.constant 7 : i32
        %shift_right_logical3A_790 = vector.broadcast %shift_right_logical3A_789 : i32 to vector<16xi32>
        %shift_right_logical3A_791 = arith.shrui %get3A_788, %shift_right_logical3A_790 : vector<16xi32>
        %and3A_792 = arith.constant 127 : i32
        %and3A_793 = vector.broadcast %and3A_792 : i32 to vector<16xi32>
        %and3A_794 = arith.andi %get3A_788, %and3A_793 : vector<16xi32>
        %get3A_795 = arith.index_cast %add3A_786 : i32 to index
        %get3A_796 = tpu.vector_load %arg12[%get3A_795] {strides = array<i32>} : memref<4000xf32, #tpu.memory_space<vmem>>, vector<16xf32>,
        tpu.vector_store_idx %arg10[%shift_right_logical3A_791, %and3A_794], %get3A_796 : memref<512x128xf32, #tpu.memory_space<vmem>>[vector<16xi32>, vector<16xi32>], vector<16xf32>,
        %mul3A_797 = arith.constant 10 : i32
        %mul3A_798 = arith.muli %scan3A_734, %mul3A_797 : i32
        %mul3A_799 = arith.constant 16 : i32
        %mul3A_800 = arith.muli %mul3A_798, %mul3A_799 : i32
        %add3A_801 = arith.constant 64 : i32
        %add3A_802 = arith.addi %mul3A_800, %add3A_801 : i32
        %get3A_803 = arith.index_cast %add3A_802 : i32 to index
        %get3A_804 = tpu.vector_load %arg15[%get3A_803] {strides = array<i32>} : memref<4000xi32, #tpu.memory_space<vmem>>, vector<16xi32>,
        %shift_right_logical3A_805 = arith.constant 7 : i32
        %shift_right_logical3A_806 = vector.broadcast %shift_right_logical3A_805 : i32 to vector<16xi32>
        %shift_right_logical3A_807 = arith.shrui %get3A_804, %shift_right_logical3A_806 : vector<16xi32>
        %and3A_808 = arith.constant 127 : i32
        %and3A_809 = vector.broadcast %and3A_808 : i32 to vector<16xi32>
        %and3A_810 = arith.andi %get3A_804, %and3A_809 : vector<16xi32>
        %get3A_811 = arith.index_cast %add3A_802 : i32 to index
        %get3A_812 = tpu.vector_load %arg12[%get3A_811] {strides = array<i32>} : memref<4000xf32, #tpu.memory_space<vmem>>, vector<16xf32>,
        tpu.vector_store_idx %arg10[%shift_right_logical3A_807, %and3A_810], %get3A_812 : memref<512x128xf32, #tpu.memory_space<vmem>>[vector<16xi32>, vector<16xi32>], vector<16xf32>,
        %mul3A_813 = arith.constant 10 : i32
        %mul3A_814 = arith.muli %scan3A_734, %mul3A_813 : i32
        %mul3A_815 = arith.constant 16 : i32
        %mul3A_816 = arith.muli %mul3A_814, %mul3A_815 : i32
        %add3A_817 = arith.constant 80 : i32
        %add3A_818 = arith.addi %mul3A_816, %add3A_817 : i32
        %get3A_819 = arith.index_cast %add3A_818 : i32 to index
        %get3A_820 = tpu.vector_load %arg15[%get3A_819] {strides = array<i32>} : memref<4000xi32, #tpu.memory_space<vmem>>, vector<16xi32>,
        %shift_right_logical3A_821 = arith.constant 7 : i32
        %shift_right_logical3A_822 = vector.broadcast %shift_right_logical3A_821 : i32 to vector<16xi32>
        %shift_right_logical3A_823 = arith.shrui %get3A_820, %shift_right_logical3A_822 : vector<16xi32>
        %and3A_824 = arith.constant 127 : i32
        %and3A_825 = vector.broadcast %and3A_824 : i32 to vector<16xi32>
        %and3A_826 = arith.andi %get3A_820, %and3A_825 : vector<16xi32>
        %get3A_827 = arith.index_cast %add3A_818 : i32 to index
        %get3A_828 = tpu.vector_load %arg12[%get3A_827] {strides = array<i32>} : memref<4000xf32, #tpu.memory_space<vmem>>, vector<16xf32>,
        tpu.vector_store_idx %arg10[%shift_right_logical3A_823, %and3A_826], %get3A_828 : memref<512x128xf32, #tpu.memory_space<vmem>>[vector<16xi32>, vector<16xi32>], vector<16xf32>,
        %mul3A_829 = arith.constant 10 : i32
        %mul3A_830 = arith.muli %scan3A_734, %mul3A_829 : i32
        %mul3A_831 = arith.constant 16 : i32
        %mul3A_832 = arith.muli %mul3A_830, %mul3A_831 : i32
        %add3A_833 = arith.constant 96 : i32
        %add3A_834 = arith.addi %mul3A_832, %add3A_833 : i32
        %get3A_835 = arith.index_cast %add3A_834 : i32 to index
        %get3A_836 = tpu.vector_load %arg15[%get3A_835] {strides = array<i32>} : memref<4000xi32, #tpu.memory_space<vmem>>, vector<16xi32>,
        %shift_right_logical3A_837 = arith.constant 7 : i32
        %shift_right_logical3A_838 = vector.broadcast %shift_right_logical3A_837 : i32 to vector<16xi32>
        %shift_right_logical3A_839 = arith.shrui %get3A_836, %shift_right_logical3A_838 : vector<16xi32>
        %and3A_840 = arith.constant 127 : i32
        %and3A_841 = vector.broadcast %and3A_840 : i32 to vector<16xi32>
        %and3A_842 = arith.andi %get3A_836, %and3A_841 : vector<16xi32>
        %get3A_843 = arith.index_cast %add3A_834 : i32 to index
        %get3A_844 = tpu.vector_load %arg12[%get3A_843] {strides = array<i32>} : memref<4000xf32, #tpu.memory_space<vmem>>, vector<16xf32>,
        tpu.vector_store_idx %arg10[%shift_right_logical3A_839, %and3A_842], %get3A_844 : memref<512x128xf32, #tpu.memory_space<vmem>>[vector<16xi32>, vector<16xi32>], vector<16xf32>,
        %mul3A_845 = arith.constant 10 : i32
        %mul3A_846 = arith.muli %scan3A_734, %mul3A_845 : i32
        %mul3A_847 = arith.constant 16 : i32
        %mul3A_848 = arith.muli %mul3A_846, %mul3A_847 : i32
        %add3A_849 = arith.constant 112 : i32
        %add3A_850 = arith.addi %mul3A_848, %add3A_849 : i32
        %get3A_851 = arith.index_cast %add3A_850 : i32 to index
        %get3A_852 = tpu.vector_load %arg15[%get3A_851] {strides = array<i32>} : memref<4000xi32, #tpu.memory_space<vmem>>, vector<16xi32>,
        %shift_right_logical3A_853 = arith.constant 7 : i32
        %shift_right_logical3A_854 = vector.broadcast %shift_right_logical3A_853 : i32 to vector<16xi32>
        %shift_right_logical3A_855 = arith.shrui %get3A_852, %shift_right_logical3A_854 : vector<16xi32>
        %and3A_856 = arith.constant 127 : i32
        %and3A_857 = vector.broadcast %and3A_856 : i32 to vector<16xi32>
        %and3A_858 = arith.andi %get3A_852, %and3A_857 : vector<16xi32>
        %get3A_859 = arith.index_cast %add3A_850 : i32 to index
        %get3A_860 = tpu.vector_load %arg12[%get3A_859] {strides = array<i32>} : memref<4000xf32, #tpu.memory_space<vmem>>, vector<16xf32>,
        tpu.vector_store_idx %arg10[%shift_right_logical3A_855, %and3A_858], %get3A_860 : memref<512x128xf32, #tpu.memory_space<vmem>>[vector<16xi32>, vector<16xi32>], vector<16xf32>,
        %mul3A_861 = arith.constant 10 : i32
        %mul3A_862 = arith.muli %scan3A_734, %mul3A_861 : i32
        %mul3A_863 = arith.constant 16 : i32
        %mul3A_864 = arith.muli %mul3A_862, %mul3A_863 : i32
        %add3A_865 = arith.constant 128 : i32
        %add3A_866 = arith.addi %mul3A_864, %add3A_865 : i32
        %get3A_867 = arith.index_cast %add3A_866 : i32 to index
        %get3A_868 = tpu.vector_load %arg15[%get3A_867] {strides = array<i32>} : memref<4000xi32, #tpu.memory_space<vmem>>, vector<16xi32>,
        %shift_right_logical3A_869 = arith.constant 7 : i32
        %shift_right_logical3A_870 = vector.broadcast %shift_right_logical3A_869 : i32 to vector<16xi32>
        %shift_right_logical3A_871 = arith.shrui %get3A_868, %shift_right_logical3A_870 : vector<16xi32>
        %and3A_872 = arith.constant 127 : i32
        %and3A_873 = vector.broadcast %and3A_872 : i32 to vector<16xi32>
        %and3A_874 = arith.andi %get3A_868, %and3A_873 : vector<16xi32>
        %get3A_875 = arith.index_cast %add3A_866 : i32 to index
        %get3A_876 = tpu.vector_load %arg12[%get3A_875] {strides = array<i32>} : memref<4000xf32, #tpu.memory_space<vmem>>, vector<16xf32>,
        tpu.vector_store_idx %arg10[%shift_right_logical3A_871, %and3A_874], %get3A_876 : memref<512x128xf32, #tpu.memory_space<vmem>>[vector<16xi32>, vector<16xi32>], vector<16xf32>,
        %mul3A_877 = arith.constant 10 : i32
        %mul3A_878 = arith.muli %scan3A_734, %mul3A_877 : i32
        %mul3A_879 = arith.constant 16 : i32
        %mul3A_880 = arith.muli %mul3A_878, %mul3A_879 : i32
        %add3A_881 = arith.constant 144 : i32
        %add3A_882 = arith.addi %mul3A_880, %add3A_881 : i32
        %get3A_883 = arith.index_cast %add3A_882 : i32 to index
        %get3A_884 = tpu.vector_load %arg15[%get3A_883] {strides = array<i32>} : memref<4000xi32, #tpu.memory_space<vmem>>, vector<16xi32>,
        %shift_right_logical3A_885 = arith.constant 7 : i32
        %shift_right_logical3A_886 = vector.broadcast %shift_right_logical3A_885 : i32 to vector<16xi32>
        %shift_right_logical3A_887 = arith.shrui %get3A_884, %shift_right_logical3A_886 : vector<16xi32>
        %and3A_888 = arith.constant 127 : i32
        %and3A_889 = vector.broadcast %and3A_888 : i32 to vector<16xi32>
        %and3A_890 = arith.andi %get3A_884, %and3A_889 : vector<16xi32>
        %get3A_891 = arith.index_cast %add3A_882 : i32 to index
        %get3A_892 = tpu.vector_load %arg12[%get3A_891] {strides = array<i32>} : memref<4000xf32, #tpu.memory_space<vmem>>, vector<16xf32>,
        tpu.vector_store_idx %arg10[%shift_right_logical3A_887, %and3A_890], %get3A_892 : memref<512x128xf32, #tpu.memory_space<vmem>>[vector<16xi32>, vector<16xi32>], vector<16xf32>,
      }
      %scan3A_164 = arith.constant 25 : i32
      %mul3A_165 = arith.constant 128 : i32
      %mul3A_166 = arith.muli %select_n3A, %mul3A_165 : i32
      %add3A_167 = arith.addi %mul3A_166, %add3A_121 : i32
      %mul3A_168 = arith.constant 40000 : i32
      %mul3A_169 = arith.muli %add3A_167, %mul3A_168 : i32
      %mul3A_170 = arith.constant 40000 : i32
      %mul3A_171 = arith.muli %select_n3A, %mul3A_170 : i32
      %add3A_172 = arith.constant 16000 : i32
      %add3A_173 = arith.addi %mul3A_171, %add3A_172 : i32
      %dma_start3A_174 = tpu.memref_slice %arg3[%add3A_173] : memref<160000xi32, #tpu.memory_space<hbm>> -> memref<4000xi32, #tpu.memory_space<hbm>>
      %dma_start3A_175 = tpu.memref_slice %arg3[%add3A_173] : memref<160000xi32, #tpu.memory_space<hbm>> -> memref<4000xi32, #tpu.memory_space<hbm>>
      tpu.enqueue_dma source(%dma_start3A_175 : memref<4000xi32, #tpu.memory_space<hbm>>) target(%arg15 : memref<4000xi32, #tpu.memory_space<vmem>>) target_semaphore(%arg27 : memref<!tpu.dma_semaphore, #tpu.memory_space<semaphore_mem>>)
      %add3A_176 = arith.constant 16000 : i32
      %add3A_177 = arith.addi %mul3A_169, %add3A_176 : i32
      %dma_start3A_178 = tpu.memref_slice %arg2[%add3A_177] : memref<20480000xf32, #tpu.memory_space<hbm>> -> memref<4000xf32, #tpu.memory_space<hbm>>
      %dma_start3A_179 = tpu.memref_slice %arg2[%add3A_177] : memref<20480000xf32, #tpu.memory_space<hbm>> -> memref<4000xf32, #tpu.memory_space<hbm>>
      tpu.enqueue_dma source(%dma_start3A_179 : memref<4000xf32, #tpu.memory_space<hbm>>) target(%arg12 : memref<4000xf32, #tpu.memory_space<vmem>>) target_semaphore(%arg27 : memref<!tpu.dma_semaphore, #tpu.memory_space<semaphore_mem>>)
      %dma_wait3A_180 = arith.constant 0 : i32
      %dma_wait3A_181 = tpu.memref_slice %arg3[%dma_wait3A_180] : memref<160000xi32, #tpu.memory_space<hbm>> -> memref<4000xi32, #tpu.memory_space<hbm>>
      %dma_wait3A_182 = arith.constant 0 : i32
      %dma_wait3A_183 = tpu.memref_slice %arg3[%dma_wait3A_182] : memref<160000xi32, #tpu.memory_space<hbm>> -> memref<4000xi32, #tpu.memory_space<hbm>>
      tpu.wait_dma2 semaphore(%arg28 : memref<!tpu.dma_semaphore, #tpu.memory_space<semaphore_mem>>) src(%dma_wait3A_183 : memref<4000xi32, #tpu.memory_space<hbm>>) dst(%arg16 : memref<4000xi32, #tpu.memory_space<vmem>>)
      %dma_wait3A_184 = arith.constant 0 : i32
      %dma_wait3A_185 = tpu.memref_slice %arg2[%dma_wait3A_184] : memref<20480000xf32, #tpu.memory_space<hbm>> -> memref<4000xf32, #tpu.memory_space<hbm>>
      %dma_wait3A_186 = arith.constant 0 : i32
      %dma_wait3A_187 = tpu.memref_slice %arg2[%dma_wait3A_186] : memref<20480000xf32, #tpu.memory_space<hbm>> -> memref<4000xf32, #tpu.memory_space<hbm>>
      tpu.wait_dma2 semaphore(%arg28 : memref<!tpu.dma_semaphore, #tpu.memory_space<semaphore_mem>>) src(%dma_wait3A_187 : memref<4000xf32, #tpu.memory_space<hbm>>) dst(%arg13 : memref<4000xf32, #tpu.memory_space<vmem>>)
      %scan3A_188 = arith.constant 0 : i32
      %scan3A_189 = arith.constant 25 : i32
      %scan3A_190 = arith.addi %scan3A_188, %scan3A_189 : i32
      %scan3A_191 = arith.constant 1 : i32
      scf.for %scan3A_734 = %scan3A_188 to %scan3A_190 step %scan3A_191  : i32 {
        %mul3A_735 = arith.constant 10 : i32
        %mul3A_736 = arith.muli %scan3A_734, %mul3A_735 : i32
        %mul3A_737 = arith.constant 16 : i32
        %mul3A_738 = arith.muli %mul3A_736, %mul3A_737 : i32
        %add3A_739 = arith.constant 0 : i32
        %add3A_740 = arith.addi %mul3A_738, %add3A_739 : i32
        %get3A = arith.index_cast %add3A_740 : i32 to index
        %get3A_741 = tpu.vector_load %arg16[%get3A] {strides = array<i32>} : memref<4000xi32, #tpu.memory_space<vmem>>, vector<16xi32>,
        %shift_right_logical3A = arith.constant 7 : i32
        %shift_right_logical3A_742 = vector.broadcast %shift_right_logical3A : i32 to vector<16xi32>
        %shift_right_logical3A_743 = arith.shrui %get3A_741, %shift_right_logical3A_742 : vector<16xi32>
        %and3A_744 = arith.constant 127 : i32
        %and3A_745 = vector.broadcast %and3A_744 : i32 to vector<16xi32>
        %and3A_746 = arith.andi %get3A_741, %and3A_745 : vector<16xi32>
        %get3A_747 = arith.index_cast %add3A_740 : i32 to index
        %get3A_748 = tpu.vector_load %arg13[%get3A_747] {strides = array<i32>} : memref<4000xf32, #tpu.memory_space<vmem>>, vector<16xf32>,
        tpu.vector_store_idx %arg10[%shift_right_logical3A_743, %and3A_746], %get3A_748 : memref<512x128xf32, #tpu.memory_space<vmem>>[vector<16xi32>, vector<16xi32>], vector<16xf32>,
        %mul3A_749 = arith.constant 10 : i32
        %mul3A_750 = arith.muli %scan3A_734, %mul3A_749 : i32
        %mul3A_751 = arith.constant 16 : i32
        %mul3A_752 = arith.muli %mul3A_750, %mul3A_751 : i32
        %add3A_753 = arith.constant 16 : i32
        %add3A_754 = arith.addi %mul3A_752, %add3A_753 : i32
        %get3A_755 = arith.index_cast %add3A_754 : i32 to index
        %get3A_756 = tpu.vector_load %arg16[%get3A_755] {strides = array<i32>} : memref<4000xi32, #tpu.memory_space<vmem>>, vector<16xi32>,
        %shift_right_logical3A_757 = arith.constant 7 : i32
        %shift_right_logical3A_758 = vector.broadcast %shift_right_logical3A_757 : i32 to vector<16xi32>
        %shift_right_logical3A_759 = arith.shrui %get3A_756, %shift_right_logical3A_758 : vector<16xi32>
        %and3A_760 = arith.constant 127 : i32
        %and3A_761 = vector.broadcast %and3A_760 : i32 to vector<16xi32>
        %and3A_762 = arith.andi %get3A_756, %and3A_761 : vector<16xi32>
        %get3A_763 = arith.index_cast %add3A_754 : i32 to index
        %get3A_764 = tpu.vector_load %arg13[%get3A_763] {strides = array<i32>} : memref<4000xf32, #tpu.memory_space<vmem>>, vector<16xf32>,
        tpu.vector_store_idx %arg10[%shift_right_logical3A_759, %and3A_762], %get3A_764 : memref<512x128xf32, #tpu.memory_space<vmem>>[vector<16xi32>, vector<16xi32>], vector<16xf32>,
        %mul3A_765 = arith.constant 10 : i32
        %mul3A_766 = arith.muli %scan3A_734, %mul3A_765 : i32
        %mul3A_767 = arith.constant 16 : i32
        %mul3A_768 = arith.muli %mul3A_766, %mul3A_767 : i32
        %add3A_769 = arith.constant 32 : i32
        %add3A_770 = arith.addi %mul3A_768, %add3A_769 : i32
        %get3A_771 = arith.index_cast %add3A_770 : i32 to index
        %get3A_772 = tpu.vector_load %arg16[%get3A_771] {strides = array<i32>} : memref<4000xi32, #tpu.memory_space<vmem>>, vector<16xi32>,
        %shift_right_logical3A_773 = arith.constant 7 : i32
        %shift_right_logical3A_774 = vector.broadcast %shift_right_logical3A_773 : i32 to vector<16xi32>
        %shift_right_logical3A_775 = arith.shrui %get3A_772, %shift_right_logical3A_774 : vector<16xi32>
        %and3A_776 = arith.constant 127 : i32
        %and3A_777 = vector.broadcast %and3A_776 : i32 to vector<16xi32>
        %and3A_778 = arith.andi %get3A_772, %and3A_777 : vector<16xi32>
        %get3A_779 = arith.index_cast %add3A_770 : i32 to index
        %get3A_780 = tpu.vector_load %arg13[%get3A_779] {strides = array<i32>} : memref<4000xf32, #tpu.memory_space<vmem>>, vector<16xf32>,
        tpu.vector_store_idx %arg10[%shift_right_logical3A_775, %and3A_778], %get3A_780 : memref<512x128xf32, #tpu.memory_space<vmem>>[vector<16xi32>, vector<16xi32>], vector<16xf32>,
        %mul3A_781 = arith.constant 10 : i32
        %mul3A_782 = arith.muli %scan3A_734, %mul3A_781 : i32
        %mul3A_783 = arith.constant 16 : i32
        %mul3A_784 = arith.muli %mul3A_782, %mul3A_783 : i32
        %add3A_785 = arith.constant 48 : i32
        %add3A_786 = arith.addi %mul3A_784, %add3A_785 : i32
        %get3A_787 = arith.index_cast %add3A_786 : i32 to index
        %get3A_788 = tpu.vector_load %arg16[%get3A_787] {strides = array<i32>} : memref<4000xi32, #tpu.memory_space<vmem>>, vector<16xi32>,
        %shift_right_logical3A_789 = arith.constant 7 : i32
        %shift_right_logical3A_790 = vector.broadcast %shift_right_logical3A_789 : i32 to vector<16xi32>
        %shift_right_logical3A_791 = arith.shrui %get3A_788, %shift_right_logical3A_790 : vector<16xi32>
        %and3A_792 = arith.constant 127 : i32
        %and3A_793 = vector.broadcast %and3A_792 : i32 to vector<16xi32>
        %and3A_794 = arith.andi %get3A_788, %and3A_793 : vector<16xi32>
        %get3A_795 = arith.index_cast %add3A_786 : i32 to index
        %get3A_796 = tpu.vector_load %arg13[%get3A_795] {strides = array<i32>} : memref<4000xf32, #tpu.memory_space<vmem>>, vector<16xf32>,
        tpu.vector_store_idx %arg10[%shift_right_logical3A_791, %and3A_794], %get3A_796 : memref<512x128xf32, #tpu.memory_space<vmem>>[vector<16xi32>, vector<16xi32>], vector<16xf32>,
        %mul3A_797 = arith.constant 10 : i32
        %mul3A_798 = arith.muli %scan3A_734, %mul3A_797 : i32
        %mul3A_799 = arith.constant 16 : i32
        %mul3A_800 = arith.muli %mul3A_798, %mul3A_799 : i32
        %add3A_801 = arith.constant 64 : i32
        %add3A_802 = arith.addi %mul3A_800, %add3A_801 : i32
        %get3A_803 = arith.index_cast %add3A_802 : i32 to index
        %get3A_804 = tpu.vector_load %arg16[%get3A_803] {strides = array<i32>} : memref<4000xi32, #tpu.memory_space<vmem>>, vector<16xi32>,
        %shift_right_logical3A_805 = arith.constant 7 : i32
        %shift_right_logical3A_806 = vector.broadcast %shift_right_logical3A_805 : i32 to vector<16xi32>
        %shift_right_logical3A_807 = arith.shrui %get3A_804, %shift_right_logical3A_806 : vector<16xi32>
        %and3A_808 = arith.constant 127 : i32
        %and3A_809 = vector.broadcast %and3A_808 : i32 to vector<16xi32>
        %and3A_810 = arith.andi %get3A_804, %and3A_809 : vector<16xi32>
        %get3A_811 = arith.index_cast %add3A_802 : i32 to index
        %get3A_812 = tpu.vector_load %arg13[%get3A_811] {strides = array<i32>} : memref<4000xf32, #tpu.memory_space<vmem>>, vector<16xf32>,
        tpu.vector_store_idx %arg10[%shift_right_logical3A_807, %and3A_810], %get3A_812 : memref<512x128xf32, #tpu.memory_space<vmem>>[vector<16xi32>, vector<16xi32>], vector<16xf32>,
        %mul3A_813 = arith.constant 10 : i32
        %mul3A_814 = arith.muli %scan3A_734, %mul3A_813 : i32
        %mul3A_815 = arith.constant 16 : i32
        %mul3A_816 = arith.muli %mul3A_814, %mul3A_815 : i32
        %add3A_817 = arith.constant 80 : i32
        %add3A_818 = arith.addi %mul3A_816, %add3A_817 : i32
        %get3A_819 = arith.index_cast %add3A_818 : i32 to index
        %get3A_820 = tpu.vector_load %arg16[%get3A_819] {strides = array<i32>} : memref<4000xi32, #tpu.memory_space<vmem>>, vector<16xi32>,
        %shift_right_logical3A_821 = arith.constant 7 : i32
        %shift_right_logical3A_822 = vector.broadcast %shift_right_logical3A_821 : i32 to vector<16xi32>
        %shift_right_logical3A_823 = arith.shrui %get3A_820, %shift_right_logical3A_822 : vector<16xi32>
        %and3A_824 = arith.constant 127 : i32
        %and3A_825 = vector.broadcast %and3A_824 : i32 to vector<16xi32>
        %and3A_826 = arith.andi %get3A_820, %and3A_825 : vector<16xi32>
        %get3A_827 = arith.index_cast %add3A_818 : i32 to index
        %get3A_828 = tpu.vector_load %arg13[%get3A_827] {strides = array<i32>} : memref<4000xf32, #tpu.memory_space<vmem>>, vector<16xf32>,
        tpu.vector_store_idx %arg10[%shift_right_logical3A_823, %and3A_826], %get3A_828 : memref<512x128xf32, #tpu.memory_space<vmem>>[vector<16xi32>, vector<16xi32>], vector<16xf32>,
        %mul3A_829 = arith.constant 10 : i32
        %mul3A_830 = arith.muli %scan3A_734, %mul3A_829 : i32
        %mul3A_831 = arith.constant 16 : i32
        %mul3A_832 = arith.muli %mul3A_830, %mul3A_831 : i32
        %add3A_833 = arith.constant 96 : i32
        %add3A_834 = arith.addi %mul3A_832, %add3A_833 : i32
        %get3A_835 = arith.index_cast %add3A_834 : i32 to index
        %get3A_836 = tpu.vector_load %arg16[%get3A_835] {strides = array<i32>} : memref<4000xi32, #tpu.memory_space<vmem>>, vector<16xi32>,
        %shift_right_logical3A_837 = arith.constant 7 : i32
        %shift_right_logical3A_838 = vector.broadcast %shift_right_logical3A_837 : i32 to vector<16xi32>
        %shift_right_logical3A_839 = arith.shrui %get3A_836, %shift_right_logical3A_838 : vector<16xi32>
        %and3A_840 = arith.constant 127 : i32
        %and3A_841 = vector.broadcast %and3A_840 : i32 to vector<16xi32>
        %and3A_842 = arith.andi %get3A_836, %and3A_841 : vector<16xi32>
        %get3A_843 = arith.index_cast %add3A_834 : i32 to index
        %get3A_844 = tpu.vector_load %arg13[%get3A_843] {strides = array<i32>} : memref<4000xf32, #tpu.memory_space<vmem>>, vector<16xf32>,
        tpu.vector_store_idx %arg10[%shift_right_logical3A_839, %and3A_842], %get3A_844 : memref<512x128xf32, #tpu.memory_space<vmem>>[vector<16xi32>, vector<16xi32>], vector<16xf32>,
        %mul3A_845 = arith.constant 10 : i32
        %mul3A_846 = arith.muli %scan3A_734, %mul3A_845 : i32
        %mul3A_847 = arith.constant 16 : i32
        %mul3A_848 = arith.muli %mul3A_846, %mul3A_847 : i32
        %add3A_849 = arith.constant 112 : i32
        %add3A_850 = arith.addi %mul3A_848, %add3A_849 : i32
        %get3A_851 = arith.index_cast %add3A_850 : i32 to index
        %get3A_852 = tpu.vector_load %arg16[%get3A_851] {strides = array<i32>} : memref<4000xi32, #tpu.memory_space<vmem>>, vector<16xi32>,
        %shift_right_logical3A_853 = arith.constant 7 : i32
        %shift_right_logical3A_854 = vector.broadcast %shift_right_logical3A_853 : i32 to vector<16xi32>
        %shift_right_logical3A_855 = arith.shrui %get3A_852, %shift_right_logical3A_854 : vector<16xi32>
        %and3A_856 = arith.constant 127 : i32
        %and3A_857 = vector.broadcast %and3A_856 : i32 to vector<16xi32>
        %and3A_858 = arith.andi %get3A_852, %and3A_857 : vector<16xi32>
        %get3A_859 = arith.index_cast %add3A_850 : i32 to index
        %get3A_860 = tpu.vector_load %arg13[%get3A_859] {strides = array<i32>} : memref<4000xf32, #tpu.memory_space<vmem>>, vector<16xf32>,
        tpu.vector_store_idx %arg10[%shift_right_logical3A_855, %and3A_858], %get3A_860 : memref<512x128xf32, #tpu.memory_space<vmem>>[vector<16xi32>, vector<16xi32>], vector<16xf32>,
        %mul3A_861 = arith.constant 10 : i32
        %mul3A_862 = arith.muli %scan3A_734, %mul3A_861 : i32
        %mul3A_863 = arith.constant 16 : i32
        %mul3A_864 = arith.muli %mul3A_862, %mul3A_863 : i32
        %add3A_865 = arith.constant 128 : i32
        %add3A_866 = arith.addi %mul3A_864, %add3A_865 : i32
        %get3A_867 = arith.index_cast %add3A_866 : i32 to index
        %get3A_868 = tpu.vector_load %arg16[%get3A_867] {strides = array<i32>} : memref<4000xi32, #tpu.memory_space<vmem>>, vector<16xi32>,
        %shift_right_logical3A_869 = arith.constant 7 : i32
        %shift_right_logical3A_870 = vector.broadcast %shift_right_logical3A_869 : i32 to vector<16xi32>
        %shift_right_logical3A_871 = arith.shrui %get3A_868, %shift_right_logical3A_870 : vector<16xi32>
        %and3A_872 = arith.constant 127 : i32
        %and3A_873 = vector.broadcast %and3A_872 : i32 to vector<16xi32>
        %and3A_874 = arith.andi %get3A_868, %and3A_873 : vector<16xi32>
        %get3A_875 = arith.index_cast %add3A_866 : i32 to index
        %get3A_876 = tpu.vector_load %arg13[%get3A_875] {strides = array<i32>} : memref<4000xf32, #tpu.memory_space<vmem>>, vector<16xf32>,
        tpu.vector_store_idx %arg10[%shift_right_logical3A_871, %and3A_874], %get3A_876 : memref<512x128xf32, #tpu.memory_space<vmem>>[vector<16xi32>, vector<16xi32>], vector<16xf32>,
        %mul3A_877 = arith.constant 10 : i32
        %mul3A_878 = arith.muli %scan3A_734, %mul3A_877 : i32
        %mul3A_879 = arith.constant 16 : i32
        %mul3A_880 = arith.muli %mul3A_878, %mul3A_879 : i32
        %add3A_881 = arith.constant 144 : i32
        %add3A_882 = arith.addi %mul3A_880, %add3A_881 : i32
        %get3A_883 = arith.index_cast %add3A_882 : i32 to index
        %get3A_884 = tpu.vector_load %arg16[%get3A_883] {strides = array<i32>} : memref<4000xi32, #tpu.memory_space<vmem>>, vector<16xi32>,
        %shift_right_logical3A_885 = arith.constant 7 : i32
        %shift_right_logical3A_886 = vector.broadcast %shift_right_logical3A_885 : i32 to vector<16xi32>
        %shift_right_logical3A_887 = arith.shrui %get3A_884, %shift_right_logical3A_886 : vector<16xi32>
        %and3A_888 = arith.constant 127 : i32
        %and3A_889 = vector.broadcast %and3A_888 : i32 to vector<16xi32>
        %and3A_890 = arith.andi %get3A_884, %and3A_889 : vector<16xi32>
        %get3A_891 = arith.index_cast %add3A_882 : i32 to index
        %get3A_892 = tpu.vector_load %arg13[%get3A_891] {strides = array<i32>} : memref<4000xf32, #tpu.memory_space<vmem>>, vector<16xf32>,
        tpu.vector_store_idx %arg10[%shift_right_logical3A_887, %and3A_890], %get3A_892 : memref<512x128xf32, #tpu.memory_space<vmem>>[vector<16xi32>, vector<16xi32>], vector<16xf32>,
      }
      %scan3A_192 = arith.constant 25 : i32
      %mul3A_193 = arith.constant 128 : i32
      %mul3A_194 = arith.muli %select_n3A, %mul3A_193 : i32
      %add3A_195 = arith.addi %mul3A_194, %add3A_121 : i32
      %mul3A_196 = arith.constant 40000 : i32
      %mul3A_197 = arith.muli %add3A_195, %mul3A_196 : i32
      %mul3A_198 = arith.constant 40000 : i32
      %mul3A_199 = arith.muli %select_n3A, %mul3A_198 : i32
      %add3A_200 = arith.constant 20000 : i32
      %add3A_201 = arith.addi %mul3A_199, %add3A_200 : i32
      %dma_start3A_202 = tpu.memref_slice %arg3[%add3A_201] : memref<160000xi32, #tpu.memory_space<hbm>> -> memref<4000xi32, #tpu.memory_space<hbm>>
      %dma_start3A_203 = tpu.memref_slice %arg3[%add3A_201] : memref<160000xi32, #tpu.memory_space<hbm>> -> memref<4000xi32, #tpu.memory_space<hbm>>
      tpu.enqueue_dma source(%dma_start3A_203 : memref<4000xi32, #tpu.memory_space<hbm>>) target(%arg16 : memref<4000xi32, #tpu.memory_space<vmem>>) target_semaphore(%arg28 : memref<!tpu.dma_semaphore, #tpu.memory_space<semaphore_mem>>)
      %add3A_204 = arith.constant 20000 : i32
      %add3A_205 = arith.addi %mul3A_197, %add3A_204 : i32
      %dma_start3A_206 = tpu.memref_slice %arg2[%add3A_205] : memref<20480000xf32, #tpu.memory_space<hbm>> -> memref<4000xf32, #tpu.memory_space<hbm>>
      %dma_start3A_207 = tpu.memref_slice %arg2[%add3A_205] : memref<20480000xf32, #tpu.memory_space<hbm>> -> memref<4000xf32, #tpu.memory_space<hbm>>
      tpu.enqueue_dma source(%dma_start3A_207 : memref<4000xf32, #tpu.memory_space<hbm>>) target(%arg13 : memref<4000xf32, #tpu.memory_space<vmem>>) target_semaphore(%arg28 : memref<!tpu.dma_semaphore, #tpu.memory_space<semaphore_mem>>)
      %dma_wait3A_208 = tpu.memref_slice %arg3[%add3A_145] : memref<160000xi32, #tpu.memory_space<hbm>> -> memref<4000xi32, #tpu.memory_space<hbm>>
      %dma_wait3A_209 = tpu.memref_slice %arg3[%add3A_145] : memref<160000xi32, #tpu.memory_space<hbm>> -> memref<4000xi32, #tpu.memory_space<hbm>>
      tpu.wait_dma2 semaphore(%arg26 : memref<!tpu.dma_semaphore, #tpu.memory_space<semaphore_mem>>) src(%dma_wait3A_209 : memref<4000xi32, #tpu.memory_space<hbm>>) dst(%arg14 : memref<4000xi32, #tpu.memory_space<vmem>>)
      %dma_wait3A_210 = tpu.memref_slice %arg2[%add3A_149] : memref<20480000xf32, #tpu.memory_space<hbm>> -> memref<4000xf32, #tpu.memory_space<hbm>>
      %dma_wait3A_211 = tpu.memref_slice %arg2[%add3A_149] : memref<20480000xf32, #tpu.memory_space<hbm>> -> memref<4000xf32, #tpu.memory_space<hbm>>
      tpu.wait_dma2 semaphore(%arg26 : memref<!tpu.dma_semaphore, #tpu.memory_space<semaphore_mem>>) src(%dma_wait3A_211 : memref<4000xf32, #tpu.memory_space<hbm>>) dst(%arg11 : memref<4000xf32, #tpu.memory_space<vmem>>)
      %scan3A_212 = arith.constant 0 : i32
      %scan3A_213 = arith.constant 25 : i32
      %scan3A_214 = arith.addi %scan3A_212, %scan3A_213 : i32
      %scan3A_215 = arith.constant 1 : i32
      scf.for %scan3A_734 = %scan3A_212 to %scan3A_214 step %scan3A_215  : i32 {
        %mul3A_735 = arith.constant 10 : i32
        %mul3A_736 = arith.muli %scan3A_734, %mul3A_735 : i32
        %mul3A_737 = arith.constant 16 : i32
        %mul3A_738 = arith.muli %mul3A_736, %mul3A_737 : i32
        %add3A_739 = arith.constant 0 : i32
        %add3A_740 = arith.addi %mul3A_738, %add3A_739 : i32
        %get3A = arith.index_cast %add3A_740 : i32 to index
        %get3A_741 = tpu.vector_load %arg14[%get3A] {strides = array<i32>} : memref<4000xi32, #tpu.memory_space<vmem>>, vector<16xi32>,
        %shift_right_logical3A = arith.constant 7 : i32
        %shift_right_logical3A_742 = vector.broadcast %shift_right_logical3A : i32 to vector<16xi32>
        %shift_right_logical3A_743 = arith.shrui %get3A_741, %shift_right_logical3A_742 : vector<16xi32>
        %and3A_744 = arith.constant 127 : i32
        %and3A_745 = vector.broadcast %and3A_744 : i32 to vector<16xi32>
        %and3A_746 = arith.andi %get3A_741, %and3A_745 : vector<16xi32>
        %get3A_747 = arith.index_cast %add3A_740 : i32 to index
        %get3A_748 = tpu.vector_load %arg11[%get3A_747] {strides = array<i32>} : memref<4000xf32, #tpu.memory_space<vmem>>, vector<16xf32>,
        tpu.vector_store_idx %arg10[%shift_right_logical3A_743, %and3A_746], %get3A_748 : memref<512x128xf32, #tpu.memory_space<vmem>>[vector<16xi32>, vector<16xi32>], vector<16xf32>,
        %mul3A_749 = arith.constant 10 : i32
        %mul3A_750 = arith.muli %scan3A_734, %mul3A_749 : i32
        %mul3A_751 = arith.constant 16 : i32
        %mul3A_752 = arith.muli %mul3A_750, %mul3A_751 : i32
        %add3A_753 = arith.constant 16 : i32
        %add3A_754 = arith.addi %mul3A_752, %add3A_753 : i32
        %get3A_755 = arith.index_cast %add3A_754 : i32 to index
        %get3A_756 = tpu.vector_load %arg14[%get3A_755] {strides = array<i32>} : memref<4000xi32, #tpu.memory_space<vmem>>, vector<16xi32>,
        %shift_right_logical3A_757 = arith.constant 7 : i32
        %shift_right_logical3A_758 = vector.broadcast %shift_right_logical3A_757 : i32 to vector<16xi32>
        %shift_right_logical3A_759 = arith.shrui %get3A_756, %shift_right_logical3A_758 : vector<16xi32>
        %and3A_760 = arith.constant 127 : i32
        %and3A_761 = vector.broadcast %and3A_760 : i32 to vector<16xi32>
        %and3A_762 = arith.andi %get3A_756, %and3A_761 : vector<16xi32>
        %get3A_763 = arith.index_cast %add3A_754 : i32 to index
        %get3A_764 = tpu.vector_load %arg11[%get3A_763] {strides = array<i32>} : memref<4000xf32, #tpu.memory_space<vmem>>, vector<16xf32>,
        tpu.vector_store_idx %arg10[%shift_right_logical3A_759, %and3A_762], %get3A_764 : memref<512x128xf32, #tpu.memory_space<vmem>>[vector<16xi32>, vector<16xi32>], vector<16xf32>,
        %mul3A_765 = arith.constant 10 : i32
        %mul3A_766 = arith.muli %scan3A_734, %mul3A_765 : i32
        %mul3A_767 = arith.constant 16 : i32
        %mul3A_768 = arith.muli %mul3A_766, %mul3A_767 : i32
        %add3A_769 = arith.constant 32 : i32
        %add3A_770 = arith.addi %mul3A_768, %add3A_769 : i32
        %get3A_771 = arith.index_cast %add3A_770 : i32 to index
        %get3A_772 = tpu.vector_load %arg14[%get3A_771] {strides = array<i32>} : memref<4000xi32, #tpu.memory_space<vmem>>, vector<16xi32>,
        %shift_right_logical3A_773 = arith.constant 7 : i32
        %shift_right_logical3A_774 = vector.broadcast %shift_right_logical3A_773 : i32 to vector<16xi32>
        %shift_right_logical3A_775 = arith.shrui %get3A_772, %shift_right_logical3A_774 : vector<16xi32>
        %and3A_776 = arith.constant 127 : i32
        %and3A_777 = vector.broadcast %and3A_776 : i32 to vector<16xi32>
        %and3A_778 = arith.andi %get3A_772, %and3A_777 : vector<16xi32>
        %get3A_779 = arith.index_cast %add3A_770 : i32 to index
        %get3A_780 = tpu.vector_load %arg11[%get3A_779] {strides = array<i32>} : memref<4000xf32, #tpu.memory_space<vmem>>, vector<16xf32>,
        tpu.vector_store_idx %arg10[%shift_right_logical3A_775, %and3A_778], %get3A_780 : memref<512x128xf32, #tpu.memory_space<vmem>>[vector<16xi32>, vector<16xi32>], vector<16xf32>,
        %mul3A_781 = arith.constant 10 : i32
        %mul3A_782 = arith.muli %scan3A_734, %mul3A_781 : i32
        %mul3A_783 = arith.constant 16 : i32
        %mul3A_784 = arith.muli %mul3A_782, %mul3A_783 : i32
        %add3A_785 = arith.constant 48 : i32
        %add3A_786 = arith.addi %mul3A_784, %add3A_785 : i32
        %get3A_787 = arith.index_cast %add3A_786 : i32 to index
        %get3A_788 = tpu.vector_load %arg14[%get3A_787] {strides = array<i32>} : memref<4000xi32, #tpu.memory_space<vmem>>, vector<16xi32>,
        %shift_right_logical3A_789 = arith.constant 7 : i32
        %shift_right_logical3A_790 = vector.broadcast %shift_right_logical3A_789 : i32 to vector<16xi32>
        %shift_right_logical3A_791 = arith.shrui %get3A_788, %shift_right_logical3A_790 : vector<16xi32>
        %and3A_792 = arith.constant 127 : i32
        %and3A_793 = vector.broadcast %and3A_792 : i32 to vector<16xi32>
        %and3A_794 = arith.andi %get3A_788, %and3A_793 : vector<16xi32>
        %get3A_795 = arith.index_cast %add3A_786 : i32 to index
        %get3A_796 = tpu.vector_load %arg11[%get3A_795] {strides = array<i32>} : memref<4000xf32, #tpu.memory_space<vmem>>, vector<16xf32>,
        tpu.vector_store_idx %arg10[%shift_right_logical3A_791, %and3A_794], %get3A_796 : memref<512x128xf32, #tpu.memory_space<vmem>>[vector<16xi32>, vector<16xi32>], vector<16xf32>,
        %mul3A_797 = arith.constant 10 : i32
        %mul3A_798 = arith.muli %scan3A_734, %mul3A_797 : i32
        %mul3A_799 = arith.constant 16 : i32
        %mul3A_800 = arith.muli %mul3A_798, %mul3A_799 : i32
        %add3A_801 = arith.constant 64 : i32
        %add3A_802 = arith.addi %mul3A_800, %add3A_801 : i32
        %get3A_803 = arith.index_cast %add3A_802 : i32 to index
        %get3A_804 = tpu.vector_load %arg14[%get3A_803] {strides = array<i32>} : memref<4000xi32, #tpu.memory_space<vmem>>, vector<16xi32>,
        %shift_right_logical3A_805 = arith.constant 7 : i32
        %shift_right_logical3A_806 = vector.broadcast %shift_right_logical3A_805 : i32 to vector<16xi32>
        %shift_right_logical3A_807 = arith.shrui %get3A_804, %shift_right_logical3A_806 : vector<16xi32>
        %and3A_808 = arith.constant 127 : i32
        %and3A_809 = vector.broadcast %and3A_808 : i32 to vector<16xi32>
        %and3A_810 = arith.andi %get3A_804, %and3A_809 : vector<16xi32>
        %get3A_811 = arith.index_cast %add3A_802 : i32 to index
        %get3A_812 = tpu.vector_load %arg11[%get3A_811] {strides = array<i32>} : memref<4000xf32, #tpu.memory_space<vmem>>, vector<16xf32>,
        tpu.vector_store_idx %arg10[%shift_right_logical3A_807, %and3A_810], %get3A_812 : memref<512x128xf32, #tpu.memory_space<vmem>>[vector<16xi32>, vector<16xi32>], vector<16xf32>,
        %mul3A_813 = arith.constant 10 : i32
        %mul3A_814 = arith.muli %scan3A_734, %mul3A_813 : i32
        %mul3A_815 = arith.constant 16 : i32
        %mul3A_816 = arith.muli %mul3A_814, %mul3A_815 : i32
        %add3A_817 = arith.constant 80 : i32
        %add3A_818 = arith.addi %mul3A_816, %add3A_817 : i32
        %get3A_819 = arith.index_cast %add3A_818 : i32 to index
        %get3A_820 = tpu.vector_load %arg14[%get3A_819] {strides = array<i32>} : memref<4000xi32, #tpu.memory_space<vmem>>, vector<16xi32>,
        %shift_right_logical3A_821 = arith.constant 7 : i32
        %shift_right_logical3A_822 = vector.broadcast %shift_right_logical3A_821 : i32 to vector<16xi32>
        %shift_right_logical3A_823 = arith.shrui %get3A_820, %shift_right_logical3A_822 : vector<16xi32>
        %and3A_824 = arith.constant 127 : i32
        %and3A_825 = vector.broadcast %and3A_824 : i32 to vector<16xi32>
        %and3A_826 = arith.andi %get3A_820, %and3A_825 : vector<16xi32>
        %get3A_827 = arith.index_cast %add3A_818 : i32 to index
        %get3A_828 = tpu.vector_load %arg11[%get3A_827] {strides = array<i32>} : memref<4000xf32, #tpu.memory_space<vmem>>, vector<16xf32>,
        tpu.vector_store_idx %arg10[%shift_right_logical3A_823, %and3A_826], %get3A_828 : memref<512x128xf32, #tpu.memory_space<vmem>>[vector<16xi32>, vector<16xi32>], vector<16xf32>,
        %mul3A_829 = arith.constant 10 : i32
        %mul3A_830 = arith.muli %scan3A_734, %mul3A_829 : i32
        %mul3A_831 = arith.constant 16 : i32
        %mul3A_832 = arith.muli %mul3A_830, %mul3A_831 : i32
        %add3A_833 = arith.constant 96 : i32
        %add3A_834 = arith.addi %mul3A_832, %add3A_833 : i32
        %get3A_835 = arith.index_cast %add3A_834 : i32 to index
        %get3A_836 = tpu.vector_load %arg14[%get3A_835] {strides = array<i32>} : memref<4000xi32, #tpu.memory_space<vmem>>, vector<16xi32>,
        %shift_right_logical3A_837 = arith.constant 7 : i32
        %shift_right_logical3A_838 = vector.broadcast %shift_right_logical3A_837 : i32 to vector<16xi32>
        %shift_right_logical3A_839 = arith.shrui %get3A_836, %shift_right_logical3A_838 : vector<16xi32>
        %and3A_840 = arith.constant 127 : i32
        %and3A_841 = vector.broadcast %and3A_840 : i32 to vector<16xi32>
        %and3A_842 = arith.andi %get3A_836, %and3A_841 : vector<16xi32>
        %get3A_843 = arith.index_cast %add3A_834 : i32 to index
        %get3A_844 = tpu.vector_load %arg11[%get3A_843] {strides = array<i32>} : memref<4000xf32, #tpu.memory_space<vmem>>, vector<16xf32>,
        tpu.vector_store_idx %arg10[%shift_right_logical3A_839, %and3A_842], %get3A_844 : memref<512x128xf32, #tpu.memory_space<vmem>>[vector<16xi32>, vector<16xi32>], vector<16xf32>,
        %mul3A_845 = arith.constant 10 : i32
        %mul3A_846 = arith.muli %scan3A_734, %mul3A_845 : i32
        %mul3A_847 = arith.constant 16 : i32
        %mul3A_848 = arith.muli %mul3A_846, %mul3A_847 : i32
        %add3A_849 = arith.constant 112 : i32
        %add3A_850 = arith.addi %mul3A_848, %add3A_849 : i32
        %get3A_851 = arith.index_cast %add3A_850 : i32 to index
        %get3A_852 = tpu.vector_load %arg14[%get3A_851] {strides = array<i32>} : memref<4000xi32, #tpu.memory_space<vmem>>, vector<16xi32>,
        %shift_right_logical3A_853 = arith.constant 7 : i32
        %shift_right_logical3A_854 = vector.broadcast %shift_right_logical3A_853 : i32 to vector<16xi32>
        %shift_right_logical3A_855 = arith.shrui %get3A_852, %shift_right_logical3A_854 : vector<16xi32>
        %and3A_856 = arith.constant 127 : i32
        %and3A_857 = vector.broadcast %and3A_856 : i32 to vector<16xi32>
        %and3A_858 = arith.andi %get3A_852, %and3A_857 : vector<16xi32>
        %get3A_859 = arith.index_cast %add3A_850 : i32 to index
        %get3A_860 = tpu.vector_load %arg11[%get3A_859] {strides = array<i32>} : memref<4000xf32, #tpu.memory_space<vmem>>, vector<16xf32>,
        tpu.vector_store_idx %arg10[%shift_right_logical3A_855, %and3A_858], %get3A_860 : memref<512x128xf32, #tpu.memory_space<vmem>>[vector<16xi32>, vector<16xi32>], vector<16xf32>,
        %mul3A_861 = arith.constant 10 : i32
        %mul3A_862 = arith.muli %scan3A_734, %mul3A_861 : i32
        %mul3A_863 = arith.constant 16 : i32
        %mul3A_864 = arith.muli %mul3A_862, %mul3A_863 : i32
        %add3A_865 = arith.constant 128 : i32
        %add3A_866 = arith.addi %mul3A_864, %add3A_865 : i32
        %get3A_867 = arith.index_cast %add3A_866 : i32 to index
        %get3A_868 = tpu.vector_load %arg14[%get3A_867] {strides = array<i32>} : memref<4000xi32, #tpu.memory_space<vmem>>, vector<16xi32>,
        %shift_right_logical3A_869 = arith.constant 7 : i32
        %shift_right_logical3A_870 = vector.broadcast %shift_right_logical3A_869 : i32 to vector<16xi32>
        %shift_right_logical3A_871 = arith.shrui %get3A_868, %shift_right_logical3A_870 : vector<16xi32>
        %and3A_872 = arith.constant 127 : i32
        %and3A_873 = vector.broadcast %and3A_872 : i32 to vector<16xi32>
        %and3A_874 = arith.andi %get3A_868, %and3A_873 : vector<16xi32>
        %get3A_875 = arith.index_cast %add3A_866 : i32 to index
        %get3A_876 = tpu.vector_load %arg11[%get3A_875] {strides = array<i32>} : memref<4000xf32, #tpu.memory_space<vmem>>, vector<16xf32>,
        tpu.vector_store_idx %arg10[%shift_right_logical3A_871, %and3A_874], %get3A_876 : memref<512x128xf32, #tpu.memory_space<vmem>>[vector<16xi32>, vector<16xi32>], vector<16xf32>,
        %mul3A_877 = arith.constant 10 : i32
        %mul3A_878 = arith.muli %scan3A_734, %mul3A_877 : i32
        %mul3A_879 = arith.constant 16 : i32
        %mul3A_880 = arith.muli %mul3A_878, %mul3A_879 : i32
        %add3A_881 = arith.constant 144 : i32
        %add3A_882 = arith.addi %mul3A_880, %add3A_881 : i32
        %get3A_883 = arith.index_cast %add3A_882 : i32 to index
        %get3A_884 = tpu.vector_load %arg14[%get3A_883] {strides = array<i32>} : memref<4000xi32, #tpu.memory_space<vmem>>, vector<16xi32>,
        %shift_right_logical3A_885 = arith.constant 7 : i32
        %shift_right_logical3A_886 = vector.broadcast %shift_right_logical3A_885 : i32 to vector<16xi32>
        %shift_right_logical3A_887 = arith.shrui %get3A_884, %shift_right_logical3A_886 : vector<16xi32>
        %and3A_888 = arith.constant 127 : i32
        %and3A_889 = vector.broadcast %and3A_888 : i32 to vector<16xi32>
        %and3A_890 = arith.andi %get3A_884, %and3A_889 : vector<16xi32>
        %get3A_891 = arith.index_cast %add3A_882 : i32 to index
        %get3A_892 = tpu.vector_load %arg11[%get3A_891] {strides = array<i32>} : memref<4000xf32, #tpu.memory_space<vmem>>, vector<16xf32>,
        tpu.vector_store_idx %arg10[%shift_right_logical3A_887, %and3A_890], %get3A_892 : memref<512x128xf32, #tpu.memory_space<vmem>>[vector<16xi32>, vector<16xi32>], vector<16xf32>,
      }
      %scan3A_216 = arith.constant 25 : i32
      %mul3A_217 = arith.constant 128 : i32
      %mul3A_218 = arith.muli %select_n3A, %mul3A_217 : i32
      %add3A_219 = arith.addi %mul3A_218, %add3A_121 : i32
      %mul3A_220 = arith.constant 40000 : i32
      %mul3A_221 = arith.muli %add3A_219, %mul3A_220 : i32
      %mul3A_222 = arith.constant 40000 : i32
      %mul3A_223 = arith.muli %select_n3A, %mul3A_222 : i32
      %add3A_224 = arith.constant 24000 : i32
      %add3A_225 = arith.addi %mul3A_223, %add3A_224 : i32
      %dma_start3A_226 = tpu.memref_slice %arg3[%add3A_225] : memref<160000xi32, #tpu.memory_space<hbm>> -> memref<4000xi32, #tpu.memory_space<hbm>>
      %dma_start3A_227 = tpu.memref_slice %arg3[%add3A_225] : memref<160000xi32, #tpu.memory_space<hbm>> -> memref<4000xi32, #tpu.memory_space<hbm>>
      tpu.enqueue_dma source(%dma_start3A_227 : memref<4000xi32, #tpu.memory_space<hbm>>) target(%arg14 : memref<4000xi32, #tpu.memory_space<vmem>>) target_semaphore(%arg26 : memref<!tpu.dma_semaphore, #tpu.memory_space<semaphore_mem>>)
      %add3A_228 = arith.constant 24000 : i32
      %add3A_229 = arith.addi %mul3A_221, %add3A_228 : i32
      %dma_start3A_230 = tpu.memref_slice %arg2[%add3A_229] : memref<20480000xf32, #tpu.memory_space<hbm>> -> memref<4000xf32, #tpu.memory_space<hbm>>
      %dma_start3A_231 = tpu.memref_slice %arg2[%add3A_229] : memref<20480000xf32, #tpu.memory_space<hbm>> -> memref<4000xf32, #tpu.memory_space<hbm>>
      tpu.enqueue_dma source(%dma_start3A_231 : memref<4000xf32, #tpu.memory_space<hbm>>) target(%arg11 : memref<4000xf32, #tpu.memory_space<vmem>>) target_semaphore(%arg26 : memref<!tpu.dma_semaphore, #tpu.memory_space<semaphore_mem>>)
      %dma_wait3A_232 = tpu.memref_slice %arg3[%add3A_173] : memref<160000xi32, #tpu.memory_space<hbm>> -> memref<4000xi32, #tpu.memory_space<hbm>>
      %dma_wait3A_233 = tpu.memref_slice %arg3[%add3A_173] : memref<160000xi32, #tpu.memory_space<hbm>> -> memref<4000xi32, #tpu.memory_space<hbm>>
      tpu.wait_dma2 semaphore(%arg27 : memref<!tpu.dma_semaphore, #tpu.memory_space<semaphore_mem>>) src(%dma_wait3A_233 : memref<4000xi32, #tpu.memory_space<hbm>>) dst(%arg15 : memref<4000xi32, #tpu.memory_space<vmem>>)
      %dma_wait3A_234 = tpu.memref_slice %arg2[%add3A_177] : memref<20480000xf32, #tpu.memory_space<hbm>> -> memref<4000xf32, #tpu.memory_space<hbm>>
      %dma_wait3A_235 = tpu.memref_slice %arg2[%add3A_177] : memref<20480000xf32, #tpu.memory_space<hbm>> -> memref<4000xf32, #tpu.memory_space<hbm>>
      tpu.wait_dma2 semaphore(%arg27 : memref<!tpu.dma_semaphore, #tpu.memory_space<semaphore_mem>>) src(%dma_wait3A_235 : memref<4000xf32, #tpu.memory_space<hbm>>) dst(%arg12 : memref<4000xf32, #tpu.memory_space<vmem>>)
      %scan3A_236 = arith.constant 0 : i32
      %scan3A_237 = arith.constant 25 : i32
      %scan3A_238 = arith.addi %scan3A_236, %scan3A_237 : i32
      %scan3A_239 = arith.constant 1 : i32
      scf.for %scan3A_734 = %scan3A_236 to %scan3A_238 step %scan3A_239  : i32 {
        %mul3A_735 = arith.constant 10 : i32
        %mul3A_736 = arith.muli %scan3A_734, %mul3A_735 : i32
        %mul3A_737 = arith.constant 16 : i32
        %mul3A_738 = arith.muli %mul3A_736, %mul3A_737 : i32
        %add3A_739 = arith.constant 0 : i32
        %add3A_740 = arith.addi %mul3A_738, %add3A_739 : i32
        %get3A = arith.index_cast %add3A_740 : i32 to index
        %get3A_741 = tpu.vector_load %arg15[%get3A] {strides = array<i32>} : memref<4000xi32, #tpu.memory_space<vmem>>, vector<16xi32>,
        %shift_right_logical3A = arith.constant 7 : i32
        %shift_right_logical3A_742 = vector.broadcast %shift_right_logical3A : i32 to vector<16xi32>
        %shift_right_logical3A_743 = arith.shrui %get3A_741, %shift_right_logical3A_742 : vector<16xi32>
        %and3A_744 = arith.constant 127 : i32
        %and3A_745 = vector.broadcast %and3A_744 : i32 to vector<16xi32>
        %and3A_746 = arith.andi %get3A_741, %and3A_745 : vector<16xi32>
        %get3A_747 = arith.index_cast %add3A_740 : i32 to index
        %get3A_748 = tpu.vector_load %arg12[%get3A_747] {strides = array<i32>} : memref<4000xf32, #tpu.memory_space<vmem>>, vector<16xf32>,
        tpu.vector_store_idx %arg10[%shift_right_logical3A_743, %and3A_746], %get3A_748 : memref<512x128xf32, #tpu.memory_space<vmem>>[vector<16xi32>, vector<16xi32>], vector<16xf32>,
        %mul3A_749 = arith.constant 10 : i32
        %mul3A_750 = arith.muli %scan3A_734, %mul3A_749 : i32
        %mul3A_751 = arith.constant 16 : i32
        %mul3A_752 = arith.muli %mul3A_750, %mul3A_751 : i32
        %add3A_753 = arith.constant 16 : i32
        %add3A_754 = arith.addi %mul3A_752, %add3A_753 : i32
        %get3A_755 = arith.index_cast %add3A_754 : i32 to index
        %get3A_756 = tpu.vector_load %arg15[%get3A_755] {strides = array<i32>} : memref<4000xi32, #tpu.memory_space<vmem>>, vector<16xi32>,
        %shift_right_logical3A_757 = arith.constant 7 : i32
        %shift_right_logical3A_758 = vector.broadcast %shift_right_logical3A_757 : i32 to vector<16xi32>
        %shift_right_logical3A_759 = arith.shrui %get3A_756, %shift_right_logical3A_758 : vector<16xi32>
        %and3A_760 = arith.constant 127 : i32
        %and3A_761 = vector.broadcast %and3A_760 : i32 to vector<16xi32>
        %and3A_762 = arith.andi %get3A_756, %and3A_761 : vector<16xi32>
        %get3A_763 = arith.index_cast %add3A_754 : i32 to index
        %get3A_764 = tpu.vector_load %arg12[%get3A_763] {strides = array<i32>} : memref<4000xf32, #tpu.memory_space<vmem>>, vector<16xf32>,
        tpu.vector_store_idx %arg10[%shift_right_logical3A_759, %and3A_762], %get3A_764 : memref<512x128xf32, #tpu.memory_space<vmem>>[vector<16xi32>, vector<16xi32>], vector<16xf32>,
        %mul3A_765 = arith.constant 10 : i32
        %mul3A_766 = arith.muli %scan3A_734, %mul3A_765 : i32
        %mul3A_767 = arith.constant 16 : i32
        %mul3A_768 = arith.muli %mul3A_766, %mul3A_767 : i32
        %add3A_769 = arith.constant 32 : i32
        %add3A_770 = arith.addi %mul3A_768, %add3A_769 : i32
        %get3A_771 = arith.index_cast %add3A_770 : i32 to index
        %get3A_772 = tpu.vector_load %arg15[%get3A_771] {strides = array<i32>} : memref<4000xi32, #tpu.memory_space<vmem>>, vector<16xi32>,
        %shift_right_logical3A_773 = arith.constant 7 : i32
        %shift_right_logical3A_774 = vector.broadcast %shift_right_logical3A_773 : i32 to vector<16xi32>
        %shift_right_logical3A_775 = arith.shrui %get3A_772, %shift_right_logical3A_774 : vector<16xi32>
        %and3A_776 = arith.constant 127 : i32
        %and3A_777 = vector.broadcast %and3A_776 : i32 to vector<16xi32>
        %and3A_778 = arith.andi %get3A_772, %and3A_777 : vector<16xi32>
        %get3A_779 = arith.index_cast %add3A_770 : i32 to index
        %get3A_780 = tpu.vector_load %arg12[%get3A_779] {strides = array<i32>} : memref<4000xf32, #tpu.memory_space<vmem>>, vector<16xf32>,
        tpu.vector_store_idx %arg10[%shift_right_logical3A_775, %and3A_778], %get3A_780 : memref<512x128xf32, #tpu.memory_space<vmem>>[vector<16xi32>, vector<16xi32>], vector<16xf32>,
        %mul3A_781 = arith.constant 10 : i32
        %mul3A_782 = arith.muli %scan3A_734, %mul3A_781 : i32
        %mul3A_783 = arith.constant 16 : i32
        %mul3A_784 = arith.muli %mul3A_782, %mul3A_783 : i32
        %add3A_785 = arith.constant 48 : i32
        %add3A_786 = arith.addi %mul3A_784, %add3A_785 : i32
        %get3A_787 = arith.index_cast %add3A_786 : i32 to index
        %get3A_788 = tpu.vector_load %arg15[%get3A_787] {strides = array<i32>} : memref<4000xi32, #tpu.memory_space<vmem>>, vector<16xi32>,
        %shift_right_logical3A_789 = arith.constant 7 : i32
        %shift_right_logical3A_790 = vector.broadcast %shift_right_logical3A_789 : i32 to vector<16xi32>
        %shift_right_logical3A_791 = arith.shrui %get3A_788, %shift_right_logical3A_790 : vector<16xi32>
        %and3A_792 = arith.constant 127 : i32
        %and3A_793 = vector.broadcast %and3A_792 : i32 to vector<16xi32>
        %and3A_794 = arith.andi %get3A_788, %and3A_793 : vector<16xi32>
        %get3A_795 = arith.index_cast %add3A_786 : i32 to index
        %get3A_796 = tpu.vector_load %arg12[%get3A_795] {strides = array<i32>} : memref<4000xf32, #tpu.memory_space<vmem>>, vector<16xf32>,
        tpu.vector_store_idx %arg10[%shift_right_logical3A_791, %and3A_794], %get3A_796 : memref<512x128xf32, #tpu.memory_space<vmem>>[vector<16xi32>, vector<16xi32>], vector<16xf32>,
        %mul3A_797 = arith.constant 10 : i32
        %mul3A_798 = arith.muli %scan3A_734, %mul3A_797 : i32
        %mul3A_799 = arith.constant 16 : i32
        %mul3A_800 = arith.muli %mul3A_798, %mul3A_799 : i32
        %add3A_801 = arith.constant 64 : i32
        %add3A_802 = arith.addi %mul3A_800, %add3A_801 : i32
        %get3A_803 = arith.index_cast %add3A_802 : i32 to index
        %get3A_804 = tpu.vector_load %arg15[%get3A_803] {strides = array<i32>} : memref<4000xi32, #tpu.memory_space<vmem>>, vector<16xi32>,
        %shift_right_logical3A_805 = arith.constant 7 : i32
        %shift_right_logical3A_806 = vector.broadcast %shift_right_logical3A_805 : i32 to vector<16xi32>
        %shift_right_logical3A_807 = arith.shrui %get3A_804, %shift_right_logical3A_806 : vector<16xi32>
        %and3A_808 = arith.constant 127 : i32
        %and3A_809 = vector.broadcast %and3A_808 : i32 to vector<16xi32>
        %and3A_810 = arith.andi %get3A_804, %and3A_809 : vector<16xi32>
        %get3A_811 = arith.index_cast %add3A_802 : i32 to index
        %get3A_812 = tpu.vector_load %arg12[%get3A_811] {strides = array<i32>} : memref<4000xf32, #tpu.memory_space<vmem>>, vector<16xf32>,
        tpu.vector_store_idx %arg10[%shift_right_logical3A_807, %and3A_810], %get3A_812 : memref<512x128xf32, #tpu.memory_space<vmem>>[vector<16xi32>, vector<16xi32>], vector<16xf32>,
        %mul3A_813 = arith.constant 10 : i32
        %mul3A_814 = arith.muli %scan3A_734, %mul3A_813 : i32
        %mul3A_815 = arith.constant 16 : i32
        %mul3A_816 = arith.muli %mul3A_814, %mul3A_815 : i32
        %add3A_817 = arith.constant 80 : i32
        %add3A_818 = arith.addi %mul3A_816, %add3A_817 : i32
        %get3A_819 = arith.index_cast %add3A_818 : i32 to index
        %get3A_820 = tpu.vector_load %arg15[%get3A_819] {strides = array<i32>} : memref<4000xi32, #tpu.memory_space<vmem>>, vector<16xi32>,
        %shift_right_logical3A_821 = arith.constant 7 : i32
        %shift_right_logical3A_822 = vector.broadcast %shift_right_logical3A_821 : i32 to vector<16xi32>
        %shift_right_logical3A_823 = arith.shrui %get3A_820, %shift_right_logical3A_822 : vector<16xi32>
        %and3A_824 = arith.constant 127 : i32
        %and3A_825 = vector.broadcast %and3A_824 : i32 to vector<16xi32>
        %and3A_826 = arith.andi %get3A_820, %and3A_825 : vector<16xi32>
        %get3A_827 = arith.index_cast %add3A_818 : i32 to index
        %get3A_828 = tpu.vector_load %arg12[%get3A_827] {strides = array<i32>} : memref<4000xf32, #tpu.memory_space<vmem>>, vector<16xf32>,
        tpu.vector_store_idx %arg10[%shift_right_logical3A_823, %and3A_826], %get3A_828 : memref<512x128xf32, #tpu.memory_space<vmem>>[vector<16xi32>, vector<16xi32>], vector<16xf32>,
        %mul3A_829 = arith.constant 10 : i32
        %mul3A_830 = arith.muli %scan3A_734, %mul3A_829 : i32
        %mul3A_831 = arith.constant 16 : i32
        %mul3A_832 = arith.muli %mul3A_830, %mul3A_831 : i32
        %add3A_833 = arith.constant 96 : i32
        %add3A_834 = arith.addi %mul3A_832, %add3A_833 : i32
        %get3A_835 = arith.index_cast %add3A_834 : i32 to index
        %get3A_836 = tpu.vector_load %arg15[%get3A_835] {strides = array<i32>} : memref<4000xi32, #tpu.memory_space<vmem>>, vector<16xi32>,
        %shift_right_logical3A_837 = arith.constant 7 : i32
        %shift_right_logical3A_838 = vector.broadcast %shift_right_logical3A_837 : i32 to vector<16xi32>
        %shift_right_logical3A_839 = arith.shrui %get3A_836, %shift_right_logical3A_838 : vector<16xi32>
        %and3A_840 = arith.constant 127 : i32
        %and3A_841 = vector.broadcast %and3A_840 : i32 to vector<16xi32>
        %and3A_842 = arith.andi %get3A_836, %and3A_841 : vector<16xi32>
        %get3A_843 = arith.index_cast %add3A_834 : i32 to index
        %get3A_844 = tpu.vector_load %arg12[%get3A_843] {strides = array<i32>} : memref<4000xf32, #tpu.memory_space<vmem>>, vector<16xf32>,
        tpu.vector_store_idx %arg10[%shift_right_logical3A_839, %and3A_842], %get3A_844 : memref<512x128xf32, #tpu.memory_space<vmem>>[vector<16xi32>, vector<16xi32>], vector<16xf32>,
        %mul3A_845 = arith.constant 10 : i32
        %mul3A_846 = arith.muli %scan3A_734, %mul3A_845 : i32
        %mul3A_847 = arith.constant 16 : i32
        %mul3A_848 = arith.muli %mul3A_846, %mul3A_847 : i32
        %add3A_849 = arith.constant 112 : i32
        %add3A_850 = arith.addi %mul3A_848, %add3A_849 : i32
        %get3A_851 = arith.index_cast %add3A_850 : i32 to index
        %get3A_852 = tpu.vector_load %arg15[%get3A_851] {strides = array<i32>} : memref<4000xi32, #tpu.memory_space<vmem>>, vector<16xi32>,
        %shift_right_logical3A_853 = arith.constant 7 : i32
        %shift_right_logical3A_854 = vector.broadcast %shift_right_logical3A_853 : i32 to vector<16xi32>
        %shift_right_logical3A_855 = arith.shrui %get3A_852, %shift_right_logical3A_854 : vector<16xi32>
        %and3A_856 = arith.constant 127 : i32
        %and3A_857 = vector.broadcast %and3A_856 : i32 to vector<16xi32>
        %and3A_858 = arith.andi %get3A_852, %and3A_857 : vector<16xi32>
        %get3A_859 = arith.index_cast %add3A_850 : i32 to index
        %get3A_860 = tpu.vector_load %arg12[%get3A_859] {strides = array<i32>} : memref<4000xf32, #tpu.memory_space<vmem>>, vector<16xf32>,
        tpu.vector_store_idx %arg10[%shift_right_logical3A_855, %and3A_858], %get3A_860 : memref<512x128xf32, #tpu.memory_space<vmem>>[vector<16xi32>, vector<16xi32>], vector<16xf32>,
        %mul3A_861 = arith.constant 10 : i32
        %mul3A_862 = arith.muli %scan3A_734, %mul3A_861 : i32
        %mul3A_863 = arith.constant 16 : i32
        %mul3A_864 = arith.muli %mul3A_862, %mul3A_863 : i32
        %add3A_865 = arith.constant 128 : i32
        %add3A_866 = arith.addi %mul3A_864, %add3A_865 : i32
        %get3A_867 = arith.index_cast %add3A_866 : i32 to index
        %get3A_868 = tpu.vector_load %arg15[%get3A_867] {strides = array<i32>} : memref<4000xi32, #tpu.memory_space<vmem>>, vector<16xi32>,
        %shift_right_logical3A_869 = arith.constant 7 : i32
        %shift_right_logical3A_870 = vector.broadcast %shift_right_logical3A_869 : i32 to vector<16xi32>
        %shift_right_logical3A_871 = arith.shrui %get3A_868, %shift_right_logical3A_870 : vector<16xi32>
        %and3A_872 = arith.constant 127 : i32
        %and3A_873 = vector.broadcast %and3A_872 : i32 to vector<16xi32>
        %and3A_874 = arith.andi %get3A_868, %and3A_873 : vector<16xi32>
        %get3A_875 = arith.index_cast %add3A_866 : i32 to index
        %get3A_876 = tpu.vector_load %arg12[%get3A_875] {strides = array<i32>} : memref<4000xf32, #tpu.memory_space<vmem>>, vector<16xf32>,
        tpu.vector_store_idx %arg10[%shift_right_logical3A_871, %and3A_874], %get3A_876 : memref<512x128xf32, #tpu.memory_space<vmem>>[vector<16xi32>, vector<16xi32>], vector<16xf32>,
        %mul3A_877 = arith.constant 10 : i32
        %mul3A_878 = arith.muli %scan3A_734, %mul3A_877 : i32
        %mul3A_879 = arith.constant 16 : i32
        %mul3A_880 = arith.muli %mul3A_878, %mul3A_879 : i32
        %add3A_881 = arith.constant 144 : i32
        %add3A_882 = arith.addi %mul3A_880, %add3A_881 : i32
        %get3A_883 = arith.index_cast %add3A_882 : i32 to index
        %get3A_884 = tpu.vector_load %arg15[%get3A_883] {strides = array<i32>} : memref<4000xi32, #tpu.memory_space<vmem>>, vector<16xi32>,
        %shift_right_logical3A_885 = arith.constant 7 : i32
        %shift_right_logical3A_886 = vector.broadcast %shift_right_logical3A_885 : i32 to vector<16xi32>
        %shift_right_logical3A_887 = arith.shrui %get3A_884, %shift_right_logical3A_886 : vector<16xi32>
        %and3A_888 = arith.constant 127 : i32
        %and3A_889 = vector.broadcast %and3A_888 : i32 to vector<16xi32>
        %and3A_890 = arith.andi %get3A_884, %and3A_889 : vector<16xi32>
        %get3A_891 = arith.index_cast %add3A_882 : i32 to index
        %get3A_892 = tpu.vector_load %arg12[%get3A_891] {strides = array<i32>} : memref<4000xf32, #tpu.memory_space<vmem>>, vector<16xf32>,
        tpu.vector_store_idx %arg10[%shift_right_logical3A_887, %and3A_890], %get3A_892 : memref<512x128xf32, #tpu.memory_space<vmem>>[vector<16xi32>, vector<16xi32>], vector<16xf32>,
      }
      %scan3A_240 = arith.constant 25 : i32
      %mul3A_241 = arith.constant 128 : i32
      %mul3A_242 = arith.muli %select_n3A, %mul3A_241 : i32
      %add3A_243 = arith.addi %mul3A_242, %add3A_121 : i32
      %mul3A_244 = arith.constant 40000 : i32
      %mul3A_245 = arith.muli %add3A_243, %mul3A_244 : i32
      %mul3A_246 = arith.constant 40000 : i32
      %mul3A_247 = arith.muli %select_n3A, %mul3A_246 : i32
      %add3A_248 = arith.constant 28000 : i32
      %add3A_249 = arith.addi %mul3A_247, %add3A_248 : i32
      %dma_start3A_250 = tpu.memref_slice %arg3[%add3A_249] : memref<160000xi32, #tpu.memory_space<hbm>> -> memref<4000xi32, #tpu.memory_space<hbm>>
      %dma_start3A_251 = tpu.memref_slice %arg3[%add3A_249] : memref<160000xi32, #tpu.memory_space<hbm>> -> memref<4000xi32, #tpu.memory_space<hbm>>
      tpu.enqueue_dma source(%dma_start3A_251 : memref<4000xi32, #tpu.memory_space<hbm>>) target(%arg15 : memref<4000xi32, #tpu.memory_space<vmem>>) target_semaphore(%arg27 : memref<!tpu.dma_semaphore, #tpu.memory_space<semaphore_mem>>)
      %add3A_252 = arith.constant 28000 : i32
      %add3A_253 = arith.addi %mul3A_245, %add3A_252 : i32
      %dma_start3A_254 = tpu.memref_slice %arg2[%add3A_253] : memref<20480000xf32, #tpu.memory_space<hbm>> -> memref<4000xf32, #tpu.memory_space<hbm>>
      %dma_start3A_255 = tpu.memref_slice %arg2[%add3A_253] : memref<20480000xf32, #tpu.memory_space<hbm>> -> memref<4000xf32, #tpu.memory_space<hbm>>
      tpu.enqueue_dma source(%dma_start3A_255 : memref<4000xf32, #tpu.memory_space<hbm>>) target(%arg12 : memref<4000xf32, #tpu.memory_space<vmem>>) target_semaphore(%arg27 : memref<!tpu.dma_semaphore, #tpu.memory_space<semaphore_mem>>)
      %dma_wait3A_256 = tpu.memref_slice %arg3[%add3A_201] : memref<160000xi32, #tpu.memory_space<hbm>> -> memref<4000xi32, #tpu.memory_space<hbm>>
      %dma_wait3A_257 = tpu.memref_slice %arg3[%add3A_201] : memref<160000xi32, #tpu.memory_space<hbm>> -> memref<4000xi32, #tpu.memory_space<hbm>>
      tpu.wait_dma2 semaphore(%arg28 : memref<!tpu.dma_semaphore, #tpu.memory_space<semaphore_mem>>) src(%dma_wait3A_257 : memref<4000xi32, #tpu.memory_space<hbm>>) dst(%arg16 : memref<4000xi32, #tpu.memory_space<vmem>>)
      %dma_wait3A_258 = tpu.memref_slice %arg2[%add3A_205] : memref<20480000xf32, #tpu.memory_space<hbm>> -> memref<4000xf32, #tpu.memory_space<hbm>>
      %dma_wait3A_259 = tpu.memref_slice %arg2[%add3A_205] : memref<20480000xf32, #tpu.memory_space<hbm>> -> memref<4000xf32, #tpu.memory_space<hbm>>
      tpu.wait_dma2 semaphore(%arg28 : memref<!tpu.dma_semaphore, #tpu.memory_space<semaphore_mem>>) src(%dma_wait3A_259 : memref<4000xf32, #tpu.memory_space<hbm>>) dst(%arg13 : memref<4000xf32, #tpu.memory_space<vmem>>)
      %scan3A_260 = arith.constant 0 : i32
      %scan3A_261 = arith.constant 25 : i32
      %scan3A_262 = arith.addi %scan3A_260, %scan3A_261 : i32
      %scan3A_263 = arith.constant 1 : i32
      scf.for %scan3A_734 = %scan3A_260 to %scan3A_262 step %scan3A_263  : i32 {
        %mul3A_735 = arith.constant 10 : i32
        %mul3A_736 = arith.muli %scan3A_734, %mul3A_735 : i32
        %mul3A_737 = arith.constant 16 : i32
        %mul3A_738 = arith.muli %mul3A_736, %mul3A_737 : i32
        %add3A_739 = arith.constant 0 : i32
        %add3A_740 = arith.addi %mul3A_738, %add3A_739 : i32
        %get3A = arith.index_cast %add3A_740 : i32 to index
        %get3A_741 = tpu.vector_load %arg16[%get3A] {strides = array<i32>} : memref<4000xi32, #tpu.memory_space<vmem>>, vector<16xi32>,
        %shift_right_logical3A = arith.constant 7 : i32
        %shift_right_logical3A_742 = vector.broadcast %shift_right_logical3A : i32 to vector<16xi32>
        %shift_right_logical3A_743 = arith.shrui %get3A_741, %shift_right_logical3A_742 : vector<16xi32>
        %and3A_744 = arith.constant 127 : i32
        %and3A_745 = vector.broadcast %and3A_744 : i32 to vector<16xi32>
        %and3A_746 = arith.andi %get3A_741, %and3A_745 : vector<16xi32>
        %get3A_747 = arith.index_cast %add3A_740 : i32 to index
        %get3A_748 = tpu.vector_load %arg13[%get3A_747] {strides = array<i32>} : memref<4000xf32, #tpu.memory_space<vmem>>, vector<16xf32>,
        tpu.vector_store_idx %arg10[%shift_right_logical3A_743, %and3A_746], %get3A_748 : memref<512x128xf32, #tpu.memory_space<vmem>>[vector<16xi32>, vector<16xi32>], vector<16xf32>,
        %mul3A_749 = arith.constant 10 : i32
        %mul3A_750 = arith.muli %scan3A_734, %mul3A_749 : i32
        %mul3A_751 = arith.constant 16 : i32
        %mul3A_752 = arith.muli %mul3A_750, %mul3A_751 : i32
        %add3A_753 = arith.constant 16 : i32
        %add3A_754 = arith.addi %mul3A_752, %add3A_753 : i32
        %get3A_755 = arith.index_cast %add3A_754 : i32 to index
        %get3A_756 = tpu.vector_load %arg16[%get3A_755] {strides = array<i32>} : memref<4000xi32, #tpu.memory_space<vmem>>, vector<16xi32>,
        %shift_right_logical3A_757 = arith.constant 7 : i32
        %shift_right_logical3A_758 = vector.broadcast %shift_right_logical3A_757 : i32 to vector<16xi32>
        %shift_right_logical3A_759 = arith.shrui %get3A_756, %shift_right_logical3A_758 : vector<16xi32>
        %and3A_760 = arith.constant 127 : i32
        %and3A_761 = vector.broadcast %and3A_760 : i32 to vector<16xi32>
        %and3A_762 = arith.andi %get3A_756, %and3A_761 : vector<16xi32>
        %get3A_763 = arith.index_cast %add3A_754 : i32 to index
        %get3A_764 = tpu.vector_load %arg13[%get3A_763] {strides = array<i32>} : memref<4000xf32, #tpu.memory_space<vmem>>, vector<16xf32>,
        tpu.vector_store_idx %arg10[%shift_right_logical3A_759, %and3A_762], %get3A_764 : memref<512x128xf32, #tpu.memory_space<vmem>>[vector<16xi32>, vector<16xi32>], vector<16xf32>,
        %mul3A_765 = arith.constant 10 : i32
        %mul3A_766 = arith.muli %scan3A_734, %mul3A_765 : i32
        %mul3A_767 = arith.constant 16 : i32
        %mul3A_768 = arith.muli %mul3A_766, %mul3A_767 : i32
        %add3A_769 = arith.constant 32 : i32
        %add3A_770 = arith.addi %mul3A_768, %add3A_769 : i32
        %get3A_771 = arith.index_cast %add3A_770 : i32 to index
        %get3A_772 = tpu.vector_load %arg16[%get3A_771] {strides = array<i32>} : memref<4000xi32, #tpu.memory_space<vmem>>, vector<16xi32>,
        %shift_right_logical3A_773 = arith.constant 7 : i32
        %shift_right_logical3A_774 = vector.broadcast %shift_right_logical3A_773 : i32 to vector<16xi32>
        %shift_right_logical3A_775 = arith.shrui %get3A_772, %shift_right_logical3A_774 : vector<16xi32>
        %and3A_776 = arith.constant 127 : i32
        %and3A_777 = vector.broadcast %and3A_776 : i32 to vector<16xi32>
        %and3A_778 = arith.andi %get3A_772, %and3A_777 : vector<16xi32>
        %get3A_779 = arith.index_cast %add3A_770 : i32 to index
        %get3A_780 = tpu.vector_load %arg13[%get3A_779] {strides = array<i32>} : memref<4000xf32, #tpu.memory_space<vmem>>, vector<16xf32>,
        tpu.vector_store_idx %arg10[%shift_right_logical3A_775, %and3A_778], %get3A_780 : memref<512x128xf32, #tpu.memory_space<vmem>>[vector<16xi32>, vector<16xi32>], vector<16xf32>,
        %mul3A_781 = arith.constant 10 : i32
        %mul3A_782 = arith.muli %scan3A_734, %mul3A_781 : i32
        %mul3A_783 = arith.constant 16 : i32
        %mul3A_784 = arith.muli %mul3A_782, %mul3A_783 : i32
        %add3A_785 = arith.constant 48 : i32
        %add3A_786 = arith.addi %mul3A_784, %add3A_785 : i32
        %get3A_787 = arith.index_cast %add3A_786 : i32 to index
        %get3A_788 = tpu.vector_load %arg16[%get3A_787] {strides = array<i32>} : memref<4000xi32, #tpu.memory_space<vmem>>, vector<16xi32>,
        %shift_right_logical3A_789 = arith.constant 7 : i32
        %shift_right_logical3A_790 = vector.broadcast %shift_right_logical3A_789 : i32 to vector<16xi32>
        %shift_right_logical3A_791 = arith.shrui %get3A_788, %shift_right_logical3A_790 : vector<16xi32>
        %and3A_792 = arith.constant 127 : i32
        %and3A_793 = vector.broadcast %and3A_792 : i32 to vector<16xi32>
        %and3A_794 = arith.andi %get3A_788, %and3A_793 : vector<16xi32>
        %get3A_795 = arith.index_cast %add3A_786 : i32 to index
        %get3A_796 = tpu.vector_load %arg13[%get3A_795] {strides = array<i32>} : memref<4000xf32, #tpu.memory_space<vmem>>, vector<16xf32>,
        tpu.vector_store_idx %arg10[%shift_right_logical3A_791, %and3A_794], %get3A_796 : memref<512x128xf32, #tpu.memory_space<vmem>>[vector<16xi32>, vector<16xi32>], vector<16xf32>,
        %mul3A_797 = arith.constant 10 : i32
        %mul3A_798 = arith.muli %scan3A_734, %mul3A_797 : i32
        %mul3A_799 = arith.constant 16 : i32
        %mul3A_800 = arith.muli %mul3A_798, %mul3A_799 : i32
        %add3A_801 = arith.constant 64 : i32
        %add3A_802 = arith.addi %mul3A_800, %add3A_801 : i32
        %get3A_803 = arith.index_cast %add3A_802 : i32 to index
        %get3A_804 = tpu.vector_load %arg16[%get3A_803] {strides = array<i32>} : memref<4000xi32, #tpu.memory_space<vmem>>, vector<16xi32>,
        %shift_right_logical3A_805 = arith.constant 7 : i32
        %shift_right_logical3A_806 = vector.broadcast %shift_right_logical3A_805 : i32 to vector<16xi32>
        %shift_right_logical3A_807 = arith.shrui %get3A_804, %shift_right_logical3A_806 : vector<16xi32>
        %and3A_808 = arith.constant 127 : i32
        %and3A_809 = vector.broadcast %and3A_808 : i32 to vector<16xi32>
        %and3A_810 = arith.andi %get3A_804, %and3A_809 : vector<16xi32>
        %get3A_811 = arith.index_cast %add3A_802 : i32 to index
        %get3A_812 = tpu.vector_load %arg13[%get3A_811] {strides = array<i32>} : memref<4000xf32, #tpu.memory_space<vmem>>, vector<16xf32>,
        tpu.vector_store_idx %arg10[%shift_right_logical3A_807, %and3A_810], %get3A_812 : memref<512x128xf32, #tpu.memory_space<vmem>>[vector<16xi32>, vector<16xi32>], vector<16xf32>,
        %mul3A_813 = arith.constant 10 : i32
        %mul3A_814 = arith.muli %scan3A_734, %mul3A_813 : i32
        %mul3A_815 = arith.constant 16 : i32
        %mul3A_816 = arith.muli %mul3A_814, %mul3A_815 : i32
        %add3A_817 = arith.constant 80 : i32
        %add3A_818 = arith.addi %mul3A_816, %add3A_817 : i32
        %get3A_819 = arith.index_cast %add3A_818 : i32 to index
        %get3A_820 = tpu.vector_load %arg16[%get3A_819] {strides = array<i32>} : memref<4000xi32, #tpu.memory_space<vmem>>, vector<16xi32>,
        %shift_right_logical3A_821 = arith.constant 7 : i32
        %shift_right_logical3A_822 = vector.broadcast %shift_right_logical3A_821 : i32 to vector<16xi32>
        %shift_right_logical3A_823 = arith.shrui %get3A_820, %shift_right_logical3A_822 : vector<16xi32>
        %and3A_824 = arith.constant 127 : i32
        %and3A_825 = vector.broadcast %and3A_824 : i32 to vector<16xi32>
        %and3A_826 = arith.andi %get3A_820, %and3A_825 : vector<16xi32>
        %get3A_827 = arith.index_cast %add3A_818 : i32 to index
        %get3A_828 = tpu.vector_load %arg13[%get3A_827] {strides = array<i32>} : memref<4000xf32, #tpu.memory_space<vmem>>, vector<16xf32>,
        tpu.vector_store_idx %arg10[%shift_right_logical3A_823, %and3A_826], %get3A_828 : memref<512x128xf32, #tpu.memory_space<vmem>>[vector<16xi32>, vector<16xi32>], vector<16xf32>,
        %mul3A_829 = arith.constant 10 : i32
        %mul3A_830 = arith.muli %scan3A_734, %mul3A_829 : i32
        %mul3A_831 = arith.constant 16 : i32
        %mul3A_832 = arith.muli %mul3A_830, %mul3A_831 : i32
        %add3A_833 = arith.constant 96 : i32
        %add3A_834 = arith.addi %mul3A_832, %add3A_833 : i32
        %get3A_835 = arith.index_cast %add3A_834 : i32 to index
        %get3A_836 = tpu.vector_load %arg16[%get3A_835] {strides = array<i32>} : memref<4000xi32, #tpu.memory_space<vmem>>, vector<16xi32>,
        %shift_right_logical3A_837 = arith.constant 7 : i32
        %shift_right_logical3A_838 = vector.broadcast %shift_right_logical3A_837 : i32 to vector<16xi32>
        %shift_right_logical3A_839 = arith.shrui %get3A_836, %shift_right_logical3A_838 : vector<16xi32>
        %and3A_840 = arith.constant 127 : i32
        %and3A_841 = vector.broadcast %and3A_840 : i32 to vector<16xi32>
        %and3A_842 = arith.andi %get3A_836, %and3A_841 : vector<16xi32>
        %get3A_843 = arith.index_cast %add3A_834 : i32 to index
        %get3A_844 = tpu.vector_load %arg13[%get3A_843] {strides = array<i32>} : memref<4000xf32, #tpu.memory_space<vmem>>, vector<16xf32>,
        tpu.vector_store_idx %arg10[%shift_right_logical3A_839, %and3A_842], %get3A_844 : memref<512x128xf32, #tpu.memory_space<vmem>>[vector<16xi32>, vector<16xi32>], vector<16xf32>,
        %mul3A_845 = arith.constant 10 : i32
        %mul3A_846 = arith.muli %scan3A_734, %mul3A_845 : i32
        %mul3A_847 = arith.constant 16 : i32
        %mul3A_848 = arith.muli %mul3A_846, %mul3A_847 : i32
        %add3A_849 = arith.constant 112 : i32
        %add3A_850 = arith.addi %mul3A_848, %add3A_849 : i32
        %get3A_851 = arith.index_cast %add3A_850 : i32 to index
        %get3A_852 = tpu.vector_load %arg16[%get3A_851] {strides = array<i32>} : memref<4000xi32, #tpu.memory_space<vmem>>, vector<16xi32>,
        %shift_right_logical3A_853 = arith.constant 7 : i32
        %shift_right_logical3A_854 = vector.broadcast %shift_right_logical3A_853 : i32 to vector<16xi32>
        %shift_right_logical3A_855 = arith.shrui %get3A_852, %shift_right_logical3A_854 : vector<16xi32>
        %and3A_856 = arith.constant 127 : i32
        %and3A_857 = vector.broadcast %and3A_856 : i32 to vector<16xi32>
        %and3A_858 = arith.andi %get3A_852, %and3A_857 : vector<16xi32>
        %get3A_859 = arith.index_cast %add3A_850 : i32 to index
        %get3A_860 = tpu.vector_load %arg13[%get3A_859] {strides = array<i32>} : memref<4000xf32, #tpu.memory_space<vmem>>, vector<16xf32>,
        tpu.vector_store_idx %arg10[%shift_right_logical3A_855, %and3A_858], %get3A_860 : memref<512x128xf32, #tpu.memory_space<vmem>>[vector<16xi32>, vector<16xi32>], vector<16xf32>,
        %mul3A_861 = arith.constant 10 : i32
        %mul3A_862 = arith.muli %scan3A_734, %mul3A_861 : i32
        %mul3A_863 = arith.constant 16 : i32
        %mul3A_864 = arith.muli %mul3A_862, %mul3A_863 : i32
        %add3A_865 = arith.constant 128 : i32
        %add3A_866 = arith.addi %mul3A_864, %add3A_865 : i32
        %get3A_867 = arith.index_cast %add3A_866 : i32 to index
        %get3A_868 = tpu.vector_load %arg16[%get3A_867] {strides = array<i32>} : memref<4000xi32, #tpu.memory_space<vmem>>, vector<16xi32>,
        %shift_right_logical3A_869 = arith.constant 7 : i32
        %shift_right_logical3A_870 = vector.broadcast %shift_right_logical3A_869 : i32 to vector<16xi32>
        %shift_right_logical3A_871 = arith.shrui %get3A_868, %shift_right_logical3A_870 : vector<16xi32>
        %and3A_872 = arith.constant 127 : i32
        %and3A_873 = vector.broadcast %and3A_872 : i32 to vector<16xi32>
        %and3A_874 = arith.andi %get3A_868, %and3A_873 : vector<16xi32>
        %get3A_875 = arith.index_cast %add3A_866 : i32 to index
        %get3A_876 = tpu.vector_load %arg13[%get3A_875] {strides = array<i32>} : memref<4000xf32, #tpu.memory_space<vmem>>, vector<16xf32>,
        tpu.vector_store_idx %arg10[%shift_right_logical3A_871, %and3A_874], %get3A_876 : memref<512x128xf32, #tpu.memory_space<vmem>>[vector<16xi32>, vector<16xi32>], vector<16xf32>,
        %mul3A_877 = arith.constant 10 : i32
        %mul3A_878 = arith.muli %scan3A_734, %mul3A_877 : i32
        %mul3A_879 = arith.constant 16 : i32
        %mul3A_880 = arith.muli %mul3A_878, %mul3A_879 : i32
        %add3A_881 = arith.constant 144 : i32
        %add3A_882 = arith.addi %mul3A_880, %add3A_881 : i32
        %get3A_883 = arith.index_cast %add3A_882 : i32 to index
        %get3A_884 = tpu.vector_load %arg16[%get3A_883] {strides = array<i32>} : memref<4000xi32, #tpu.memory_space<vmem>>, vector<16xi32>,
        %shift_right_logical3A_885 = arith.constant 7 : i32
        %shift_right_logical3A_886 = vector.broadcast %shift_right_logical3A_885 : i32 to vector<16xi32>
        %shift_right_logical3A_887 = arith.shrui %get3A_884, %shift_right_logical3A_886 : vector<16xi32>
        %and3A_888 = arith.constant 127 : i32
        %and3A_889 = vector.broadcast %and3A_888 : i32 to vector<16xi32>
        %and3A_890 = arith.andi %get3A_884, %and3A_889 : vector<16xi32>
        %get3A_891 = arith.index_cast %add3A_882 : i32 to index
        %get3A_892 = tpu.vector_load %arg13[%get3A_891] {strides = array<i32>} : memref<4000xf32, #tpu.memory_space<vmem>>, vector<16xf32>,
        tpu.vector_store_idx %arg10[%shift_right_logical3A_887, %and3A_890], %get3A_892 : memref<512x128xf32, #tpu.memory_space<vmem>>[vector<16xi32>, vector<16xi32>], vector<16xf32>,
      }
      %scan3A_264 = arith.constant 25 : i32
      %mul3A_265 = arith.constant 128 : i32
      %mul3A_266 = arith.muli %select_n3A, %mul3A_265 : i32
      %add3A_267 = arith.addi %mul3A_266, %add3A_121 : i32
      %mul3A_268 = arith.constant 40000 : i32
      %mul3A_269 = arith.muli %add3A_267, %mul3A_268 : i32
      %mul3A_270 = arith.constant 40000 : i32
      %mul3A_271 = arith.muli %select_n3A, %mul3A_270 : i32
      %add3A_272 = arith.constant 32000 : i32
      %add3A_273 = arith.addi %mul3A_271, %add3A_272 : i32
      %dma_start3A_274 = tpu.memref_slice %arg3[%add3A_273] : memref<160000xi32, #tpu.memory_space<hbm>> -> memref<4000xi32, #tpu.memory_space<hbm>>
      %dma_start3A_275 = tpu.memref_slice %arg3[%add3A_273] : memref<160000xi32, #tpu.memory_space<hbm>> -> memref<4000xi32, #tpu.memory_space<hbm>>
      tpu.enqueue_dma source(%dma_start3A_275 : memref<4000xi32, #tpu.memory_space<hbm>>) target(%arg16 : memref<4000xi32, #tpu.memory_space<vmem>>) target_semaphore(%arg28 : memref<!tpu.dma_semaphore, #tpu.memory_space<semaphore_mem>>)
      %add3A_276 = arith.constant 32000 : i32
      %add3A_277 = arith.addi %mul3A_269, %add3A_276 : i32
      %dma_start3A_278 = tpu.memref_slice %arg2[%add3A_277] : memref<20480000xf32, #tpu.memory_space<hbm>> -> memref<4000xf32, #tpu.memory_space<hbm>>
      %dma_start3A_279 = tpu.memref_slice %arg2[%add3A_277] : memref<20480000xf32, #tpu.memory_space<hbm>> -> memref<4000xf32, #tpu.memory_space<hbm>>
      tpu.enqueue_dma source(%dma_start3A_279 : memref<4000xf32, #tpu.memory_space<hbm>>) target(%arg13 : memref<4000xf32, #tpu.memory_space<vmem>>) target_semaphore(%arg28 : memref<!tpu.dma_semaphore, #tpu.memory_space<semaphore_mem>>)
      %dma_wait3A_280 = tpu.memref_slice %arg3[%add3A_225] : memref<160000xi32, #tpu.memory_space<hbm>> -> memref<4000xi32, #tpu.memory_space<hbm>>
      %dma_wait3A_281 = tpu.memref_slice %arg3[%add3A_225] : memref<160000xi32, #tpu.memory_space<hbm>> -> memref<4000xi32, #tpu.memory_space<hbm>>
      tpu.wait_dma2 semaphore(%arg26 : memref<!tpu.dma_semaphore, #tpu.memory_space<semaphore_mem>>) src(%dma_wait3A_281 : memref<4000xi32, #tpu.memory_space<hbm>>) dst(%arg14 : memref<4000xi32, #tpu.memory_space<vmem>>)
      %dma_wait3A_282 = tpu.memref_slice %arg2[%add3A_229] : memref<20480000xf32, #tpu.memory_space<hbm>> -> memref<4000xf32, #tpu.memory_space<hbm>>
      %dma_wait3A_283 = tpu.memref_slice %arg2[%add3A_229] : memref<20480000xf32, #tpu.memory_space<hbm>> -> memref<4000xf32, #tpu.memory_space<hbm>>
      tpu.wait_dma2 semaphore(%arg26 : memref<!tpu.dma_semaphore, #tpu.memory_space<semaphore_mem>>) src(%dma_wait3A_283 : memref<4000xf32, #tpu.memory_space<hbm>>) dst(%arg11 : memref<4000xf32, #tpu.memory_space<vmem>>)
      %scan3A_284 = arith.constant 0 : i32
      %scan3A_285 = arith.constant 25 : i32
      %scan3A_286 = arith.addi %scan3A_284, %scan3A_285 : i32
      %scan3A_287 = arith.constant 1 : i32
      scf.for %scan3A_734 = %scan3A_284 to %scan3A_286 step %scan3A_287  : i32 {
        %mul3A_735 = arith.constant 10 : i32
        %mul3A_736 = arith.muli %scan3A_734, %mul3A_735 : i32
        %mul3A_737 = arith.constant 16 : i32
        %mul3A_738 = arith.muli %mul3A_736, %mul3A_737 : i32
        %add3A_739 = arith.constant 0 : i32
        %add3A_740 = arith.addi %mul3A_738, %add3A_739 : i32
        %get3A = arith.index_cast %add3A_740 : i32 to index
        %get3A_741 = tpu.vector_load %arg14[%get3A] {strides = array<i32>} : memref<4000xi32, #tpu.memory_space<vmem>>, vector<16xi32>,
        %shift_right_logical3A = arith.constant 7 : i32
        %shift_right_logical3A_742 = vector.broadcast %shift_right_logical3A : i32 to vector<16xi32>
        %shift_right_logical3A_743 = arith.shrui %get3A_741, %shift_right_logical3A_742 : vector<16xi32>
        %and3A_744 = arith.constant 127 : i32
        %and3A_745 = vector.broadcast %and3A_744 : i32 to vector<16xi32>
        %and3A_746 = arith.andi %get3A_741, %and3A_745 : vector<16xi32>
        %get3A_747 = arith.index_cast %add3A_740 : i32 to index
        %get3A_748 = tpu.vector_load %arg11[%get3A_747] {strides = array<i32>} : memref<4000xf32, #tpu.memory_space<vmem>>, vector<16xf32>,
        tpu.vector_store_idx %arg10[%shift_right_logical3A_743, %and3A_746], %get3A_748 : memref<512x128xf32, #tpu.memory_space<vmem>>[vector<16xi32>, vector<16xi32>], vector<16xf32>,
        %mul3A_749 = arith.constant 10 : i32
        %mul3A_750 = arith.muli %scan3A_734, %mul3A_749 : i32
        %mul3A_751 = arith.constant 16 : i32
        %mul3A_752 = arith.muli %mul3A_750, %mul3A_751 : i32
        %add3A_753 = arith.constant 16 : i32
        %add3A_754 = arith.addi %mul3A_752, %add3A_753 : i32
        %get3A_755 = arith.index_cast %add3A_754 : i32 to index
        %get3A_756 = tpu.vector_load %arg14[%get3A_755] {strides = array<i32>} : memref<4000xi32, #tpu.memory_space<vmem>>, vector<16xi32>,
        %shift_right_logical3A_757 = arith.constant 7 : i32
        %shift_right_logical3A_758 = vector.broadcast %shift_right_logical3A_757 : i32 to vector<16xi32>
        %shift_right_logical3A_759 = arith.shrui %get3A_756, %shift_right_logical3A_758 : vector<16xi32>
        %and3A_760 = arith.constant 127 : i32
        %and3A_761 = vector.broadcast %and3A_760 : i32 to vector<16xi32>
        %and3A_762 = arith.andi %get3A_756, %and3A_761 : vector<16xi32>
        %get3A_763 = arith.index_cast %add3A_754 : i32 to index
        %get3A_764 = tpu.vector_load %arg11[%get3A_763] {strides = array<i32>} : memref<4000xf32, #tpu.memory_space<vmem>>, vector<16xf32>,
        tpu.vector_store_idx %arg10[%shift_right_logical3A_759, %and3A_762], %get3A_764 : memref<512x128xf32, #tpu.memory_space<vmem>>[vector<16xi32>, vector<16xi32>], vector<16xf32>,
        %mul3A_765 = arith.constant 10 : i32
        %mul3A_766 = arith.muli %scan3A_734, %mul3A_765 : i32
        %mul3A_767 = arith.constant 16 : i32
        %mul3A_768 = arith.muli %mul3A_766, %mul3A_767 : i32
        %add3A_769 = arith.constant 32 : i32
        %add3A_770 = arith.addi %mul3A_768, %add3A_769 : i32
        %get3A_771 = arith.index_cast %add3A_770 : i32 to index
        %get3A_772 = tpu.vector_load %arg14[%get3A_771] {strides = array<i32>} : memref<4000xi32, #tpu.memory_space<vmem>>, vector<16xi32>,
        %shift_right_logical3A_773 = arith.constant 7 : i32
        %shift_right_logical3A_774 = vector.broadcast %shift_right_logical3A_773 : i32 to vector<16xi32>
        %shift_right_logical3A_775 = arith.shrui %get3A_772, %shift_right_logical3A_774 : vector<16xi32>
        %and3A_776 = arith.constant 127 : i32
        %and3A_777 = vector.broadcast %and3A_776 : i32 to vector<16xi32>
        %and3A_778 = arith.andi %get3A_772, %and3A_777 : vector<16xi32>
        %get3A_779 = arith.index_cast %add3A_770 : i32 to index
        %get3A_780 = tpu.vector_load %arg11[%get3A_779] {strides = array<i32>} : memref<4000xf32, #tpu.memory_space<vmem>>, vector<16xf32>,
        tpu.vector_store_idx %arg10[%shift_right_logical3A_775, %and3A_778], %get3A_780 : memref<512x128xf32, #tpu.memory_space<vmem>>[vector<16xi32>, vector<16xi32>], vector<16xf32>,
        %mul3A_781 = arith.constant 10 : i32
        %mul3A_782 = arith.muli %scan3A_734, %mul3A_781 : i32
        %mul3A_783 = arith.constant 16 : i32
        %mul3A_784 = arith.muli %mul3A_782, %mul3A_783 : i32
        %add3A_785 = arith.constant 48 : i32
        %add3A_786 = arith.addi %mul3A_784, %add3A_785 : i32
        %get3A_787 = arith.index_cast %add3A_786 : i32 to index
        %get3A_788 = tpu.vector_load %arg14[%get3A_787] {strides = array<i32>} : memref<4000xi32, #tpu.memory_space<vmem>>, vector<16xi32>,
        %shift_right_logical3A_789 = arith.constant 7 : i32
        %shift_right_logical3A_790 = vector.broadcast %shift_right_logical3A_789 : i32 to vector<16xi32>
        %shift_right_logical3A_791 = arith.shrui %get3A_788, %shift_right_logical3A_790 : vector<16xi32>
        %and3A_792 = arith.constant 127 : i32
        %and3A_793 = vector.broadcast %and3A_792 : i32 to vector<16xi32>
        %and3A_794 = arith.andi %get3A_788, %and3A_793 : vector<16xi32>
        %get3A_795 = arith.index_cast %add3A_786 : i32 to index
        %get3A_796 = tpu.vector_load %arg11[%get3A_795] {strides = array<i32>} : memref<4000xf32, #tpu.memory_space<vmem>>, vector<16xf32>,
        tpu.vector_store_idx %arg10[%shift_right_logical3A_791, %and3A_794], %get3A_796 : memref<512x128xf32, #tpu.memory_space<vmem>>[vector<16xi32>, vector<16xi32>], vector<16xf32>,
        %mul3A_797 = arith.constant 10 : i32
        %mul3A_798 = arith.muli %scan3A_734, %mul3A_797 : i32
        %mul3A_799 = arith.constant 16 : i32
        %mul3A_800 = arith.muli %mul3A_798, %mul3A_799 : i32
        %add3A_801 = arith.constant 64 : i32
        %add3A_802 = arith.addi %mul3A_800, %add3A_801 : i32
        %get3A_803 = arith.index_cast %add3A_802 : i32 to index
        %get3A_804 = tpu.vector_load %arg14[%get3A_803] {strides = array<i32>} : memref<4000xi32, #tpu.memory_space<vmem>>, vector<16xi32>,
        %shift_right_logical3A_805 = arith.constant 7 : i32
        %shift_right_logical3A_806 = vector.broadcast %shift_right_logical3A_805 : i32 to vector<16xi32>
        %shift_right_logical3A_807 = arith.shrui %get3A_804, %shift_right_logical3A_806 : vector<16xi32>
        %and3A_808 = arith.constant 127 : i32
        %and3A_809 = vector.broadcast %and3A_808 : i32 to vector<16xi32>
        %and3A_810 = arith.andi %get3A_804, %and3A_809 : vector<16xi32>
        %get3A_811 = arith.index_cast %add3A_802 : i32 to index
        %get3A_812 = tpu.vector_load %arg11[%get3A_811] {strides = array<i32>} : memref<4000xf32, #tpu.memory_space<vmem>>, vector<16xf32>,
        tpu.vector_store_idx %arg10[%shift_right_logical3A_807, %and3A_810], %get3A_812 : memref<512x128xf32, #tpu.memory_space<vmem>>[vector<16xi32>, vector<16xi32>], vector<16xf32>,
        %mul3A_813 = arith.constant 10 : i32
        %mul3A_814 = arith.muli %scan3A_734, %mul3A_813 : i32
        %mul3A_815 = arith.constant 16 : i32
        %mul3A_816 = arith.muli %mul3A_814, %mul3A_815 : i32
        %add3A_817 = arith.constant 80 : i32
        %add3A_818 = arith.addi %mul3A_816, %add3A_817 : i32
        %get3A_819 = arith.index_cast %add3A_818 : i32 to index
        %get3A_820 = tpu.vector_load %arg14[%get3A_819] {strides = array<i32>} : memref<4000xi32, #tpu.memory_space<vmem>>, vector<16xi32>,
        %shift_right_logical3A_821 = arith.constant 7 : i32
        %shift_right_logical3A_822 = vector.broadcast %shift_right_logical3A_821 : i32 to vector<16xi32>
        %shift_right_logical3A_823 = arith.shrui %get3A_820, %shift_right_logical3A_822 : vector<16xi32>
        %and3A_824 = arith.constant 127 : i32
        %and3A_825 = vector.broadcast %and3A_824 : i32 to vector<16xi32>
        %and3A_826 = arith.andi %get3A_820, %and3A_825 : vector<16xi32>
        %get3A_827 = arith.index_cast %add3A_818 : i32 to index
        %get3A_828 = tpu.vector_load %arg11[%get3A_827] {strides = array<i32>} : memref<4000xf32, #tpu.memory_space<vmem>>, vector<16xf32>,
        tpu.vector_store_idx %arg10[%shift_right_logical3A_823, %and3A_826], %get3A_828 : memref<512x128xf32, #tpu.memory_space<vmem>>[vector<16xi32>, vector<16xi32>], vector<16xf32>,
        %mul3A_829 = arith.constant 10 : i32
        %mul3A_830 = arith.muli %scan3A_734, %mul3A_829 : i32
        %mul3A_831 = arith.constant 16 : i32
        %mul3A_832 = arith.muli %mul3A_830, %mul3A_831 : i32
        %add3A_833 = arith.constant 96 : i32
        %add3A_834 = arith.addi %mul3A_832, %add3A_833 : i32
        %get3A_835 = arith.index_cast %add3A_834 : i32 to index
        %get3A_836 = tpu.vector_load %arg14[%get3A_835] {strides = array<i32>} : memref<4000xi32, #tpu.memory_space<vmem>>, vector<16xi32>,
        %shift_right_logical3A_837 = arith.constant 7 : i32
        %shift_right_logical3A_838 = vector.broadcast %shift_right_logical3A_837 : i32 to vector<16xi32>
        %shift_right_logical3A_839 = arith.shrui %get3A_836, %shift_right_logical3A_838 : vector<16xi32>
        %and3A_840 = arith.constant 127 : i32
        %and3A_841 = vector.broadcast %and3A_840 : i32 to vector<16xi32>
        %and3A_842 = arith.andi %get3A_836, %and3A_841 : vector<16xi32>
        %get3A_843 = arith.index_cast %add3A_834 : i32 to index
        %get3A_844 = tpu.vector_load %arg11[%get3A_843] {strides = array<i32>} : memref<4000xf32, #tpu.memory_space<vmem>>, vector<16xf32>,
        tpu.vector_store_idx %arg10[%shift_right_logical3A_839, %and3A_842], %get3A_844 : memref<512x128xf32, #tpu.memory_space<vmem>>[vector<16xi32>, vector<16xi32>], vector<16xf32>,
        %mul3A_845 = arith.constant 10 : i32
        %mul3A_846 = arith.muli %scan3A_734, %mul3A_845 : i32
        %mul3A_847 = arith.constant 16 : i32
        %mul3A_848 = arith.muli %mul3A_846, %mul3A_847 : i32
        %add3A_849 = arith.constant 112 : i32
        %add3A_850 = arith.addi %mul3A_848, %add3A_849 : i32
        %get3A_851 = arith.index_cast %add3A_850 : i32 to index
        %get3A_852 = tpu.vector_load %arg14[%get3A_851] {strides = array<i32>} : memref<4000xi32, #tpu.memory_space<vmem>>, vector<16xi32>,
        %shift_right_logical3A_853 = arith.constant 7 : i32
        %shift_right_logical3A_854 = vector.broadcast %shift_right_logical3A_853 : i32 to vector<16xi32>
        %shift_right_logical3A_855 = arith.shrui %get3A_852, %shift_right_logical3A_854 : vector<16xi32>
        %and3A_856 = arith.constant 127 : i32
        %and3A_857 = vector.broadcast %and3A_856 : i32 to vector<16xi32>
        %and3A_858 = arith.andi %get3A_852, %and3A_857 : vector<16xi32>
        %get3A_859 = arith.index_cast %add3A_850 : i32 to index
        %get3A_860 = tpu.vector_load %arg11[%get3A_859] {strides = array<i32>} : memref<4000xf32, #tpu.memory_space<vmem>>, vector<16xf32>,
        tpu.vector_store_idx %arg10[%shift_right_logical3A_855, %and3A_858], %get3A_860 : memref<512x128xf32, #tpu.memory_space<vmem>>[vector<16xi32>, vector<16xi32>], vector<16xf32>,
        %mul3A_861 = arith.constant 10 : i32
        %mul3A_862 = arith.muli %scan3A_734, %mul3A_861 : i32
        %mul3A_863 = arith.constant 16 : i32
        %mul3A_864 = arith.muli %mul3A_862, %mul3A_863 : i32
        %add3A_865 = arith.constant 128 : i32
        %add3A_866 = arith.addi %mul3A_864, %add3A_865 : i32
        %get3A_867 = arith.index_cast %add3A_866 : i32 to index
        %get3A_868 = tpu.vector_load %arg14[%get3A_867] {strides = array<i32>} : memref<4000xi32, #tpu.memory_space<vmem>>, vector<16xi32>,
        %shift_right_logical3A_869 = arith.constant 7 : i32
        %shift_right_logical3A_870 = vector.broadcast %shift_right_logical3A_869 : i32 to vector<16xi32>
        %shift_right_logical3A_871 = arith.shrui %get3A_868, %shift_right_logical3A_870 : vector<16xi32>
        %and3A_872 = arith.constant 127 : i32
        %and3A_873 = vector.broadcast %and3A_872 : i32 to vector<16xi32>
        %and3A_874 = arith.andi %get3A_868, %and3A_873 : vector<16xi32>
        %get3A_875 = arith.index_cast %add3A_866 : i32 to index
        %get3A_876 = tpu.vector_load %arg11[%get3A_875] {strides = array<i32>} : memref<4000xf32, #tpu.memory_space<vmem>>, vector<16xf32>,
        tpu.vector_store_idx %arg10[%shift_right_logical3A_871, %and3A_874], %get3A_876 : memref<512x128xf32, #tpu.memory_space<vmem>>[vector<16xi32>, vector<16xi32>], vector<16xf32>,
        %mul3A_877 = arith.constant 10 : i32
        %mul3A_878 = arith.muli %scan3A_734, %mul3A_877 : i32
        %mul3A_879 = arith.constant 16 : i32
        %mul3A_880 = arith.muli %mul3A_878, %mul3A_879 : i32
        %add3A_881 = arith.constant 144 : i32
        %add3A_882 = arith.addi %mul3A_880, %add3A_881 : i32
        %get3A_883 = arith.index_cast %add3A_882 : i32 to index
        %get3A_884 = tpu.vector_load %arg14[%get3A_883] {strides = array<i32>} : memref<4000xi32, #tpu.memory_space<vmem>>, vector<16xi32>,
        %shift_right_logical3A_885 = arith.constant 7 : i32
        %shift_right_logical3A_886 = vector.broadcast %shift_right_logical3A_885 : i32 to vector<16xi32>
        %shift_right_logical3A_887 = arith.shrui %get3A_884, %shift_right_logical3A_886 : vector<16xi32>
        %and3A_888 = arith.constant 127 : i32
        %and3A_889 = vector.broadcast %and3A_888 : i32 to vector<16xi32>
        %and3A_890 = arith.andi %get3A_884, %and3A_889 : vector<16xi32>
        %get3A_891 = arith.index_cast %add3A_882 : i32 to index
        %get3A_892 = tpu.vector_load %arg11[%get3A_891] {strides = array<i32>} : memref<4000xf32, #tpu.memory_space<vmem>>, vector<16xf32>,
        tpu.vector_store_idx %arg10[%shift_right_logical3A_887, %and3A_890], %get3A_892 : memref<512x128xf32, #tpu.memory_space<vmem>>[vector<16xi32>, vector<16xi32>], vector<16xf32>,
      }
      %scan3A_288 = arith.constant 25 : i32
      %mul3A_289 = arith.constant 128 : i32
      %mul3A_290 = arith.muli %select_n3A, %mul3A_289 : i32
      %add3A_291 = arith.addi %mul3A_290, %add3A_121 : i32
      %mul3A_292 = arith.constant 40000 : i32
      %mul3A_293 = arith.muli %add3A_291, %mul3A_292 : i32
      %mul3A_294 = arith.constant 40000 : i32
      %mul3A_295 = arith.muli %select_n3A, %mul3A_294 : i32
      %add3A_296 = arith.constant 36000 : i32
      %add3A_297 = arith.addi %mul3A_295, %add3A_296 : i32
      %dma_start3A_298 = tpu.memref_slice %arg3[%add3A_297] : memref<160000xi32, #tpu.memory_space<hbm>> -> memref<4000xi32, #tpu.memory_space<hbm>>
      %dma_start3A_299 = tpu.memref_slice %arg3[%add3A_297] : memref<160000xi32, #tpu.memory_space<hbm>> -> memref<4000xi32, #tpu.memory_space<hbm>>
      tpu.enqueue_dma source(%dma_start3A_299 : memref<4000xi32, #tpu.memory_space<hbm>>) target(%arg14 : memref<4000xi32, #tpu.memory_space<vmem>>) target_semaphore(%arg26 : memref<!tpu.dma_semaphore, #tpu.memory_space<semaphore_mem>>)
      %add3A_300 = arith.constant 36000 : i32
      %add3A_301 = arith.addi %mul3A_293, %add3A_300 : i32
      %dma_start3A_302 = tpu.memref_slice %arg2[%add3A_301] : memref<20480000xf32, #tpu.memory_space<hbm>> -> memref<4000xf32, #tpu.memory_space<hbm>>
      %dma_start3A_303 = tpu.memref_slice %arg2[%add3A_301] : memref<20480000xf32, #tpu.memory_space<hbm>> -> memref<4000xf32, #tpu.memory_space<hbm>>
      tpu.enqueue_dma source(%dma_start3A_303 : memref<4000xf32, #tpu.memory_space<hbm>>) target(%arg11 : memref<4000xf32, #tpu.memory_space<vmem>>) target_semaphore(%arg26 : memref<!tpu.dma_semaphore, #tpu.memory_space<semaphore_mem>>)
      %dma_wait3A_304 = tpu.memref_slice %arg3[%add3A_249] : memref<160000xi32, #tpu.memory_space<hbm>> -> memref<4000xi32, #tpu.memory_space<hbm>>
      %dma_wait3A_305 = tpu.memref_slice %arg3[%add3A_249] : memref<160000xi32, #tpu.memory_space<hbm>> -> memref<4000xi32, #tpu.memory_space<hbm>>
      tpu.wait_dma2 semaphore(%arg27 : memref<!tpu.dma_semaphore, #tpu.memory_space<semaphore_mem>>) src(%dma_wait3A_305 : memref<4000xi32, #tpu.memory_space<hbm>>) dst(%arg15 : memref<4000xi32, #tpu.memory_space<vmem>>)
      %dma_wait3A_306 = tpu.memref_slice %arg2[%add3A_253] : memref<20480000xf32, #tpu.memory_space<hbm>> -> memref<4000xf32, #tpu.memory_space<hbm>>
      %dma_wait3A_307 = tpu.memref_slice %arg2[%add3A_253] : memref<20480000xf32, #tpu.memory_space<hbm>> -> memref<4000xf32, #tpu.memory_space<hbm>>
      tpu.wait_dma2 semaphore(%arg27 : memref<!tpu.dma_semaphore, #tpu.memory_space<semaphore_mem>>) src(%dma_wait3A_307 : memref<4000xf32, #tpu.memory_space<hbm>>) dst(%arg12 : memref<4000xf32, #tpu.memory_space<vmem>>)
      %scan3A_308 = arith.constant 0 : i32
      %scan3A_309 = arith.constant 25 : i32
      %scan3A_310 = arith.addi %scan3A_308, %scan3A_309 : i32
      %scan3A_311 = arith.constant 1 : i32
      scf.for %scan3A_734 = %scan3A_308 to %scan3A_310 step %scan3A_311  : i32 {
        %mul3A_735 = arith.constant 10 : i32
        %mul3A_736 = arith.muli %scan3A_734, %mul3A_735 : i32
        %mul3A_737 = arith.constant 16 : i32
        %mul3A_738 = arith.muli %mul3A_736, %mul3A_737 : i32
        %add3A_739 = arith.constant 0 : i32
        %add3A_740 = arith.addi %mul3A_738, %add3A_739 : i32
        %get3A = arith.index_cast %add3A_740 : i32 to index
        %get3A_741 = tpu.vector_load %arg15[%get3A] {strides = array<i32>} : memref<4000xi32, #tpu.memory_space<vmem>>, vector<16xi32>,
        %shift_right_logical3A = arith.constant 7 : i32
        %shift_right_logical3A_742 = vector.broadcast %shift_right_logical3A : i32 to vector<16xi32>
        %shift_right_logical3A_743 = arith.shrui %get3A_741, %shift_right_logical3A_742 : vector<16xi32>
        %and3A_744 = arith.constant 127 : i32
        %and3A_745 = vector.broadcast %and3A_744 : i32 to vector<16xi32>
        %and3A_746 = arith.andi %get3A_741, %and3A_745 : vector<16xi32>
        %get3A_747 = arith.index_cast %add3A_740 : i32 to index
        %get3A_748 = tpu.vector_load %arg12[%get3A_747] {strides = array<i32>} : memref<4000xf32, #tpu.memory_space<vmem>>, vector<16xf32>,
        tpu.vector_store_idx %arg10[%shift_right_logical3A_743, %and3A_746], %get3A_748 : memref<512x128xf32, #tpu.memory_space<vmem>>[vector<16xi32>, vector<16xi32>], vector<16xf32>,
        %mul3A_749 = arith.constant 10 : i32
        %mul3A_750 = arith.muli %scan3A_734, %mul3A_749 : i32
        %mul3A_751 = arith.constant 16 : i32
        %mul3A_752 = arith.muli %mul3A_750, %mul3A_751 : i32
        %add3A_753 = arith.constant 16 : i32
        %add3A_754 = arith.addi %mul3A_752, %add3A_753 : i32
        %get3A_755 = arith.index_cast %add3A_754 : i32 to index
        %get3A_756 = tpu.vector_load %arg15[%get3A_755] {strides = array<i32>} : memref<4000xi32, #tpu.memory_space<vmem>>, vector<16xi32>,
        %shift_right_logical3A_757 = arith.constant 7 : i32
        %shift_right_logical3A_758 = vector.broadcast %shift_right_logical3A_757 : i32 to vector<16xi32>
        %shift_right_logical3A_759 = arith.shrui %get3A_756, %shift_right_logical3A_758 : vector<16xi32>
        %and3A_760 = arith.constant 127 : i32
        %and3A_761 = vector.broadcast %and3A_760 : i32 to vector<16xi32>
        %and3A_762 = arith.andi %get3A_756, %and3A_761 : vector<16xi32>
        %get3A_763 = arith.index_cast %add3A_754 : i32 to index
        %get3A_764 = tpu.vector_load %arg12[%get3A_763] {strides = array<i32>} : memref<4000xf32, #tpu.memory_space<vmem>>, vector<16xf32>,
        tpu.vector_store_idx %arg10[%shift_right_logical3A_759, %and3A_762], %get3A_764 : memref<512x128xf32, #tpu.memory_space<vmem>>[vector<16xi32>, vector<16xi32>], vector<16xf32>,
        %mul3A_765 = arith.constant 10 : i32
        %mul3A_766 = arith.muli %scan3A_734, %mul3A_765 : i32
        %mul3A_767 = arith.constant 16 : i32
        %mul3A_768 = arith.muli %mul3A_766, %mul3A_767 : i32
        %add3A_769 = arith.constant 32 : i32
        %add3A_770 = arith.addi %mul3A_768, %add3A_769 : i32
        %get3A_771 = arith.index_cast %add3A_770 : i32 to index
        %get3A_772 = tpu.vector_load %arg15[%get3A_771] {strides = array<i32>} : memref<4000xi32, #tpu.memory_space<vmem>>, vector<16xi32>,
        %shift_right_logical3A_773 = arith.constant 7 : i32
        %shift_right_logical3A_774 = vector.broadcast %shift_right_logical3A_773 : i32 to vector<16xi32>
        %shift_right_logical3A_775 = arith.shrui %get3A_772, %shift_right_logical3A_774 : vector<16xi32>
        %and3A_776 = arith.constant 127 : i32
        %and3A_777 = vector.broadcast %and3A_776 : i32 to vector<16xi32>
        %and3A_778 = arith.andi %get3A_772, %and3A_777 : vector<16xi32>
        %get3A_779 = arith.index_cast %add3A_770 : i32 to index
        %get3A_780 = tpu.vector_load %arg12[%get3A_779] {strides = array<i32>} : memref<4000xf32, #tpu.memory_space<vmem>>, vector<16xf32>,
        tpu.vector_store_idx %arg10[%shift_right_logical3A_775, %and3A_778], %get3A_780 : memref<512x128xf32, #tpu.memory_space<vmem>>[vector<16xi32>, vector<16xi32>], vector<16xf32>,
        %mul3A_781 = arith.constant 10 : i32
        %mul3A_782 = arith.muli %scan3A_734, %mul3A_781 : i32
        %mul3A_783 = arith.constant 16 : i32
        %mul3A_784 = arith.muli %mul3A_782, %mul3A_783 : i32
        %add3A_785 = arith.constant 48 : i32
        %add3A_786 = arith.addi %mul3A_784, %add3A_785 : i32
        %get3A_787 = arith.index_cast %add3A_786 : i32 to index
        %get3A_788 = tpu.vector_load %arg15[%get3A_787] {strides = array<i32>} : memref<4000xi32, #tpu.memory_space<vmem>>, vector<16xi32>,
        %shift_right_logical3A_789 = arith.constant 7 : i32
        %shift_right_logical3A_790 = vector.broadcast %shift_right_logical3A_789 : i32 to vector<16xi32>
        %shift_right_logical3A_791 = arith.shrui %get3A_788, %shift_right_logical3A_790 : vector<16xi32>
        %and3A_792 = arith.constant 127 : i32
        %and3A_793 = vector.broadcast %and3A_792 : i32 to vector<16xi32>
        %and3A_794 = arith.andi %get3A_788, %and3A_793 : vector<16xi32>
        %get3A_795 = arith.index_cast %add3A_786 : i32 to index
        %get3A_796 = tpu.vector_load %arg12[%get3A_795] {strides = array<i32>} : memref<4000xf32, #tpu.memory_space<vmem>>, vector<16xf32>,
        tpu.vector_store_idx %arg10[%shift_right_logical3A_791, %and3A_794], %get3A_796 : memref<512x128xf32, #tpu.memory_space<vmem>>[vector<16xi32>, vector<16xi32>], vector<16xf32>,
        %mul3A_797 = arith.constant 10 : i32
        %mul3A_798 = arith.muli %scan3A_734, %mul3A_797 : i32
        %mul3A_799 = arith.constant 16 : i32
        %mul3A_800 = arith.muli %mul3A_798, %mul3A_799 : i32
        %add3A_801 = arith.constant 64 : i32
        %add3A_802 = arith.addi %mul3A_800, %add3A_801 : i32
        %get3A_803 = arith.index_cast %add3A_802 : i32 to index
        %get3A_804 = tpu.vector_load %arg15[%get3A_803] {strides = array<i32>} : memref<4000xi32, #tpu.memory_space<vmem>>, vector<16xi32>,
        %shift_right_logical3A_805 = arith.constant 7 : i32
        %shift_right_logical3A_806 = vector.broadcast %shift_right_logical3A_805 : i32 to vector<16xi32>
        %shift_right_logical3A_807 = arith.shrui %get3A_804, %shift_right_logical3A_806 : vector<16xi32>
        %and3A_808 = arith.constant 127 : i32
        %and3A_809 = vector.broadcast %and3A_808 : i32 to vector<16xi32>
        %and3A_810 = arith.andi %get3A_804, %and3A_809 : vector<16xi32>
        %get3A_811 = arith.index_cast %add3A_802 : i32 to index
        %get3A_812 = tpu.vector_load %arg12[%get3A_811] {strides = array<i32>} : memref<4000xf32, #tpu.memory_space<vmem>>, vector<16xf32>,
        tpu.vector_store_idx %arg10[%shift_right_logical3A_807, %and3A_810], %get3A_812 : memref<512x128xf32, #tpu.memory_space<vmem>>[vector<16xi32>, vector<16xi32>], vector<16xf32>,
        %mul3A_813 = arith.constant 10 : i32
        %mul3A_814 = arith.muli %scan3A_734, %mul3A_813 : i32
        %mul3A_815 = arith.constant 16 : i32
        %mul3A_816 = arith.muli %mul3A_814, %mul3A_815 : i32
        %add3A_817 = arith.constant 80 : i32
        %add3A_818 = arith.addi %mul3A_816, %add3A_817 : i32
        %get3A_819 = arith.index_cast %add3A_818 : i32 to index
        %get3A_820 = tpu.vector_load %arg15[%get3A_819] {strides = array<i32>} : memref<4000xi32, #tpu.memory_space<vmem>>, vector<16xi32>,
        %shift_right_logical3A_821 = arith.constant 7 : i32
        %shift_right_logical3A_822 = vector.broadcast %shift_right_logical3A_821 : i32 to vector<16xi32>
        %shift_right_logical3A_823 = arith.shrui %get3A_820, %shift_right_logical3A_822 : vector<16xi32>
        %and3A_824 = arith.constant 127 : i32
        %and3A_825 = vector.broadcast %and3A_824 : i32 to vector<16xi32>
        %and3A_826 = arith.andi %get3A_820, %and3A_825 : vector<16xi32>
        %get3A_827 = arith.index_cast %add3A_818 : i32 to index
        %get3A_828 = tpu.vector_load %arg12[%get3A_827] {strides = array<i32>} : memref<4000xf32, #tpu.memory_space<vmem>>, vector<16xf32>,
        tpu.vector_store_idx %arg10[%shift_right_logical3A_823, %and3A_826], %get3A_828 : memref<512x128xf32, #tpu.memory_space<vmem>>[vector<16xi32>, vector<16xi32>], vector<16xf32>,
        %mul3A_829 = arith.constant 10 : i32
        %mul3A_830 = arith.muli %scan3A_734, %mul3A_829 : i32
        %mul3A_831 = arith.constant 16 : i32
        %mul3A_832 = arith.muli %mul3A_830, %mul3A_831 : i32
        %add3A_833 = arith.constant 96 : i32
        %add3A_834 = arith.addi %mul3A_832, %add3A_833 : i32
        %get3A_835 = arith.index_cast %add3A_834 : i32 to index
        %get3A_836 = tpu.vector_load %arg15[%get3A_835] {strides = array<i32>} : memref<4000xi32, #tpu.memory_space<vmem>>, vector<16xi32>,
        %shift_right_logical3A_837 = arith.constant 7 : i32
        %shift_right_logical3A_838 = vector.broadcast %shift_right_logical3A_837 : i32 to vector<16xi32>
        %shift_right_logical3A_839 = arith.shrui %get3A_836, %shift_right_logical3A_838 : vector<16xi32>
        %and3A_840 = arith.constant 127 : i32
        %and3A_841 = vector.broadcast %and3A_840 : i32 to vector<16xi32>
        %and3A_842 = arith.andi %get3A_836, %and3A_841 : vector<16xi32>
        %get3A_843 = arith.index_cast %add3A_834 : i32 to index
        %get3A_844 = tpu.vector_load %arg12[%get3A_843] {strides = array<i32>} : memref<4000xf32, #tpu.memory_space<vmem>>, vector<16xf32>,
        tpu.vector_store_idx %arg10[%shift_right_logical3A_839, %and3A_842], %get3A_844 : memref<512x128xf32, #tpu.memory_space<vmem>>[vector<16xi32>, vector<16xi32>], vector<16xf32>,
        %mul3A_845 = arith.constant 10 : i32
        %mul3A_846 = arith.muli %scan3A_734, %mul3A_845 : i32
        %mul3A_847 = arith.constant 16 : i32
        %mul3A_848 = arith.muli %mul3A_846, %mul3A_847 : i32
        %add3A_849 = arith.constant 112 : i32
        %add3A_850 = arith.addi %mul3A_848, %add3A_849 : i32
        %get3A_851 = arith.index_cast %add3A_850 : i32 to index
        %get3A_852 = tpu.vector_load %arg15[%get3A_851] {strides = array<i32>} : memref<4000xi32, #tpu.memory_space<vmem>>, vector<16xi32>,
        %shift_right_logical3A_853 = arith.constant 7 : i32
        %shift_right_logical3A_854 = vector.broadcast %shift_right_logical3A_853 : i32 to vector<16xi32>
        %shift_right_logical3A_855 = arith.shrui %get3A_852, %shift_right_logical3A_854 : vector<16xi32>
        %and3A_856 = arith.constant 127 : i32
        %and3A_857 = vector.broadcast %and3A_856 : i32 to vector<16xi32>
        %and3A_858 = arith.andi %get3A_852, %and3A_857 : vector<16xi32>
        %get3A_859 = arith.index_cast %add3A_850 : i32 to index
        %get3A_860 = tpu.vector_load %arg12[%get3A_859] {strides = array<i32>} : memref<4000xf32, #tpu.memory_space<vmem>>, vector<16xf32>,
        tpu.vector_store_idx %arg10[%shift_right_logical3A_855, %and3A_858], %get3A_860 : memref<512x128xf32, #tpu.memory_space<vmem>>[vector<16xi32>, vector<16xi32>], vector<16xf32>,
        %mul3A_861 = arith.constant 10 : i32
        %mul3A_862 = arith.muli %scan3A_734, %mul3A_861 : i32
        %mul3A_863 = arith.constant 16 : i32
        %mul3A_864 = arith.muli %mul3A_862, %mul3A_863 : i32
        %add3A_865 = arith.constant 128 : i32
        %add3A_866 = arith.addi %mul3A_864, %add3A_865 : i32
        %get3A_867 = arith.index_cast %add3A_866 : i32 to index
        %get3A_868 = tpu.vector_load %arg15[%get3A_867] {strides = array<i32>} : memref<4000xi32, #tpu.memory_space<vmem>>, vector<16xi32>,
        %shift_right_logical3A_869 = arith.constant 7 : i32
        %shift_right_logical3A_870 = vector.broadcast %shift_right_logical3A_869 : i32 to vector<16xi32>
        %shift_right_logical3A_871 = arith.shrui %get3A_868, %shift_right_logical3A_870 : vector<16xi32>
        %and3A_872 = arith.constant 127 : i32
        %and3A_873 = vector.broadcast %and3A_872 : i32 to vector<16xi32>
        %and3A_874 = arith.andi %get3A_868, %and3A_873 : vector<16xi32>
        %get3A_875 = arith.index_cast %add3A_866 : i32 to index
        %get3A_876 = tpu.vector_load %arg12[%get3A_875] {strides = array<i32>} : memref<4000xf32, #tpu.memory_space<vmem>>, vector<16xf32>,
        tpu.vector_store_idx %arg10[%shift_right_logical3A_871, %and3A_874], %get3A_876 : memref<512x128xf32, #tpu.memory_space<vmem>>[vector<16xi32>, vector<16xi32>], vector<16xf32>,
        %mul3A_877 = arith.constant 10 : i32
        %mul3A_878 = arith.muli %scan3A_734, %mul3A_877 : i32
        %mul3A_879 = arith.constant 16 : i32
        %mul3A_880 = arith.muli %mul3A_878, %mul3A_879 : i32
        %add3A_881 = arith.constant 144 : i32
        %add3A_882 = arith.addi %mul3A_880, %add3A_881 : i32
        %get3A_883 = arith.index_cast %add3A_882 : i32 to index
        %get3A_884 = tpu.vector_load %arg15[%get3A_883] {strides = array<i32>} : memref<4000xi32, #tpu.memory_space<vmem>>, vector<16xi32>,
        %shift_right_logical3A_885 = arith.constant 7 : i32
        %shift_right_logical3A_886 = vector.broadcast %shift_right_logical3A_885 : i32 to vector<16xi32>
        %shift_right_logical3A_887 = arith.shrui %get3A_884, %shift_right_logical3A_886 : vector<16xi32>
        %and3A_888 = arith.constant 127 : i32
        %and3A_889 = vector.broadcast %and3A_888 : i32 to vector<16xi32>
        %and3A_890 = arith.andi %get3A_884, %and3A_889 : vector<16xi32>
        %get3A_891 = arith.index_cast %add3A_882 : i32 to index
        %get3A_892 = tpu.vector_load %arg12[%get3A_891] {strides = array<i32>} : memref<4000xf32, #tpu.memory_space<vmem>>, vector<16xf32>,
        tpu.vector_store_idx %arg10[%shift_right_logical3A_887, %and3A_890], %get3A_892 : memref<512x128xf32, #tpu.memory_space<vmem>>[vector<16xi32>, vector<16xi32>], vector<16xf32>,
      }
      %scan3A_312 = arith.constant 25 : i32
      %dma_wait3A_313 = tpu.memref_slice %arg3[%add3A_273] : memref<160000xi32, #tpu.memory_space<hbm>> -> memref<4000xi32, #tpu.memory_space<hbm>>
      %dma_wait3A_314 = tpu.memref_slice %arg3[%add3A_273] : memref<160000xi32, #tpu.memory_space<hbm>> -> memref<4000xi32, #tpu.memory_space<hbm>>
      tpu.wait_dma2 semaphore(%arg28 : memref<!tpu.dma_semaphore, #tpu.memory_space<semaphore_mem>>) src(%dma_wait3A_314 : memref<4000xi32, #tpu.memory_space<hbm>>) dst(%arg16 : memref<4000xi32, #tpu.memory_space<vmem>>)
      %dma_wait3A_315 = tpu.memref_slice %arg2[%add3A_277] : memref<20480000xf32, #tpu.memory_space<hbm>> -> memref<4000xf32, #tpu.memory_space<hbm>>
      %dma_wait3A_316 = tpu.memref_slice %arg2[%add3A_277] : memref<20480000xf32, #tpu.memory_space<hbm>> -> memref<4000xf32, #tpu.memory_space<hbm>>
      tpu.wait_dma2 semaphore(%arg28 : memref<!tpu.dma_semaphore, #tpu.memory_space<semaphore_mem>>) src(%dma_wait3A_316 : memref<4000xf32, #tpu.memory_space<hbm>>) dst(%arg13 : memref<4000xf32, #tpu.memory_space<vmem>>)
      %scan3A_317 = arith.constant 0 : i32
      %scan3A_318 = arith.constant 25 : i32
      %scan3A_319 = arith.addi %scan3A_317, %scan3A_318 : i32
      %scan3A_320 = arith.constant 1 : i32
      scf.for %scan3A_734 = %scan3A_317 to %scan3A_319 step %scan3A_320  : i32 {
        %mul3A_735 = arith.constant 10 : i32
        %mul3A_736 = arith.muli %scan3A_734, %mul3A_735 : i32
        %mul3A_737 = arith.constant 16 : i32
        %mul3A_738 = arith.muli %mul3A_736, %mul3A_737 : i32
        %add3A_739 = arith.constant 0 : i32
        %add3A_740 = arith.addi %mul3A_738, %add3A_739 : i32
        %get3A = arith.index_cast %add3A_740 : i32 to index
        %get3A_741 = tpu.vector_load %arg16[%get3A] {strides = array<i32>} : memref<4000xi32, #tpu.memory_space<vmem>>, vector<16xi32>,
        %shift_right_logical3A = arith.constant 7 : i32
        %shift_right_logical3A_742 = vector.broadcast %shift_right_logical3A : i32 to vector<16xi32>
        %shift_right_logical3A_743 = arith.shrui %get3A_741, %shift_right_logical3A_742 : vector<16xi32>
        %and3A_744 = arith.constant 127 : i32
        %and3A_745 = vector.broadcast %and3A_744 : i32 to vector<16xi32>
        %and3A_746 = arith.andi %get3A_741, %and3A_745 : vector<16xi32>
        %get3A_747 = arith.index_cast %add3A_740 : i32 to index
        %get3A_748 = tpu.vector_load %arg13[%get3A_747] {strides = array<i32>} : memref<4000xf32, #tpu.memory_space<vmem>>, vector<16xf32>,
        tpu.vector_store_idx %arg10[%shift_right_logical3A_743, %and3A_746], %get3A_748 : memref<512x128xf32, #tpu.memory_space<vmem>>[vector<16xi32>, vector<16xi32>], vector<16xf32>,
        %mul3A_749 = arith.constant 10 : i32
        %mul3A_750 = arith.muli %scan3A_734, %mul3A_749 : i32
        %mul3A_751 = arith.constant 16 : i32
        %mul3A_752 = arith.muli %mul3A_750, %mul3A_751 : i32
        %add3A_753 = arith.constant 16 : i32
        %add3A_754 = arith.addi %mul3A_752, %add3A_753 : i32
        %get3A_755 = arith.index_cast %add3A_754 : i32 to index
        %get3A_756 = tpu.vector_load %arg16[%get3A_755] {strides = array<i32>} : memref<4000xi32, #tpu.memory_space<vmem>>, vector<16xi32>,
        %shift_right_logical3A_757 = arith.constant 7 : i32
        %shift_right_logical3A_758 = vector.broadcast %shift_right_logical3A_757 : i32 to vector<16xi32>
        %shift_right_logical3A_759 = arith.shrui %get3A_756, %shift_right_logical3A_758 : vector<16xi32>
        %and3A_760 = arith.constant 127 : i32
        %and3A_761 = vector.broadcast %and3A_760 : i32 to vector<16xi32>
        %and3A_762 = arith.andi %get3A_756, %and3A_761 : vector<16xi32>
        %get3A_763 = arith.index_cast %add3A_754 : i32 to index
        %get3A_764 = tpu.vector_load %arg13[%get3A_763] {strides = array<i32>} : memref<4000xf32, #tpu.memory_space<vmem>>, vector<16xf32>,
        tpu.vector_store_idx %arg10[%shift_right_logical3A_759, %and3A_762], %get3A_764 : memref<512x128xf32, #tpu.memory_space<vmem>>[vector<16xi32>, vector<16xi32>], vector<16xf32>,
        %mul3A_765 = arith.constant 10 : i32
        %mul3A_766 = arith.muli %scan3A_734, %mul3A_765 : i32
        %mul3A_767 = arith.constant 16 : i32
        %mul3A_768 = arith.muli %mul3A_766, %mul3A_767 : i32
        %add3A_769 = arith.constant 32 : i32
        %add3A_770 = arith.addi %mul3A_768, %add3A_769 : i32
        %get3A_771 = arith.index_cast %add3A_770 : i32 to index
        %get3A_772 = tpu.vector_load %arg16[%get3A_771] {strides = array<i32>} : memref<4000xi32, #tpu.memory_space<vmem>>, vector<16xi32>,
        %shift_right_logical3A_773 = arith.constant 7 : i32
        %shift_right_logical3A_774 = vector.broadcast %shift_right_logical3A_773 : i32 to vector<16xi32>
        %shift_right_logical3A_775 = arith.shrui %get3A_772, %shift_right_logical3A_774 : vector<16xi32>
        %and3A_776 = arith.constant 127 : i32
        %and3A_777 = vector.broadcast %and3A_776 : i32 to vector<16xi32>
        %and3A_778 = arith.andi %get3A_772, %and3A_777 : vector<16xi32>
        %get3A_779 = arith.index_cast %add3A_770 : i32 to index
        %get3A_780 = tpu.vector_load %arg13[%get3A_779] {strides = array<i32>} : memref<4000xf32, #tpu.memory_space<vmem>>, vector<16xf32>,
        tpu.vector_store_idx %arg10[%shift_right_logical3A_775, %and3A_778], %get3A_780 : memref<512x128xf32, #tpu.memory_space<vmem>>[vector<16xi32>, vector<16xi32>], vector<16xf32>,
        %mul3A_781 = arith.constant 10 : i32
        %mul3A_782 = arith.muli %scan3A_734, %mul3A_781 : i32
        %mul3A_783 = arith.constant 16 : i32
        %mul3A_784 = arith.muli %mul3A_782, %mul3A_783 : i32
        %add3A_785 = arith.constant 48 : i32
        %add3A_786 = arith.addi %mul3A_784, %add3A_785 : i32
        %get3A_787 = arith.index_cast %add3A_786 : i32 to index
        %get3A_788 = tpu.vector_load %arg16[%get3A_787] {strides = array<i32>} : memref<4000xi32, #tpu.memory_space<vmem>>, vector<16xi32>,
        %shift_right_logical3A_789 = arith.constant 7 : i32
        %shift_right_logical3A_790 = vector.broadcast %shift_right_logical3A_789 : i32 to vector<16xi32>
        %shift_right_logical3A_791 = arith.shrui %get3A_788, %shift_right_logical3A_790 : vector<16xi32>
        %and3A_792 = arith.constant 127 : i32
        %and3A_793 = vector.broadcast %and3A_792 : i32 to vector<16xi32>
        %and3A_794 = arith.andi %get3A_788, %and3A_793 : vector<16xi32>
        %get3A_795 = arith.index_cast %add3A_786 : i32 to index
        %get3A_796 = tpu.vector_load %arg13[%get3A_795] {strides = array<i32>} : memref<4000xf32, #tpu.memory_space<vmem>>, vector<16xf32>,
        tpu.vector_store_idx %arg10[%shift_right_logical3A_791, %and3A_794], %get3A_796 : memref<512x128xf32, #tpu.memory_space<vmem>>[vector<16xi32>, vector<16xi32>], vector<16xf32>,
        %mul3A_797 = arith.constant 10 : i32
        %mul3A_798 = arith.muli %scan3A_734, %mul3A_797 : i32
        %mul3A_799 = arith.constant 16 : i32
        %mul3A_800 = arith.muli %mul3A_798, %mul3A_799 : i32
        %add3A_801 = arith.constant 64 : i32
        %add3A_802 = arith.addi %mul3A_800, %add3A_801 : i32
        %get3A_803 = arith.index_cast %add3A_802 : i32 to index
        %get3A_804 = tpu.vector_load %arg16[%get3A_803] {strides = array<i32>} : memref<4000xi32, #tpu.memory_space<vmem>>, vector<16xi32>,
        %shift_right_logical3A_805 = arith.constant 7 : i32
        %shift_right_logical3A_806 = vector.broadcast %shift_right_logical3A_805 : i32 to vector<16xi32>
        %shift_right_logical3A_807 = arith.shrui %get3A_804, %shift_right_logical3A_806 : vector<16xi32>
        %and3A_808 = arith.constant 127 : i32
        %and3A_809 = vector.broadcast %and3A_808 : i32 to vector<16xi32>
        %and3A_810 = arith.andi %get3A_804, %and3A_809 : vector<16xi32>
        %get3A_811 = arith.index_cast %add3A_802 : i32 to index
        %get3A_812 = tpu.vector_load %arg13[%get3A_811] {strides = array<i32>} : memref<4000xf32, #tpu.memory_space<vmem>>, vector<16xf32>,
        tpu.vector_store_idx %arg10[%shift_right_logical3A_807, %and3A_810], %get3A_812 : memref<512x128xf32, #tpu.memory_space<vmem>>[vector<16xi32>, vector<16xi32>], vector<16xf32>,
        %mul3A_813 = arith.constant 10 : i32
        %mul3A_814 = arith.muli %scan3A_734, %mul3A_813 : i32
        %mul3A_815 = arith.constant 16 : i32
        %mul3A_816 = arith.muli %mul3A_814, %mul3A_815 : i32
        %add3A_817 = arith.constant 80 : i32
        %add3A_818 = arith.addi %mul3A_816, %add3A_817 : i32
        %get3A_819 = arith.index_cast %add3A_818 : i32 to index
        %get3A_820 = tpu.vector_load %arg16[%get3A_819] {strides = array<i32>} : memref<4000xi32, #tpu.memory_space<vmem>>, vector<16xi32>,
        %shift_right_logical3A_821 = arith.constant 7 : i32
        %shift_right_logical3A_822 = vector.broadcast %shift_right_logical3A_821 : i32 to vector<16xi32>
        %shift_right_logical3A_823 = arith.shrui %get3A_820, %shift_right_logical3A_822 : vector<16xi32>
        %and3A_824 = arith.constant 127 : i32
        %and3A_825 = vector.broadcast %and3A_824 : i32 to vector<16xi32>
        %and3A_826 = arith.andi %get3A_820, %and3A_825 : vector<16xi32>
        %get3A_827 = arith.index_cast %add3A_818 : i32 to index
        %get3A_828 = tpu.vector_load %arg13[%get3A_827] {strides = array<i32>} : memref<4000xf32, #tpu.memory_space<vmem>>, vector<16xf32>,
        tpu.vector_store_idx %arg10[%shift_right_logical3A_823, %and3A_826], %get3A_828 : memref<512x128xf32, #tpu.memory_space<vmem>>[vector<16xi32>, vector<16xi32>], vector<16xf32>,
        %mul3A_829 = arith.constant 10 : i32
        %mul3A_830 = arith.muli %scan3A_734, %mul3A_829 : i32
        %mul3A_831 = arith.constant 16 : i32
        %mul3A_832 = arith.muli %mul3A_830, %mul3A_831 : i32
        %add3A_833 = arith.constant 96 : i32
        %add3A_834 = arith.addi %mul3A_832, %add3A_833 : i32
        %get3A_835 = arith.index_cast %add3A_834 : i32 to index
        %get3A_836 = tpu.vector_load %arg16[%get3A_835] {strides = array<i32>} : memref<4000xi32, #tpu.memory_space<vmem>>, vector<16xi32>,
        %shift_right_logical3A_837 = arith.constant 7 : i32
        %shift_right_logical3A_838 = vector.broadcast %shift_right_logical3A_837 : i32 to vector<16xi32>
        %shift_right_logical3A_839 = arith.shrui %get3A_836, %shift_right_logical3A_838 : vector<16xi32>
        %and3A_840 = arith.constant 127 : i32
        %and3A_841 = vector.broadcast %and3A_840 : i32 to vector<16xi32>
        %and3A_842 = arith.andi %get3A_836, %and3A_841 : vector<16xi32>
        %get3A_843 = arith.index_cast %add3A_834 : i32 to index
        %get3A_844 = tpu.vector_load %arg13[%get3A_843] {strides = array<i32>} : memref<4000xf32, #tpu.memory_space<vmem>>, vector<16xf32>,
        tpu.vector_store_idx %arg10[%shift_right_logical3A_839, %and3A_842], %get3A_844 : memref<512x128xf32, #tpu.memory_space<vmem>>[vector<16xi32>, vector<16xi32>], vector<16xf32>,
        %mul3A_845 = arith.constant 10 : i32
        %mul3A_846 = arith.muli %scan3A_734, %mul3A_845 : i32
        %mul3A_847 = arith.constant 16 : i32
        %mul3A_848 = arith.muli %mul3A_846, %mul3A_847 : i32
        %add3A_849 = arith.constant 112 : i32
        %add3A_850 = arith.addi %mul3A_848, %add3A_849 : i32
        %get3A_851 = arith.index_cast %add3A_850 : i32 to index
        %get3A_852 = tpu.vector_load %arg16[%get3A_851] {strides = array<i32>} : memref<4000xi32, #tpu.memory_space<vmem>>, vector<16xi32>,
        %shift_right_logical3A_853 = arith.constant 7 : i32
        %shift_right_logical3A_854 = vector.broadcast %shift_right_logical3A_853 : i32 to vector<16xi32>
        %shift_right_logical3A_855 = arith.shrui %get3A_852, %shift_right_logical3A_854 : vector<16xi32>
        %and3A_856 = arith.constant 127 : i32
        %and3A_857 = vector.broadcast %and3A_856 : i32 to vector<16xi32>
        %and3A_858 = arith.andi %get3A_852, %and3A_857 : vector<16xi32>
        %get3A_859 = arith.index_cast %add3A_850 : i32 to index
        %get3A_860 = tpu.vector_load %arg13[%get3A_859] {strides = array<i32>} : memref<4000xf32, #tpu.memory_space<vmem>>, vector<16xf32>,
        tpu.vector_store_idx %arg10[%shift_right_logical3A_855, %and3A_858], %get3A_860 : memref<512x128xf32, #tpu.memory_space<vmem>>[vector<16xi32>, vector<16xi32>], vector<16xf32>,
        %mul3A_861 = arith.constant 10 : i32
        %mul3A_862 = arith.muli %scan3A_734, %mul3A_861 : i32
        %mul3A_863 = arith.constant 16 : i32
        %mul3A_864 = arith.muli %mul3A_862, %mul3A_863 : i32
        %add3A_865 = arith.constant 128 : i32
        %add3A_866 = arith.addi %mul3A_864, %add3A_865 : i32
        %get3A_867 = arith.index_cast %add3A_866 : i32 to index
        %get3A_868 = tpu.vector_load %arg16[%get3A_867] {strides = array<i32>} : memref<4000xi32, #tpu.memory_space<vmem>>, vector<16xi32>,
        %shift_right_logical3A_869 = arith.constant 7 : i32
        %shift_right_logical3A_870 = vector.broadcast %shift_right_logical3A_869 : i32 to vector<16xi32>
        %shift_right_logical3A_871 = arith.shrui %get3A_868, %shift_right_logical3A_870 : vector<16xi32>
        %and3A_872 = arith.constant 127 : i32
        %and3A_873 = vector.broadcast %and3A_872 : i32 to vector<16xi32>
        %and3A_874 = arith.andi %get3A_868, %and3A_873 : vector<16xi32>
        %get3A_875 = arith.index_cast %add3A_866 : i32 to index
        %get3A_876 = tpu.vector_load %arg13[%get3A_875] {strides = array<i32>} : memref<4000xf32, #tpu.memory_space<vmem>>, vector<16xf32>,
        tpu.vector_store_idx %arg10[%shift_right_logical3A_871, %and3A_874], %get3A_876 : memref<512x128xf32, #tpu.memory_space<vmem>>[vector<16xi32>, vector<16xi32>], vector<16xf32>,
        %mul3A_877 = arith.constant 10 : i32
        %mul3A_878 = arith.muli %scan3A_734, %mul3A_877 : i32
        %mul3A_879 = arith.constant 16 : i32
        %mul3A_880 = arith.muli %mul3A_878, %mul3A_879 : i32
        %add3A_881 = arith.constant 144 : i32
        %add3A_882 = arith.addi %mul3A_880, %add3A_881 : i32
        %get3A_883 = arith.index_cast %add3A_882 : i32 to index
        %get3A_884 = tpu.vector_load %arg16[%get3A_883] {strides = array<i32>} : memref<4000xi32, #tpu.memory_space<vmem>>, vector<16xi32>,
        %shift_right_logical3A_885 = arith.constant 7 : i32
        %shift_right_logical3A_886 = vector.broadcast %shift_right_logical3A_885 : i32 to vector<16xi32>
        %shift_right_logical3A_887 = arith.shrui %get3A_884, %shift_right_logical3A_886 : vector<16xi32>
        %and3A_888 = arith.constant 127 : i32
        %and3A_889 = vector.broadcast %and3A_888 : i32 to vector<16xi32>
        %and3A_890 = arith.andi %get3A_884, %and3A_889 : vector<16xi32>
        %get3A_891 = arith.index_cast %add3A_882 : i32 to index
        %get3A_892 = tpu.vector_load %arg13[%get3A_891] {strides = array<i32>} : memref<4000xf32, #tpu.memory_space<vmem>>, vector<16xf32>,
        tpu.vector_store_idx %arg10[%shift_right_logical3A_887, %and3A_890], %get3A_892 : memref<512x128xf32, #tpu.memory_space<vmem>>[vector<16xi32>, vector<16xi32>], vector<16xf32>,
      }
      %scan3A_321 = arith.constant 25 : i32
      %dma_wait3A_322 = tpu.memref_slice %arg3[%add3A_297] : memref<160000xi32, #tpu.memory_space<hbm>> -> memref<4000xi32, #tpu.memory_space<hbm>>
      %dma_wait3A_323 = tpu.memref_slice %arg3[%add3A_297] : memref<160000xi32, #tpu.memory_space<hbm>> -> memref<4000xi32, #tpu.memory_space<hbm>>
      tpu.wait_dma2 semaphore(%arg26 : memref<!tpu.dma_semaphore, #tpu.memory_space<semaphore_mem>>) src(%dma_wait3A_323 : memref<4000xi32, #tpu.memory_space<hbm>>) dst(%arg14 : memref<4000xi32, #tpu.memory_space<vmem>>)
      %dma_wait3A_324 = tpu.memref_slice %arg2[%add3A_301] : memref<20480000xf32, #tpu.memory_space<hbm>> -> memref<4000xf32, #tpu.memory_space<hbm>>
      %dma_wait3A_325 = tpu.memref_slice %arg2[%add3A_301] : memref<20480000xf32, #tpu.memory_space<hbm>> -> memref<4000xf32, #tpu.memory_space<hbm>>
      tpu.wait_dma2 semaphore(%arg26 : memref<!tpu.dma_semaphore, #tpu.memory_space<semaphore_mem>>) src(%dma_wait3A_325 : memref<4000xf32, #tpu.memory_space<hbm>>) dst(%arg11 : memref<4000xf32, #tpu.memory_space<vmem>>)
      %scan3A_326 = arith.constant 0 : i32
      %scan3A_327 = arith.constant 25 : i32
      %scan3A_328 = arith.addi %scan3A_326, %scan3A_327 : i32
      %scan3A_329 = arith.constant 1 : i32
      scf.for %scan3A_734 = %scan3A_326 to %scan3A_328 step %scan3A_329  : i32 {
        %mul3A_735 = arith.constant 10 : i32
        %mul3A_736 = arith.muli %scan3A_734, %mul3A_735 : i32
        %mul3A_737 = arith.constant 16 : i32
        %mul3A_738 = arith.muli %mul3A_736, %mul3A_737 : i32
        %add3A_739 = arith.constant 0 : i32
        %add3A_740 = arith.addi %mul3A_738, %add3A_739 : i32
        %get3A = arith.index_cast %add3A_740 : i32 to index
        %get3A_741 = tpu.vector_load %arg14[%get3A] {strides = array<i32>} : memref<4000xi32, #tpu.memory_space<vmem>>, vector<16xi32>,
        %shift_right_logical3A = arith.constant 7 : i32
        %shift_right_logical3A_742 = vector.broadcast %shift_right_logical3A : i32 to vector<16xi32>
        %shift_right_logical3A_743 = arith.shrui %get3A_741, %shift_right_logical3A_742 : vector<16xi32>
        %and3A_744 = arith.constant 127 : i32
        %and3A_745 = vector.broadcast %and3A_744 : i32 to vector<16xi32>
        %and3A_746 = arith.andi %get3A_741, %and3A_745 : vector<16xi32>
        %get3A_747 = arith.index_cast %add3A_740 : i32 to index
        %get3A_748 = tpu.vector_load %arg11[%get3A_747] {strides = array<i32>} : memref<4000xf32, #tpu.memory_space<vmem>>, vector<16xf32>,
        tpu.vector_store_idx %arg10[%shift_right_logical3A_743, %and3A_746], %get3A_748 : memref<512x128xf32, #tpu.memory_space<vmem>>[vector<16xi32>, vector<16xi32>], vector<16xf32>,
        %mul3A_749 = arith.constant 10 : i32
        %mul3A_750 = arith.muli %scan3A_734, %mul3A_749 : i32
        %mul3A_751 = arith.constant 16 : i32
        %mul3A_752 = arith.muli %mul3A_750, %mul3A_751 : i32
        %add3A_753 = arith.constant 16 : i32
        %add3A_754 = arith.addi %mul3A_752, %add3A_753 : i32
        %get3A_755 = arith.index_cast %add3A_754 : i32 to index
        %get3A_756 = tpu.vector_load %arg14[%get3A_755] {strides = array<i32>} : memref<4000xi32, #tpu.memory_space<vmem>>, vector<16xi32>,
        %shift_right_logical3A_757 = arith.constant 7 : i32
        %shift_right_logical3A_758 = vector.broadcast %shift_right_logical3A_757 : i32 to vector<16xi32>
        %shift_right_logical3A_759 = arith.shrui %get3A_756, %shift_right_logical3A_758 : vector<16xi32>
        %and3A_760 = arith.constant 127 : i32
        %and3A_761 = vector.broadcast %and3A_760 : i32 to vector<16xi32>
        %and3A_762 = arith.andi %get3A_756, %and3A_761 : vector<16xi32>
        %get3A_763 = arith.index_cast %add3A_754 : i32 to index
        %get3A_764 = tpu.vector_load %arg11[%get3A_763] {strides = array<i32>} : memref<4000xf32, #tpu.memory_space<vmem>>, vector<16xf32>,
        tpu.vector_store_idx %arg10[%shift_right_logical3A_759, %and3A_762], %get3A_764 : memref<512x128xf32, #tpu.memory_space<vmem>>[vector<16xi32>, vector<16xi32>], vector<16xf32>,
        %mul3A_765 = arith.constant 10 : i32
        %mul3A_766 = arith.muli %scan3A_734, %mul3A_765 : i32
        %mul3A_767 = arith.constant 16 : i32
        %mul3A_768 = arith.muli %mul3A_766, %mul3A_767 : i32
        %add3A_769 = arith.constant 32 : i32
        %add3A_770 = arith.addi %mul3A_768, %add3A_769 : i32
        %get3A_771 = arith.index_cast %add3A_770 : i32 to index
        %get3A_772 = tpu.vector_load %arg14[%get3A_771] {strides = array<i32>} : memref<4000xi32, #tpu.memory_space<vmem>>, vector<16xi32>,
        %shift_right_logical3A_773 = arith.constant 7 : i32
        %shift_right_logical3A_774 = vector.broadcast %shift_right_logical3A_773 : i32 to vector<16xi32>
        %shift_right_logical3A_775 = arith.shrui %get3A_772, %shift_right_logical3A_774 : vector<16xi32>
        %and3A_776 = arith.constant 127 : i32
        %and3A_777 = vector.broadcast %and3A_776 : i32 to vector<16xi32>
        %and3A_778 = arith.andi %get3A_772, %and3A_777 : vector<16xi32>
        %get3A_779 = arith.index_cast %add3A_770 : i32 to index
        %get3A_780 = tpu.vector_load %arg11[%get3A_779] {strides = array<i32>} : memref<4000xf32, #tpu.memory_space<vmem>>, vector<16xf32>,
        tpu.vector_store_idx %arg10[%shift_right_logical3A_775, %and3A_778], %get3A_780 : memref<512x128xf32, #tpu.memory_space<vmem>>[vector<16xi32>, vector<16xi32>], vector<16xf32>,
        %mul3A_781 = arith.constant 10 : i32
        %mul3A_782 = arith.muli %scan3A_734, %mul3A_781 : i32
        %mul3A_783 = arith.constant 16 : i32
        %mul3A_784 = arith.muli %mul3A_782, %mul3A_783 : i32
        %add3A_785 = arith.constant 48 : i32
        %add3A_786 = arith.addi %mul3A_784, %add3A_785 : i32
        %get3A_787 = arith.index_cast %add3A_786 : i32 to index
        %get3A_788 = tpu.vector_load %arg14[%get3A_787] {strides = array<i32>} : memref<4000xi32, #tpu.memory_space<vmem>>, vector<16xi32>,
        %shift_right_logical3A_789 = arith.constant 7 : i32
        %shift_right_logical3A_790 = vector.broadcast %shift_right_logical3A_789 : i32 to vector<16xi32>
        %shift_right_logical3A_791 = arith.shrui %get3A_788, %shift_right_logical3A_790 : vector<16xi32>
        %and3A_792 = arith.constant 127 : i32
        %and3A_793 = vector.broadcast %and3A_792 : i32 to vector<16xi32>
        %and3A_794 = arith.andi %get3A_788, %and3A_793 : vector<16xi32>
        %get3A_795 = arith.index_cast %add3A_786 : i32 to index
        %get3A_796 = tpu.vector_load %arg11[%get3A_795] {strides = array<i32>} : memref<4000xf32, #tpu.memory_space<vmem>>, vector<16xf32>,
        tpu.vector_store_idx %arg10[%shift_right_logical3A_791, %and3A_794], %get3A_796 : memref<512x128xf32, #tpu.memory_space<vmem>>[vector<16xi32>, vector<16xi32>], vector<16xf32>,
        %mul3A_797 = arith.constant 10 : i32
        %mul3A_798 = arith.muli %scan3A_734, %mul3A_797 : i32
        %mul3A_799 = arith.constant 16 : i32
        %mul3A_800 = arith.muli %mul3A_798, %mul3A_799 : i32
        %add3A_801 = arith.constant 64 : i32
        %add3A_802 = arith.addi %mul3A_800, %add3A_801 : i32
        %get3A_803 = arith.index_cast %add3A_802 : i32 to index
        %get3A_804 = tpu.vector_load %arg14[%get3A_803] {strides = array<i32>} : memref<4000xi32, #tpu.memory_space<vmem>>, vector<16xi32>,
        %shift_right_logical3A_805 = arith.constant 7 : i32
        %shift_right_logical3A_806 = vector.broadcast %shift_right_logical3A_805 : i32 to vector<16xi32>
        %shift_right_logical3A_807 = arith.shrui %get3A_804, %shift_right_logical3A_806 : vector<16xi32>
        %and3A_808 = arith.constant 127 : i32
        %and3A_809 = vector.broadcast %and3A_808 : i32 to vector<16xi32>
        %and3A_810 = arith.andi %get3A_804, %and3A_809 : vector<16xi32>
        %get3A_811 = arith.index_cast %add3A_802 : i32 to index
        %get3A_812 = tpu.vector_load %arg11[%get3A_811] {strides = array<i32>} : memref<4000xf32, #tpu.memory_space<vmem>>, vector<16xf32>,
        tpu.vector_store_idx %arg10[%shift_right_logical3A_807, %and3A_810], %get3A_812 : memref<512x128xf32, #tpu.memory_space<vmem>>[vector<16xi32>, vector<16xi32>], vector<16xf32>,
        %mul3A_813 = arith.constant 10 : i32
        %mul3A_814 = arith.muli %scan3A_734, %mul3A_813 : i32
        %mul3A_815 = arith.constant 16 : i32
        %mul3A_816 = arith.muli %mul3A_814, %mul3A_815 : i32
        %add3A_817 = arith.constant 80 : i32
        %add3A_818 = arith.addi %mul3A_816, %add3A_817 : i32
        %get3A_819 = arith.index_cast %add3A_818 : i32 to index
        %get3A_820 = tpu.vector_load %arg14[%get3A_819] {strides = array<i32>} : memref<4000xi32, #tpu.memory_space<vmem>>, vector<16xi32>,
        %shift_right_logical3A_821 = arith.constant 7 : i32
        %shift_right_logical3A_822 = vector.broadcast %shift_right_logical3A_821 : i32 to vector<16xi32>
        %shift_right_logical3A_823 = arith.shrui %get3A_820, %shift_right_logical3A_822 : vector<16xi32>
        %and3A_824 = arith.constant 127 : i32
        %and3A_825 = vector.broadcast %and3A_824 : i32 to vector<16xi32>
        %and3A_826 = arith.andi %get3A_820, %and3A_825 : vector<16xi32>
        %get3A_827 = arith.index_cast %add3A_818 : i32 to index
        %get3A_828 = tpu.vector_load %arg11[%get3A_827] {strides = array<i32>} : memref<4000xf32, #tpu.memory_space<vmem>>, vector<16xf32>,
        tpu.vector_store_idx %arg10[%shift_right_logical3A_823, %and3A_826], %get3A_828 : memref<512x128xf32, #tpu.memory_space<vmem>>[vector<16xi32>, vector<16xi32>], vector<16xf32>,
        %mul3A_829 = arith.constant 10 : i32
        %mul3A_830 = arith.muli %scan3A_734, %mul3A_829 : i32
        %mul3A_831 = arith.constant 16 : i32
        %mul3A_832 = arith.muli %mul3A_830, %mul3A_831 : i32
        %add3A_833 = arith.constant 96 : i32
        %add3A_834 = arith.addi %mul3A_832, %add3A_833 : i32
        %get3A_835 = arith.index_cast %add3A_834 : i32 to index
        %get3A_836 = tpu.vector_load %arg14[%get3A_835] {strides = array<i32>} : memref<4000xi32, #tpu.memory_space<vmem>>, vector<16xi32>,
        %shift_right_logical3A_837 = arith.constant 7 : i32
        %shift_right_logical3A_838 = vector.broadcast %shift_right_logical3A_837 : i32 to vector<16xi32>
        %shift_right_logical3A_839 = arith.shrui %get3A_836, %shift_right_logical3A_838 : vector<16xi32>
        %and3A_840 = arith.constant 127 : i32
        %and3A_841 = vector.broadcast %and3A_840 : i32 to vector<16xi32>
        %and3A_842 = arith.andi %get3A_836, %and3A_841 : vector<16xi32>
        %get3A_843 = arith.index_cast %add3A_834 : i32 to index
        %get3A_844 = tpu.vector_load %arg11[%get3A_843] {strides = array<i32>} : memref<4000xf32, #tpu.memory_space<vmem>>, vector<16xf32>,
        tpu.vector_store_idx %arg10[%shift_right_logical3A_839, %and3A_842], %get3A_844 : memref<512x128xf32, #tpu.memory_space<vmem>>[vector<16xi32>, vector<16xi32>], vector<16xf32>,
        %mul3A_845 = arith.constant 10 : i32
        %mul3A_846 = arith.muli %scan3A_734, %mul3A_845 : i32
        %mul3A_847 = arith.constant 16 : i32
        %mul3A_848 = arith.muli %mul3A_846, %mul3A_847 : i32
        %add3A_849 = arith.constant 112 : i32
        %add3A_850 = arith.addi %mul3A_848, %add3A_849 : i32
        %get3A_851 = arith.index_cast %add3A_850 : i32 to index
        %get3A_852 = tpu.vector_load %arg14[%get3A_851] {strides = array<i32>} : memref<4000xi32, #tpu.memory_space<vmem>>, vector<16xi32>,
        %shift_right_logical3A_853 = arith.constant 7 : i32
        %shift_right_logical3A_854 = vector.broadcast %shift_right_logical3A_853 : i32 to vector<16xi32>
        %shift_right_logical3A_855 = arith.shrui %get3A_852, %shift_right_logical3A_854 : vector<16xi32>
        %and3A_856 = arith.constant 127 : i32
        %and3A_857 = vector.broadcast %and3A_856 : i32 to vector<16xi32>
        %and3A_858 = arith.andi %get3A_852, %and3A_857 : vector<16xi32>
        %get3A_859 = arith.index_cast %add3A_850 : i32 to index
        %get3A_860 = tpu.vector_load %arg11[%get3A_859] {strides = array<i32>} : memref<4000xf32, #tpu.memory_space<vmem>>, vector<16xf32>,
        tpu.vector_store_idx %arg10[%shift_right_logical3A_855, %and3A_858], %get3A_860 : memref<512x128xf32, #tpu.memory_space<vmem>>[vector<16xi32>, vector<16xi32>], vector<16xf32>,
        %mul3A_861 = arith.constant 10 : i32
        %mul3A_862 = arith.muli %scan3A_734, %mul3A_861 : i32
        %mul3A_863 = arith.constant 16 : i32
        %mul3A_864 = arith.muli %mul3A_862, %mul3A_863 : i32
        %add3A_865 = arith.constant 128 : i32
        %add3A_866 = arith.addi %mul3A_864, %add3A_865 : i32
        %get3A_867 = arith.index_cast %add3A_866 : i32 to index
        %get3A_868 = tpu.vector_load %arg14[%get3A_867] {strides = array<i32>} : memref<4000xi32, #tpu.memory_space<vmem>>, vector<16xi32>,
        %shift_right_logical3A_869 = arith.constant 7 : i32
        %shift_right_logical3A_870 = vector.broadcast %shift_right_logical3A_869 : i32 to vector<16xi32>
        %shift_right_logical3A_871 = arith.shrui %get3A_868, %shift_right_logical3A_870 : vector<16xi32>
        %and3A_872 = arith.constant 127 : i32
        %and3A_873 = vector.broadcast %and3A_872 : i32 to vector<16xi32>
        %and3A_874 = arith.andi %get3A_868, %and3A_873 : vector<16xi32>
        %get3A_875 = arith.index_cast %add3A_866 : i32 to index
        %get3A_876 = tpu.vector_load %arg11[%get3A_875] {strides = array<i32>} : memref<4000xf32, #tpu.memory_space<vmem>>, vector<16xf32>,
        tpu.vector_store_idx %arg10[%shift_right_logical3A_871, %and3A_874], %get3A_876 : memref<512x128xf32, #tpu.memory_space<vmem>>[vector<16xi32>, vector<16xi32>], vector<16xf32>,
        %mul3A_877 = arith.constant 10 : i32
        %mul3A_878 = arith.muli %scan3A_734, %mul3A_877 : i32
        %mul3A_879 = arith.constant 16 : i32
        %mul3A_880 = arith.muli %mul3A_878, %mul3A_879 : i32
        %add3A_881 = arith.constant 144 : i32
        %add3A_882 = arith.addi %mul3A_880, %add3A_881 : i32
        %get3A_883 = arith.index_cast %add3A_882 : i32 to index
        %get3A_884 = tpu.vector_load %arg14[%get3A_883] {strides = array<i32>} : memref<4000xi32, #tpu.memory_space<vmem>>, vector<16xi32>,
        %shift_right_logical3A_885 = arith.constant 7 : i32
        %shift_right_logical3A_886 = vector.broadcast %shift_right_logical3A_885 : i32 to vector<16xi32>
        %shift_right_logical3A_887 = arith.shrui %get3A_884, %shift_right_logical3A_886 : vector<16xi32>
        %and3A_888 = arith.constant 127 : i32
        %and3A_889 = vector.broadcast %and3A_888 : i32 to vector<16xi32>
        %and3A_890 = arith.andi %get3A_884, %and3A_889 : vector<16xi32>
        %get3A_891 = arith.index_cast %add3A_882 : i32 to index
        %get3A_892 = tpu.vector_load %arg11[%get3A_891] {strides = array<i32>} : memref<4000xf32, #tpu.memory_space<vmem>>, vector<16xf32>,
        tpu.vector_store_idx %arg10[%shift_right_logical3A_887, %and3A_890], %get3A_892 : memref<512x128xf32, #tpu.memory_space<vmem>>[vector<16xi32>, vector<16xi32>], vector<16xf32>,
      }
      %scan3A_330 = arith.constant 25 : i32
      %add3A_331 = arith.constant 1 : i32
      %add3A_332 = arith.addi %scan3A_120, %add3A_331 : i32
      %lt3A_333 = arith.constant 16 : i32
      %lt3A_334 = arith.cmpi slt, %add3A_332, %lt3A_333 : i32
      %convert_element_type3A_335 = arith.extui %lt3A_334 : i1 to i32
      %cond3A_336 = arith.constant 0 : i32
      %cond3A_337 = arith.cmpi ne, %convert_element_type3A_335, %cond3A_336 : i32
      scf.if %cond3A_337 {
        %add3A_734 = arith.constant 1 : i32
        %add3A_735 = arith.addi %add3A_121, %add3A_734 : i32
        %mul3A_736 = arith.constant 128 : i32
        %mul3A_737 = arith.muli %select_n3A, %mul3A_736 : i32
        %add3A_738 = arith.addi %mul3A_737, %add3A_735 : i32
        %mul3A_739 = arith.constant 40000 : i32
        %mul3A_740 = arith.muli %add3A_738, %mul3A_739 : i32
        %mul3A_741 = arith.constant 40000 : i32
        %mul3A_742 = arith.muli %select_n3A, %mul3A_741 : i32
        %add3A_743 = arith.constant 0 : i32
        %add3A_744 = arith.addi %mul3A_742, %add3A_743 : i32
        %dma_start3A_745 = tpu.memref_slice %arg3[%add3A_744] : memref<160000xi32, #tpu.memory_space<hbm>> -> memref<4000xi32, #tpu.memory_space<hbm>>
        %dma_start3A_746 = tpu.memref_slice %arg3[%add3A_744] : memref<160000xi32, #tpu.memory_space<hbm>> -> memref<4000xi32, #tpu.memory_space<hbm>>
        tpu.enqueue_dma source(%dma_start3A_746 : memref<4000xi32, #tpu.memory_space<hbm>>) target(%arg14 : memref<4000xi32, #tpu.memory_space<vmem>>) target_semaphore(%arg26 : memref<!tpu.dma_semaphore, #tpu.memory_space<semaphore_mem>>)
        %add3A_747 = arith.constant 0 : i32
        %add3A_748 = arith.addi %mul3A_740, %add3A_747 : i32
        %dma_start3A_749 = tpu.memref_slice %arg2[%add3A_748] : memref<20480000xf32, #tpu.memory_space<hbm>> -> memref<4000xf32, #tpu.memory_space<hbm>>
        %dma_start3A_750 = tpu.memref_slice %arg2[%add3A_748] : memref<20480000xf32, #tpu.memory_space<hbm>> -> memref<4000xf32, #tpu.memory_space<hbm>>
        tpu.enqueue_dma source(%dma_start3A_750 : memref<4000xf32, #tpu.memory_space<hbm>>) target(%arg11 : memref<4000xf32, #tpu.memory_space<vmem>>) target_semaphore(%arg26 : memref<!tpu.dma_semaphore, #tpu.memory_space<semaphore_mem>>)
        %add3A_751 = arith.constant 1 : i32
        %add3A_752 = arith.addi %add3A_121, %add3A_751 : i32
        %mul3A_753 = arith.constant 128 : i32
        %mul3A_754 = arith.muli %select_n3A, %mul3A_753 : i32
        %add3A_755 = arith.addi %mul3A_754, %add3A_752 : i32
        %mul3A_756 = arith.constant 40000 : i32
        %mul3A_757 = arith.muli %add3A_755, %mul3A_756 : i32
        %mul3A_758 = arith.constant 40000 : i32
        %mul3A_759 = arith.muli %select_n3A, %mul3A_758 : i32
        %add3A_760 = arith.constant 4000 : i32
        %add3A_761 = arith.addi %mul3A_759, %add3A_760 : i32
        %dma_start3A_762 = tpu.memref_slice %arg3[%add3A_761] : memref<160000xi32, #tpu.memory_space<hbm>> -> memref<4000xi32, #tpu.memory_space<hbm>>
        %dma_start3A_763 = tpu.memref_slice %arg3[%add3A_761] : memref<160000xi32, #tpu.memory_space<hbm>> -> memref<4000xi32, #tpu.memory_space<hbm>>
        tpu.enqueue_dma source(%dma_start3A_763 : memref<4000xi32, #tpu.memory_space<hbm>>) target(%arg15 : memref<4000xi32, #tpu.memory_space<vmem>>) target_semaphore(%arg27 : memref<!tpu.dma_semaphore, #tpu.memory_space<semaphore_mem>>)
        %add3A_764 = arith.constant 4000 : i32
        %add3A_765 = arith.addi %mul3A_757, %add3A_764 : i32
        %dma_start3A_766 = tpu.memref_slice %arg2[%add3A_765] : memref<20480000xf32, #tpu.memory_space<hbm>> -> memref<4000xf32, #tpu.memory_space<hbm>>
        %dma_start3A_767 = tpu.memref_slice %arg2[%add3A_765] : memref<20480000xf32, #tpu.memory_space<hbm>> -> memref<4000xf32, #tpu.memory_space<hbm>>
        tpu.enqueue_dma source(%dma_start3A_767 : memref<4000xf32, #tpu.memory_space<hbm>>) target(%arg12 : memref<4000xf32, #tpu.memory_space<vmem>>) target_semaphore(%arg27 : memref<!tpu.dma_semaphore, #tpu.memory_space<semaphore_mem>>)
        %add3A_768 = arith.constant 1 : i32
        %add3A_769 = arith.addi %add3A_121, %add3A_768 : i32
        %mul3A_770 = arith.constant 128 : i32
        %mul3A_771 = arith.muli %select_n3A, %mul3A_770 : i32
        %add3A_772 = arith.addi %mul3A_771, %add3A_769 : i32
        %mul3A_773 = arith.constant 40000 : i32
        %mul3A_774 = arith.muli %add3A_772, %mul3A_773 : i32
        %mul3A_775 = arith.constant 40000 : i32
        %mul3A_776 = arith.muli %select_n3A, %mul3A_775 : i32
        %add3A_777 = arith.constant 8000 : i32
        %add3A_778 = arith.addi %mul3A_776, %add3A_777 : i32
        %dma_start3A_779 = tpu.memref_slice %arg3[%add3A_778] : memref<160000xi32, #tpu.memory_space<hbm>> -> memref<4000xi32, #tpu.memory_space<hbm>>
        %dma_start3A_780 = tpu.memref_slice %arg3[%add3A_778] : memref<160000xi32, #tpu.memory_space<hbm>> -> memref<4000xi32, #tpu.memory_space<hbm>>
        tpu.enqueue_dma source(%dma_start3A_780 : memref<4000xi32, #tpu.memory_space<hbm>>) target(%arg16 : memref<4000xi32, #tpu.memory_space<vmem>>) target_semaphore(%arg28 : memref<!tpu.dma_semaphore, #tpu.memory_space<semaphore_mem>>)
        %add3A_781 = arith.constant 8000 : i32
        %add3A_782 = arith.addi %mul3A_774, %add3A_781 : i32
        %dma_start3A_783 = tpu.memref_slice %arg2[%add3A_782] : memref<20480000xf32, #tpu.memory_space<hbm>> -> memref<4000xf32, #tpu.memory_space<hbm>>
        %dma_start3A_784 = tpu.memref_slice %arg2[%add3A_782] : memref<20480000xf32, #tpu.memory_space<hbm>> -> memref<4000xf32, #tpu.memory_space<hbm>>
        tpu.enqueue_dma source(%dma_start3A_784 : memref<4000xf32, #tpu.memory_space<hbm>>) target(%arg13 : memref<4000xf32, #tpu.memory_space<vmem>>) target_semaphore(%arg28 : memref<!tpu.dma_semaphore, #tpu.memory_space<semaphore_mem>>)
      } else {
      }
      %scan3A_338 = arith.constant 0 : i32
      %scan3A_339 = arith.constant 100 : i32
      %scan3A_340 = arith.addi %scan3A_338, %scan3A_339 : i32
      %scan3A_341 = arith.constant 1 : i32
      scf.for %scan3A_734 = %scan3A_338 to %scan3A_340 step %scan3A_341  : i32 {
        %mul3A_735 = arith.constant 5 : i32
        %mul3A_736 = arith.muli %scan3A_734, %mul3A_735 : i32
        %mul3A_737 = arith.constant 16 : i32
        %mul3A_738 = arith.muli %mul3A_736, %mul3A_737 : i32
        %add3A_739 = arith.constant 0 : i32
        %add3A_740 = arith.addi %mul3A_738, %add3A_739 : i32
        %get3A = arith.index_cast %add3A_740 : i32 to index
        %get3A_741 = tpu.vector_load %arg17[%get3A] {strides = array<i32>} : memref<8000xi32, #tpu.memory_space<vmem>>, vector<16xi32>,
        %get3A_742 = arith.index_cast %add3A_740 : i32 to index
        %get3A_743 = tpu.vector_load %arg18[%get3A_742] {strides = array<i32>} : memref<8000xi32, #tpu.memory_space<vmem>>, vector<16xi32>,
        %shift_right_logical3A = arith.constant 7 : i32
        %shift_right_logical3A_744 = vector.broadcast %shift_right_logical3A : i32 to vector<16xi32>
        %shift_right_logical3A_745 = arith.shrui %get3A_741, %shift_right_logical3A_744 : vector<16xi32>
        %and3A_746 = arith.constant 127 : i32
        %and3A_747 = vector.broadcast %and3A_746 : i32 to vector<16xi32>
        %and3A_748 = arith.andi %get3A_741, %and3A_747 : vector<16xi32>
        %gather3A = tpu.vector_load_idx %arg10[%shift_right_logical3A_745, %and3A_748] : memref<512x128xf32, #tpu.memory_space<vmem>>[vector<16xi32>, vector<16xi32>], vector<16xf32>,
        %shift_right_logical3A_749 = arith.constant 7 : i32
        %shift_right_logical3A_750 = vector.broadcast %shift_right_logical3A_749 : i32 to vector<16xi32>
        %shift_right_logical3A_751 = arith.shrui %get3A_743, %shift_right_logical3A_750 : vector<16xi32>
        %and3A_752 = arith.constant 127 : i32
        %and3A_753 = vector.broadcast %and3A_752 : i32 to vector<16xi32>
        %and3A_754 = arith.andi %get3A_743, %and3A_753 : vector<16xi32>
        %gather3A_755 = tpu.vector_load_idx %arg10[%shift_right_logical3A_751, %and3A_754] : memref<512x128xf32, #tpu.memory_space<vmem>>[vector<16xi32>, vector<16xi32>], vector<16xf32>,
        %get3A_756 = arith.index_cast %add3A_740 : i32 to index
        %get3A_757 = tpu.vector_load %arg20[%get3A_756] {strides = array<i32>} : memref<8000xi32, #tpu.memory_space<vmem>>, vector<16xi32>,
        %get3A_758 = arith.index_cast %add3A_740 : i32 to index
        %get3A_759 = tpu.vector_load %arg21[%get3A_758] {strides = array<i32>} : memref<8000xi32, #tpu.memory_space<vmem>>, vector<16xi32>,
        %get3A_760 = arith.index_cast %add3A_740 : i32 to index
        %get3A_761 = tpu.vector_load %arg19[%get3A_760] {strides = array<i32>} : memref<8000xi32, #tpu.memory_space<vmem>>, vector<16xi32>,
        %shift_right_logical3A_762 = arith.constant 7 : i32
        %shift_right_logical3A_763 = vector.broadcast %shift_right_logical3A_762 : i32 to vector<16xi32>
        %shift_right_logical3A_764 = arith.shrui %get3A_757, %shift_right_logical3A_763 : vector<16xi32>
        %and3A_765 = arith.constant 127 : i32
        %and3A_766 = vector.broadcast %and3A_765 : i32 to vector<16xi32>
        %and3A_767 = arith.andi %get3A_757, %and3A_766 : vector<16xi32>
        tpu.vector_store_idx %arg10[%shift_right_logical3A_764, %and3A_767], %gather3A : memref<512x128xf32, #tpu.memory_space<vmem>>[vector<16xi32>, vector<16xi32>], vector<16xf32>,
        %shift_right_logical3A_768 = arith.constant 7 : i32
        %shift_right_logical3A_769 = vector.broadcast %shift_right_logical3A_768 : i32 to vector<16xi32>
        %shift_right_logical3A_770 = arith.shrui %get3A_759, %shift_right_logical3A_769 : vector<16xi32>
        %and3A_771 = arith.constant 127 : i32
        %and3A_772 = vector.broadcast %and3A_771 : i32 to vector<16xi32>
        %and3A_773 = arith.andi %get3A_759, %and3A_772 : vector<16xi32>
        tpu.vector_store_idx %arg10[%shift_right_logical3A_770, %and3A_773], %gather3A_755 : memref<512x128xf32, #tpu.memory_space<vmem>>[vector<16xi32>, vector<16xi32>], vector<16xf32>,
        %shift_right_logical3A_774 = arith.constant 7 : i32
        %shift_right_logical3A_775 = vector.broadcast %shift_right_logical3A_774 : i32 to vector<16xi32>
        %shift_right_logical3A_776 = arith.shrui %get3A_761, %shift_right_logical3A_775 : vector<16xi32>
        %and3A_777 = arith.constant 127 : i32
        %and3A_778 = vector.broadcast %and3A_777 : i32 to vector<16xi32>
        %and3A_779 = arith.andi %get3A_761, %and3A_778 : vector<16xi32>
        %add3A_780 = arith.addf %gather3A, %gather3A_755 : vector<16xf32>
        %mul3A_781 = arith.constant 5.000000e-01 : f32
        %mul3A_782 = vector.broadcast %mul3A_781 : f32 to vector<16xf32>
        %mul3A_783 = arith.mulf %add3A_780, %mul3A_782 : vector<16xf32>
        tpu.vector_store_idx %arg10[%shift_right_logical3A_776, %and3A_779], %mul3A_783 : memref<512x128xf32, #tpu.memory_space<vmem>>[vector<16xi32>, vector<16xi32>], vector<16xf32>,
        %mul3A_784 = arith.constant 5 : i32
        %mul3A_785 = arith.muli %scan3A_734, %mul3A_784 : i32
        %mul3A_786 = arith.constant 16 : i32
        %mul3A_787 = arith.muli %mul3A_785, %mul3A_786 : i32
        %add3A_788 = arith.constant 16 : i32
        %add3A_789 = arith.addi %mul3A_787, %add3A_788 : i32
        %get3A_790 = arith.index_cast %add3A_789 : i32 to index
        %get3A_791 = tpu.vector_load %arg17[%get3A_790] {strides = array<i32>} : memref<8000xi32, #tpu.memory_space<vmem>>, vector<16xi32>,
        %get3A_792 = arith.index_cast %add3A_789 : i32 to index
        %get3A_793 = tpu.vector_load %arg18[%get3A_792] {strides = array<i32>} : memref<8000xi32, #tpu.memory_space<vmem>>, vector<16xi32>,
        %shift_right_logical3A_794 = arith.constant 7 : i32
        %shift_right_logical3A_795 = vector.broadcast %shift_right_logical3A_794 : i32 to vector<16xi32>
        %shift_right_logical3A_796 = arith.shrui %get3A_791, %shift_right_logical3A_795 : vector<16xi32>
        %and3A_797 = arith.constant 127 : i32
        %and3A_798 = vector.broadcast %and3A_797 : i32 to vector<16xi32>
        %and3A_799 = arith.andi %get3A_791, %and3A_798 : vector<16xi32>
        %gather3A_800 = tpu.vector_load_idx %arg10[%shift_right_logical3A_796, %and3A_799] : memref<512x128xf32, #tpu.memory_space<vmem>>[vector<16xi32>, vector<16xi32>], vector<16xf32>,
        %shift_right_logical3A_801 = arith.constant 7 : i32
        %shift_right_logical3A_802 = vector.broadcast %shift_right_logical3A_801 : i32 to vector<16xi32>
        %shift_right_logical3A_803 = arith.shrui %get3A_793, %shift_right_logical3A_802 : vector<16xi32>
        %and3A_804 = arith.constant 127 : i32
        %and3A_805 = vector.broadcast %and3A_804 : i32 to vector<16xi32>
        %and3A_806 = arith.andi %get3A_793, %and3A_805 : vector<16xi32>
        %gather3A_807 = tpu.vector_load_idx %arg10[%shift_right_logical3A_803, %and3A_806] : memref<512x128xf32, #tpu.memory_space<vmem>>[vector<16xi32>, vector<16xi32>], vector<16xf32>,
        %get3A_808 = arith.index_cast %add3A_789 : i32 to index
        %get3A_809 = tpu.vector_load %arg20[%get3A_808] {strides = array<i32>} : memref<8000xi32, #tpu.memory_space<vmem>>, vector<16xi32>,
        %get3A_810 = arith.index_cast %add3A_789 : i32 to index
        %get3A_811 = tpu.vector_load %arg21[%get3A_810] {strides = array<i32>} : memref<8000xi32, #tpu.memory_space<vmem>>, vector<16xi32>,
        %get3A_812 = arith.index_cast %add3A_789 : i32 to index
        %get3A_813 = tpu.vector_load %arg19[%get3A_812] {strides = array<i32>} : memref<8000xi32, #tpu.memory_space<vmem>>, vector<16xi32>,
        %shift_right_logical3A_814 = arith.constant 7 : i32
        %shift_right_logical3A_815 = vector.broadcast %shift_right_logical3A_814 : i32 to vector<16xi32>
        %shift_right_logical3A_816 = arith.shrui %get3A_809, %shift_right_logical3A_815 : vector<16xi32>
        %and3A_817 = arith.constant 127 : i32
        %and3A_818 = vector.broadcast %and3A_817 : i32 to vector<16xi32>
        %and3A_819 = arith.andi %get3A_809, %and3A_818 : vector<16xi32>
        tpu.vector_store_idx %arg10[%shift_right_logical3A_816, %and3A_819], %gather3A_800 : memref<512x128xf32, #tpu.memory_space<vmem>>[vector<16xi32>, vector<16xi32>], vector<16xf32>,
        %shift_right_logical3A_820 = arith.constant 7 : i32
        %shift_right_logical3A_821 = vector.broadcast %shift_right_logical3A_820 : i32 to vector<16xi32>
        %shift_right_logical3A_822 = arith.shrui %get3A_811, %shift_right_logical3A_821 : vector<16xi32>
        %and3A_823 = arith.constant 127 : i32
        %and3A_824 = vector.broadcast %and3A_823 : i32 to vector<16xi32>
        %and3A_825 = arith.andi %get3A_811, %and3A_824 : vector<16xi32>
        tpu.vector_store_idx %arg10[%shift_right_logical3A_822, %and3A_825], %gather3A_807 : memref<512x128xf32, #tpu.memory_space<vmem>>[vector<16xi32>, vector<16xi32>], vector<16xf32>,
        %shift_right_logical3A_826 = arith.constant 7 : i32
        %shift_right_logical3A_827 = vector.broadcast %shift_right_logical3A_826 : i32 to vector<16xi32>
        %shift_right_logical3A_828 = arith.shrui %get3A_813, %shift_right_logical3A_827 : vector<16xi32>
        %and3A_829 = arith.constant 127 : i32
        %and3A_830 = vector.broadcast %and3A_829 : i32 to vector<16xi32>
        %and3A_831 = arith.andi %get3A_813, %and3A_830 : vector<16xi32>
        %add3A_832 = arith.addf %gather3A_800, %gather3A_807 : vector<16xf32>
        %mul3A_833 = arith.constant 5.000000e-01 : f32
        %mul3A_834 = vector.broadcast %mul3A_833 : f32 to vector<16xf32>
        %mul3A_835 = arith.mulf %add3A_832, %mul3A_834 : vector<16xf32>
        tpu.vector_store_idx %arg10[%shift_right_logical3A_828, %and3A_831], %mul3A_835 : memref<512x128xf32, #tpu.memory_space<vmem>>[vector<16xi32>, vector<16xi32>], vector<16xf32>,
        %mul3A_836 = arith.constant 5 : i32
        %mul3A_837 = arith.muli %scan3A_734, %mul3A_836 : i32
        %mul3A_838 = arith.constant 16 : i32
        %mul3A_839 = arith.muli %mul3A_837, %mul3A_838 : i32
        %add3A_840 = arith.constant 32 : i32
        %add3A_841 = arith.addi %mul3A_839, %add3A_840 : i32
        %get3A_842 = arith.index_cast %add3A_841 : i32 to index
        %get3A_843 = tpu.vector_load %arg17[%get3A_842] {strides = array<i32>} : memref<8000xi32, #tpu.memory_space<vmem>>, vector<16xi32>,
        %get3A_844 = arith.index_cast %add3A_841 : i32 to index
        %get3A_845 = tpu.vector_load %arg18[%get3A_844] {strides = array<i32>} : memref<8000xi32, #tpu.memory_space<vmem>>, vector<16xi32>,
        %shift_right_logical3A_846 = arith.constant 7 : i32
        %shift_right_logical3A_847 = vector.broadcast %shift_right_logical3A_846 : i32 to vector<16xi32>
        %shift_right_logical3A_848 = arith.shrui %get3A_843, %shift_right_logical3A_847 : vector<16xi32>
        %and3A_849 = arith.constant 127 : i32
        %and3A_850 = vector.broadcast %and3A_849 : i32 to vector<16xi32>
        %and3A_851 = arith.andi %get3A_843, %and3A_850 : vector<16xi32>
        %gather3A_852 = tpu.vector_load_idx %arg10[%shift_right_logical3A_848, %and3A_851] : memref<512x128xf32, #tpu.memory_space<vmem>>[vector<16xi32>, vector<16xi32>], vector<16xf32>,
        %shift_right_logical3A_853 = arith.constant 7 : i32
        %shift_right_logical3A_854 = vector.broadcast %shift_right_logical3A_853 : i32 to vector<16xi32>
        %shift_right_logical3A_855 = arith.shrui %get3A_845, %shift_right_logical3A_854 : vector<16xi32>
        %and3A_856 = arith.constant 127 : i32
        %and3A_857 = vector.broadcast %and3A_856 : i32 to vector<16xi32>
        %and3A_858 = arith.andi %get3A_845, %and3A_857 : vector<16xi32>
        %gather3A_859 = tpu.vector_load_idx %arg10[%shift_right_logical3A_855, %and3A_858] : memref<512x128xf32, #tpu.memory_space<vmem>>[vector<16xi32>, vector<16xi32>], vector<16xf32>,
        %get3A_860 = arith.index_cast %add3A_841 : i32 to index
        %get3A_861 = tpu.vector_load %arg20[%get3A_860] {strides = array<i32>} : memref<8000xi32, #tpu.memory_space<vmem>>, vector<16xi32>,
        %get3A_862 = arith.index_cast %add3A_841 : i32 to index
        %get3A_863 = tpu.vector_load %arg21[%get3A_862] {strides = array<i32>} : memref<8000xi32, #tpu.memory_space<vmem>>, vector<16xi32>,
        %get3A_864 = arith.index_cast %add3A_841 : i32 to index
        %get3A_865 = tpu.vector_load %arg19[%get3A_864] {strides = array<i32>} : memref<8000xi32, #tpu.memory_space<vmem>>, vector<16xi32>,
        %shift_right_logical3A_866 = arith.constant 7 : i32
        %shift_right_logical3A_867 = vector.broadcast %shift_right_logical3A_866 : i32 to vector<16xi32>
        %shift_right_logical3A_868 = arith.shrui %get3A_861, %shift_right_logical3A_867 : vector<16xi32>
        %and3A_869 = arith.constant 127 : i32
        %and3A_870 = vector.broadcast %and3A_869 : i32 to vector<16xi32>
        %and3A_871 = arith.andi %get3A_861, %and3A_870 : vector<16xi32>
        tpu.vector_store_idx %arg10[%shift_right_logical3A_868, %and3A_871], %gather3A_852 : memref<512x128xf32, #tpu.memory_space<vmem>>[vector<16xi32>, vector<16xi32>], vector<16xf32>,
        %shift_right_logical3A_872 = arith.constant 7 : i32
        %shift_right_logical3A_873 = vector.broadcast %shift_right_logical3A_872 : i32 to vector<16xi32>
        %shift_right_logical3A_874 = arith.shrui %get3A_863, %shift_right_logical3A_873 : vector<16xi32>
        %and3A_875 = arith.constant 127 : i32
        %and3A_876 = vector.broadcast %and3A_875 : i32 to vector<16xi32>
        %and3A_877 = arith.andi %get3A_863, %and3A_876 : vector<16xi32>
        tpu.vector_store_idx %arg10[%shift_right_logical3A_874, %and3A_877], %gather3A_859 : memref<512x128xf32, #tpu.memory_space<vmem>>[vector<16xi32>, vector<16xi32>], vector<16xf32>,
        %shift_right_logical3A_878 = arith.constant 7 : i32
        %shift_right_logical3A_879 = vector.broadcast %shift_right_logical3A_878 : i32 to vector<16xi32>
        %shift_right_logical3A_880 = arith.shrui %get3A_865, %shift_right_logical3A_879 : vector<16xi32>
        %and3A_881 = arith.constant 127 : i32
        %and3A_882 = vector.broadcast %and3A_881 : i32 to vector<16xi32>
        %and3A_883 = arith.andi %get3A_865, %and3A_882 : vector<16xi32>
        %add3A_884 = arith.addf %gather3A_852, %gather3A_859 : vector<16xf32>
        %mul3A_885 = arith.constant 5.000000e-01 : f32
        %mul3A_886 = vector.broadcast %mul3A_885 : f32 to vector<16xf32>
        %mul3A_887 = arith.mulf %add3A_884, %mul3A_886 : vector<16xf32>
        tpu.vector_store_idx %arg10[%shift_right_logical3A_880, %and3A_883], %mul3A_887 : memref<512x128xf32, #tpu.memory_space<vmem>>[vector<16xi32>, vector<16xi32>], vector<16xf32>,
        %mul3A_888 = arith.constant 5 : i32
        %mul3A_889 = arith.muli %scan3A_734, %mul3A_888 : i32
        %mul3A_890 = arith.constant 16 : i32
        %mul3A_891 = arith.muli %mul3A_889, %mul3A_890 : i32
        %add3A_892 = arith.constant 48 : i32
        %add3A_893 = arith.addi %mul3A_891, %add3A_892 : i32
        %get3A_894 = arith.index_cast %add3A_893 : i32 to index
        %get3A_895 = tpu.vector_load %arg17[%get3A_894] {strides = array<i32>} : memref<8000xi32, #tpu.memory_space<vmem>>, vector<16xi32>,
        %get3A_896 = arith.index_cast %add3A_893 : i32 to index
        %get3A_897 = tpu.vector_load %arg18[%get3A_896] {strides = array<i32>} : memref<8000xi32, #tpu.memory_space<vmem>>, vector<16xi32>,
        %shift_right_logical3A_898 = arith.constant 7 : i32
        %shift_right_logical3A_899 = vector.broadcast %shift_right_logical3A_898 : i32 to vector<16xi32>
        %shift_right_logical3A_900 = arith.shrui %get3A_895, %shift_right_logical3A_899 : vector<16xi32>
        %and3A_901 = arith.constant 127 : i32
        %and3A_902 = vector.broadcast %and3A_901 : i32 to vector<16xi32>
        %and3A_903 = arith.andi %get3A_895, %and3A_902 : vector<16xi32>
        %gather3A_904 = tpu.vector_load_idx %arg10[%shift_right_logical3A_900, %and3A_903] : memref<512x128xf32, #tpu.memory_space<vmem>>[vector<16xi32>, vector<16xi32>], vector<16xf32>,
        %shift_right_logical3A_905 = arith.constant 7 : i32
        %shift_right_logical3A_906 = vector.broadcast %shift_right_logical3A_905 : i32 to vector<16xi32>
        %shift_right_logical3A_907 = arith.shrui %get3A_897, %shift_right_logical3A_906 : vector<16xi32>
        %and3A_908 = arith.constant 127 : i32
        %and3A_909 = vector.broadcast %and3A_908 : i32 to vector<16xi32>
        %and3A_910 = arith.andi %get3A_897, %and3A_909 : vector<16xi32>
        %gather3A_911 = tpu.vector_load_idx %arg10[%shift_right_logical3A_907, %and3A_910] : memref<512x128xf32, #tpu.memory_space<vmem>>[vector<16xi32>, vector<16xi32>], vector<16xf32>,
        %get3A_912 = arith.index_cast %add3A_893 : i32 to index
        %get3A_913 = tpu.vector_load %arg20[%get3A_912] {strides = array<i32>} : memref<8000xi32, #tpu.memory_space<vmem>>, vector<16xi32>,
        %get3A_914 = arith.index_cast %add3A_893 : i32 to index
        %get3A_915 = tpu.vector_load %arg21[%get3A_914] {strides = array<i32>} : memref<8000xi32, #tpu.memory_space<vmem>>, vector<16xi32>,
        %get3A_916 = arith.index_cast %add3A_893 : i32 to index
        %get3A_917 = tpu.vector_load %arg19[%get3A_916] {strides = array<i32>} : memref<8000xi32, #tpu.memory_space<vmem>>, vector<16xi32>,
        %shift_right_logical3A_918 = arith.constant 7 : i32
        %shift_right_logical3A_919 = vector.broadcast %shift_right_logical3A_918 : i32 to vector<16xi32>
        %shift_right_logical3A_920 = arith.shrui %get3A_913, %shift_right_logical3A_919 : vector<16xi32>
        %and3A_921 = arith.constant 127 : i32
        %and3A_922 = vector.broadcast %and3A_921 : i32 to vector<16xi32>
        %and3A_923 = arith.andi %get3A_913, %and3A_922 : vector<16xi32>
        tpu.vector_store_idx %arg10[%shift_right_logical3A_920, %and3A_923], %gather3A_904 : memref<512x128xf32, #tpu.memory_space<vmem>>[vector<16xi32>, vector<16xi32>], vector<16xf32>,
        %shift_right_logical3A_924 = arith.constant 7 : i32
        %shift_right_logical3A_925 = vector.broadcast %shift_right_logical3A_924 : i32 to vector<16xi32>
        %shift_right_logical3A_926 = arith.shrui %get3A_915, %shift_right_logical3A_925 : vector<16xi32>
        %and3A_927 = arith.constant 127 : i32
        %and3A_928 = vector.broadcast %and3A_927 : i32 to vector<16xi32>
        %and3A_929 = arith.andi %get3A_915, %and3A_928 : vector<16xi32>
        tpu.vector_store_idx %arg10[%shift_right_logical3A_926, %and3A_929], %gather3A_911 : memref<512x128xf32, #tpu.memory_space<vmem>>[vector<16xi32>, vector<16xi32>], vector<16xf32>,
        %shift_right_logical3A_930 = arith.constant 7 : i32
        %shift_right_logical3A_931 = vector.broadcast %shift_right_logical3A_930 : i32 to vector<16xi32>
        %shift_right_logical3A_932 = arith.shrui %get3A_917, %shift_right_logical3A_931 : vector<16xi32>
        %and3A_933 = arith.constant 127 : i32
        %and3A_934 = vector.broadcast %and3A_933 : i32 to vector<16xi32>
        %and3A_935 = arith.andi %get3A_917, %and3A_934 : vector<16xi32>
        %add3A_936 = arith.addf %gather3A_904, %gather3A_911 : vector<16xf32>
        %mul3A_937 = arith.constant 5.000000e-01 : f32
        %mul3A_938 = vector.broadcast %mul3A_937 : f32 to vector<16xf32>
        %mul3A_939 = arith.mulf %add3A_936, %mul3A_938 : vector<16xf32>
        tpu.vector_store_idx %arg10[%shift_right_logical3A_932, %and3A_935], %mul3A_939 : memref<512x128xf32, #tpu.memory_space<vmem>>[vector<16xi32>, vector<16xi32>], vector<16xf32>,
        %mul3A_940 = arith.constant 5 : i32
        %mul3A_941 = arith.muli %scan3A_734, %mul3A_940 : i32
        %mul3A_942 = arith.constant 16 : i32
        %mul3A_943 = arith.muli %mul3A_941, %mul3A_942 : i32
        %add3A_944 = arith.constant 64 : i32
        %add3A_945 = arith.addi %mul3A_943, %add3A_944 : i32
        %get3A_946 = arith.index_cast %add3A_945 : i32 to index
        %get3A_947 = tpu.vector_load %arg17[%get3A_946] {strides = array<i32>} : memref<8000xi32, #tpu.memory_space<vmem>>, vector<16xi32>,
        %get3A_948 = arith.index_cast %add3A_945 : i32 to index
        %get3A_949 = tpu.vector_load %arg18[%get3A_948] {strides = array<i32>} : memref<8000xi32, #tpu.memory_space<vmem>>, vector<16xi32>,
        %shift_right_logical3A_950 = arith.constant 7 : i32
        %shift_right_logical3A_951 = vector.broadcast %shift_right_logical3A_950 : i32 to vector<16xi32>
        %shift_right_logical3A_952 = arith.shrui %get3A_947, %shift_right_logical3A_951 : vector<16xi32>
        %and3A_953 = arith.constant 127 : i32
        %and3A_954 = vector.broadcast %and3A_953 : i32 to vector<16xi32>
        %and3A_955 = arith.andi %get3A_947, %and3A_954 : vector<16xi32>
        %gather3A_956 = tpu.vector_load_idx %arg10[%shift_right_logical3A_952, %and3A_955] : memref<512x128xf32, #tpu.memory_space<vmem>>[vector<16xi32>, vector<16xi32>], vector<16xf32>,
        %shift_right_logical3A_957 = arith.constant 7 : i32
        %shift_right_logical3A_958 = vector.broadcast %shift_right_logical3A_957 : i32 to vector<16xi32>
        %shift_right_logical3A_959 = arith.shrui %get3A_949, %shift_right_logical3A_958 : vector<16xi32>
        %and3A_960 = arith.constant 127 : i32
        %and3A_961 = vector.broadcast %and3A_960 : i32 to vector<16xi32>
        %and3A_962 = arith.andi %get3A_949, %and3A_961 : vector<16xi32>
        %gather3A_963 = tpu.vector_load_idx %arg10[%shift_right_logical3A_959, %and3A_962] : memref<512x128xf32, #tpu.memory_space<vmem>>[vector<16xi32>, vector<16xi32>], vector<16xf32>,
        %get3A_964 = arith.index_cast %add3A_945 : i32 to index
        %get3A_965 = tpu.vector_load %arg20[%get3A_964] {strides = array<i32>} : memref<8000xi32, #tpu.memory_space<vmem>>, vector<16xi32>,
        %get3A_966 = arith.index_cast %add3A_945 : i32 to index
        %get3A_967 = tpu.vector_load %arg21[%get3A_966] {strides = array<i32>} : memref<8000xi32, #tpu.memory_space<vmem>>, vector<16xi32>,
        %get3A_968 = arith.index_cast %add3A_945 : i32 to index
        %get3A_969 = tpu.vector_load %arg19[%get3A_968] {strides = array<i32>} : memref<8000xi32, #tpu.memory_space<vmem>>, vector<16xi32>,
        %shift_right_logical3A_970 = arith.constant 7 : i32
        %shift_right_logical3A_971 = vector.broadcast %shift_right_logical3A_970 : i32 to vector<16xi32>
        %shift_right_logical3A_972 = arith.shrui %get3A_965, %shift_right_logical3A_971 : vector<16xi32>
        %and3A_973 = arith.constant 127 : i32
        %and3A_974 = vector.broadcast %and3A_973 : i32 to vector<16xi32>
        %and3A_975 = arith.andi %get3A_965, %and3A_974 : vector<16xi32>
        tpu.vector_store_idx %arg10[%shift_right_logical3A_972, %and3A_975], %gather3A_956 : memref<512x128xf32, #tpu.memory_space<vmem>>[vector<16xi32>, vector<16xi32>], vector<16xf32>,
        %shift_right_logical3A_976 = arith.constant 7 : i32
        %shift_right_logical3A_977 = vector.broadcast %shift_right_logical3A_976 : i32 to vector<16xi32>
        %shift_right_logical3A_978 = arith.shrui %get3A_967, %shift_right_logical3A_977 : vector<16xi32>
        %and3A_979 = arith.constant 127 : i32
        %and3A_980 = vector.broadcast %and3A_979 : i32 to vector<16xi32>
        %and3A_981 = arith.andi %get3A_967, %and3A_980 : vector<16xi32>
        tpu.vector_store_idx %arg10[%shift_right_logical3A_978, %and3A_981], %gather3A_963 : memref<512x128xf32, #tpu.memory_space<vmem>>[vector<16xi32>, vector<16xi32>], vector<16xf32>,
        %shift_right_logical3A_982 = arith.constant 7 : i32
        %shift_right_logical3A_983 = vector.broadcast %shift_right_logical3A_982 : i32 to vector<16xi32>
        %shift_right_logical3A_984 = arith.shrui %get3A_969, %shift_right_logical3A_983 : vector<16xi32>
        %and3A_985 = arith.constant 127 : i32
        %and3A_986 = vector.broadcast %and3A_985 : i32 to vector<16xi32>
        %and3A_987 = arith.andi %get3A_969, %and3A_986 : vector<16xi32>
        %add3A_988 = arith.addf %gather3A_956, %gather3A_963 : vector<16xf32>
        %mul3A_989 = arith.constant 5.000000e-01 : f32
        %mul3A_990 = vector.broadcast %mul3A_989 : f32 to vector<16xf32>
        %mul3A_991 = arith.mulf %add3A_988, %mul3A_990 : vector<16xf32>
        tpu.vector_store_idx %arg10[%shift_right_logical3A_984, %and3A_987], %mul3A_991 : memref<512x128xf32, #tpu.memory_space<vmem>>[vector<16xi32>, vector<16xi32>], vector<16xf32>,
      }
      %scan3A_342 = arith.constant 100 : i32
      %mul3A_343 = arith.constant 16 : i32
      %mul3A_344 = arith.muli %select_n3A, %mul3A_343 : i32
      %jit3A_345 = arith.constant 8 : i32
      %div3A_346 = arith.divsi %add3A_121, %jit3A_345 : i32
      %sign3A_347 = arith.constant 0 : i32
      %sign3A_348 = arith.cmpi sgt, %add3A_121, %sign3A_347 : i32
      %sign3A_349 = arith.extui %sign3A_348 : i1 to i32
      %sign3A_350 = arith.constant 0 : i32
      %sign3A_351 = arith.cmpi slt, %add3A_121, %sign3A_350 : i32
      %sign3A_352 = arith.extui %sign3A_351 : i1 to i32
      %sign3A_353 = arith.subi %sign3A_349, %sign3A_352 : i32
      %sign3A_354 = arith.constant 0 : i32
      %sign3A_355 = arith.cmpi sgt, %jit3A_345, %sign3A_354 : i32
      %sign3A_356 = arith.extui %sign3A_355 : i1 to i32
      %sign3A_357 = arith.constant 0 : i32
      %sign3A_358 = arith.cmpi slt, %jit3A_345, %sign3A_357 : i32
      %sign3A_359 = arith.extui %sign3A_358 : i1 to i32
      %sign3A_360 = arith.subi %sign3A_356, %sign3A_359 : i32
      %ne3A_361 = arith.cmpi ne, %sign3A_353, %sign3A_360 : i32
      %rem3A_362 = arith.remsi %add3A_121, %jit3A_345 : i32
      %ne3A_363 = arith.constant 0 : i32
      %ne3A_364 = arith.cmpi ne, %rem3A_362, %ne3A_363 : i32
      %and3A_365 = arith.andi %ne3A_361, %ne3A_364 : i1
      %sub3A_366 = arith.constant 1 : i32
      %sub3A_367 = arith.subi %div3A_346, %sub3A_366 : i32
      %select_n3A_368 = arith.select %and3A_365, %sub3A_367, %div3A_346 : i32
      %add3A_369 = arith.addi %mul3A_344, %select_n3A_368 : i32
      %mul3A_370 = arith.constant 512 : i32
      %mul3A_371 = arith.muli %add3A_369, %mul3A_370 : i32
      %mul3A_372 = arith.constant 8 : i32
      %mul3A_373 = arith.muli %mul3A_371, %mul3A_372 : i32
      %jit3A_374 = arith.constant 8 : i32
      %eq3A_375 = arith.constant 0 : i32
      %eq3A_376 = arith.cmpi eq, %jit3A_374, %eq3A_375 : i32
      %jit3A_377 = arith.constant 1 : i32
      %select_n3A_378 = arith.select %eq3A_376, %jit3A_377, %jit3A_374 : i32
      %rem3A_379 = arith.remsi %add3A_121, %select_n3A_378 : i32
      %ne3A_380 = arith.constant 0 : i32
      %ne3A_381 = arith.cmpi ne, %rem3A_379, %ne3A_380 : i32
      %lt3A_382 = arith.constant 0 : i32
      %lt3A_383 = arith.cmpi slt, %rem3A_379, %lt3A_382 : i32
      %lt3A_384 = arith.constant 0 : i32
      %lt3A_385 = arith.cmpi slt, %select_n3A_378, %lt3A_384 : i32
      %ne3A_386 = arith.xori %lt3A_383, %lt3A_385 : i1
      %and3A_387 = arith.andi %ne3A_386, %ne3A_381 : i1
      %add3A_388 = arith.addi %rem3A_379, %select_n3A_378 : i32
      %select_n3A_389 = arith.select %and3A_387, %add3A_388, %rem3A_379 : i32
      %add3A_390 = arith.addi %mul3A_373, %select_n3A_389 : i32
      %add3A_391 = arith.constant 0 : i32
      %add3A_392 = vector.broadcast %add3A_391 : i32 to vector<16xi32>
      %add3A_393 = arith.addi %add3A_392, %iota3A : vector<16xi32>
      %mul3A_394 = arith.constant 8 : i32
      %mul3A_395 = vector.broadcast %mul3A_394 : i32 to vector<16xi32>
      %mul3A_396 = arith.muli %add3A_393, %mul3A_395 : vector<16xi32>
      %add3A_397 = vector.broadcast %add3A_390 : i32 to vector<16xi32>
      %add3A_398 = arith.addi %add3A_397, %mul3A_396 : vector<16xi32>
      %swap3A = arith.constant 0 : index
      %swap3A_399 = tpu.vector_load %arg22[%swap3A] {strides = array<i32>} : memref<128xi32, #tpu.memory_space<vmem>>, vector<16xi32>,
      tpu.vector_store %arg22[%swap3A], %add3A_398 {strides = array<i32>} : memref<128xi32, #tpu.memory_space<vmem>>, vector<16xi32>,
      %add3A_400 = arith.constant 16 : i32
      %add3A_401 = vector.broadcast %add3A_400 : i32 to vector<16xi32>
      %add3A_402 = arith.addi %add3A_401, %iota3A : vector<16xi32>
      %mul3A_403 = arith.constant 8 : i32
      %mul3A_404 = vector.broadcast %mul3A_403 : i32 to vector<16xi32>
      %mul3A_405 = arith.muli %add3A_402, %mul3A_404 : vector<16xi32>
      %add3A_406 = vector.broadcast %add3A_390 : i32 to vector<16xi32>
      %add3A_407 = arith.addi %add3A_406, %mul3A_405 : vector<16xi32>
      %swap3A_408 = arith.constant 16 : index
      %swap3A_409 = tpu.vector_load %arg22[%swap3A_408] {strides = array<i32>} : memref<128xi32, #tpu.memory_space<vmem>>, vector<16xi32>,
      tpu.vector_store %arg22[%swap3A_408], %add3A_407 {strides = array<i32>} : memref<128xi32, #tpu.memory_space<vmem>>, vector<16xi32>,
      %add3A_410 = arith.constant 32 : i32
      %add3A_411 = vector.broadcast %add3A_410 : i32 to vector<16xi32>
      %add3A_412 = arith.addi %add3A_411, %iota3A : vector<16xi32>
      %mul3A_413 = arith.constant 8 : i32
      %mul3A_414 = vector.broadcast %mul3A_413 : i32 to vector<16xi32>
      %mul3A_415 = arith.muli %add3A_412, %mul3A_414 : vector<16xi32>
      %add3A_416 = vector.broadcast %add3A_390 : i32 to vector<16xi32>
      %add3A_417 = arith.addi %add3A_416, %mul3A_415 : vector<16xi32>
      %swap3A_418 = arith.constant 32 : index
      %swap3A_419 = tpu.vector_load %arg22[%swap3A_418] {strides = array<i32>} : memref<128xi32, #tpu.memory_space<vmem>>, vector<16xi32>,
      tpu.vector_store %arg22[%swap3A_418], %add3A_417 {strides = array<i32>} : memref<128xi32, #tpu.memory_space<vmem>>, vector<16xi32>,
      %add3A_420 = arith.constant 48 : i32
      %add3A_421 = vector.broadcast %add3A_420 : i32 to vector<16xi32>
      %add3A_422 = arith.addi %add3A_421, %iota3A : vector<16xi32>
      %mul3A_423 = arith.constant 8 : i32
      %mul3A_424 = vector.broadcast %mul3A_423 : i32 to vector<16xi32>
      %mul3A_425 = arith.muli %add3A_422, %mul3A_424 : vector<16xi32>
      %add3A_426 = vector.broadcast %add3A_390 : i32 to vector<16xi32>
      %add3A_427 = arith.addi %add3A_426, %mul3A_425 : vector<16xi32>
      %swap3A_428 = arith.constant 48 : index
      %swap3A_429 = tpu.vector_load %arg22[%swap3A_428] {strides = array<i32>} : memref<128xi32, #tpu.memory_space<vmem>>, vector<16xi32>,
      tpu.vector_store %arg22[%swap3A_428], %add3A_427 {strides = array<i32>} : memref<128xi32, #tpu.memory_space<vmem>>, vector<16xi32>,
      %add3A_430 = arith.constant 64 : i32
      %add3A_431 = vector.broadcast %add3A_430 : i32 to vector<16xi32>
      %add3A_432 = arith.addi %add3A_431, %iota3A : vector<16xi32>
      %mul3A_433 = arith.constant 8 : i32
      %mul3A_434 = vector.broadcast %mul3A_433 : i32 to vector<16xi32>
      %mul3A_435 = arith.muli %add3A_432, %mul3A_434 : vector<16xi32>
      %add3A_436 = vector.broadcast %add3A_390 : i32 to vector<16xi32>
      %add3A_437 = arith.addi %add3A_436, %mul3A_435 : vector<16xi32>
      %swap3A_438 = arith.constant 64 : index
      %swap3A_439 = tpu.vector_load %arg22[%swap3A_438] {strides = array<i32>} : memref<128xi32, #tpu.memory_space<vmem>>, vector<16xi32>,
      tpu.vector_store %arg22[%swap3A_438], %add3A_437 {strides = array<i32>} : memref<128xi32, #tpu.memory_space<vmem>>, vector<16xi32>,
      %add3A_440 = arith.constant 80 : i32
      %add3A_441 = vector.broadcast %add3A_440 : i32 to vector<16xi32>
      %add3A_442 = arith.addi %add3A_441, %iota3A : vector<16xi32>
      %mul3A_443 = arith.constant 8 : i32
      %mul3A_444 = vector.broadcast %mul3A_443 : i32 to vector<16xi32>
      %mul3A_445 = arith.muli %add3A_442, %mul3A_444 : vector<16xi32>
      %add3A_446 = vector.broadcast %add3A_390 : i32 to vector<16xi32>
      %add3A_447 = arith.addi %add3A_446, %mul3A_445 : vector<16xi32>
      %swap3A_448 = arith.constant 80 : index
      %swap3A_449 = tpu.vector_load %arg22[%swap3A_448] {strides = array<i32>} : memref<128xi32, #tpu.memory_space<vmem>>, vector<16xi32>,
      tpu.vector_store %arg22[%swap3A_448], %add3A_447 {strides = array<i32>} : memref<128xi32, #tpu.memory_space<vmem>>, vector<16xi32>,
      %add3A_450 = arith.constant 96 : i32
      %add3A_451 = vector.broadcast %add3A_450 : i32 to vector<16xi32>
      %add3A_452 = arith.addi %add3A_451, %iota3A : vector<16xi32>
      %mul3A_453 = arith.constant 8 : i32
      %mul3A_454 = vector.broadcast %mul3A_453 : i32 to vector<16xi32>
      %mul3A_455 = arith.muli %add3A_452, %mul3A_454 : vector<16xi32>
      %add3A_456 = vector.broadcast %add3A_390 : i32 to vector<16xi32>
      %add3A_457 = arith.addi %add3A_456, %mul3A_455 : vector<16xi32>
      %swap3A_458 = arith.constant 96 : index
      %swap3A_459 = tpu.vector_load %arg22[%swap3A_458] {strides = array<i32>} : memref<128xi32, #tpu.memory_space<vmem>>, vector<16xi32>,
      tpu.vector_store %arg22[%swap3A_458], %add3A_457 {strides = array<i32>} : memref<128xi32, #tpu.memory_space<vmem>>, vector<16xi32>,
      %add3A_460 = arith.constant 112 : i32
      %add3A_461 = vector.broadcast %add3A_460 : i32 to vector<16xi32>
      %add3A_462 = arith.addi %add3A_461, %iota3A : vector<16xi32>
      %mul3A_463 = arith.constant 8 : i32
      %mul3A_464 = vector.broadcast %mul3A_463 : i32 to vector<16xi32>
      %mul3A_465 = arith.muli %add3A_462, %mul3A_464 : vector<16xi32>
      %add3A_466 = vector.broadcast %add3A_390 : i32 to vector<16xi32>
      %add3A_467 = arith.addi %add3A_466, %mul3A_465 : vector<16xi32>
      %swap3A_468 = arith.constant 112 : index
      %swap3A_469 = tpu.vector_load %arg22[%swap3A_468] {strides = array<i32>} : memref<128xi32, #tpu.memory_space<vmem>>, vector<16xi32>,
      tpu.vector_store %arg22[%swap3A_468], %add3A_467 {strides = array<i32>} : memref<128xi32, #tpu.memory_space<vmem>>, vector<16xi32>,
      %add3A_470 = arith.constant 128 : i32
      %add3A_471 = vector.broadcast %add3A_470 : i32 to vector<16xi32>
      %add3A_472 = arith.addi %add3A_471, %iota3A : vector<16xi32>
      %mul3A_473 = arith.constant 8 : i32
      %mul3A_474 = vector.broadcast %mul3A_473 : i32 to vector<16xi32>
      %mul3A_475 = arith.muli %add3A_472, %mul3A_474 : vector<16xi32>
      %add3A_476 = vector.broadcast %add3A_390 : i32 to vector<16xi32>
      %add3A_477 = arith.addi %add3A_476, %mul3A_475 : vector<16xi32>
      %swap3A_478 = arith.constant 0 : index
      %swap3A_479 = tpu.vector_load %arg23[%swap3A_478] {strides = array<i32>} : memref<128xi32, #tpu.memory_space<vmem>>, vector<16xi32>,
      tpu.vector_store %arg23[%swap3A_478], %add3A_477 {strides = array<i32>} : memref<128xi32, #tpu.memory_space<vmem>>, vector<16xi32>,
      %add3A_480 = arith.constant 144 : i32
      %add3A_481 = vector.broadcast %add3A_480 : i32 to vector<16xi32>
      %add3A_482 = arith.addi %add3A_481, %iota3A : vector<16xi32>
      %mul3A_483 = arith.constant 8 : i32
      %mul3A_484 = vector.broadcast %mul3A_483 : i32 to vector<16xi32>
      %mul3A_485 = arith.muli %add3A_482, %mul3A_484 : vector<16xi32>
      %add3A_486 = vector.broadcast %add3A_390 : i32 to vector<16xi32>
      %add3A_487 = arith.addi %add3A_486, %mul3A_485 : vector<16xi32>
      %swap3A_488 = arith.constant 16 : index
      %swap3A_489 = tpu.vector_load %arg23[%swap3A_488] {strides = array<i32>} : memref<128xi32, #tpu.memory_space<vmem>>, vector<16xi32>,
      tpu.vector_store %arg23[%swap3A_488], %add3A_487 {strides = array<i32>} : memref<128xi32, #tpu.memory_space<vmem>>, vector<16xi32>,
      %add3A_490 = arith.constant 160 : i32
      %add3A_491 = vector.broadcast %add3A_490 : i32 to vector<16xi32>
      %add3A_492 = arith.addi %add3A_491, %iota3A : vector<16xi32>
      %mul3A_493 = arith.constant 8 : i32
      %mul3A_494 = vector.broadcast %mul3A_493 : i32 to vector<16xi32>
      %mul3A_495 = arith.muli %add3A_492, %mul3A_494 : vector<16xi32>
      %add3A_496 = vector.broadcast %add3A_390 : i32 to vector<16xi32>
      %add3A_497 = arith.addi %add3A_496, %mul3A_495 : vector<16xi32>
      %swap3A_498 = arith.constant 32 : index
      %swap3A_499 = tpu.vector_load %arg23[%swap3A_498] {strides = array<i32>} : memref<128xi32, #tpu.memory_space<vmem>>, vector<16xi32>,
      tpu.vector_store %arg23[%swap3A_498], %add3A_497 {strides = array<i32>} : memref<128xi32, #tpu.memory_space<vmem>>, vector<16xi32>,
      %add3A_500 = arith.constant 176 : i32
      %add3A_501 = vector.broadcast %add3A_500 : i32 to vector<16xi32>
      %add3A_502 = arith.addi %add3A_501, %iota3A : vector<16xi32>
      %mul3A_503 = arith.constant 8 : i32
      %mul3A_504 = vector.broadcast %mul3A_503 : i32 to vector<16xi32>
      %mul3A_505 = arith.muli %add3A_502, %mul3A_504 : vector<16xi32>
      %add3A_506 = vector.broadcast %add3A_390 : i32 to vector<16xi32>
      %add3A_507 = arith.addi %add3A_506, %mul3A_505 : vector<16xi32>
      %swap3A_508 = arith.constant 48 : index
      %swap3A_509 = tpu.vector_load %arg23[%swap3A_508] {strides = array<i32>} : memref<128xi32, #tpu.memory_space<vmem>>, vector<16xi32>,
      tpu.vector_store %arg23[%swap3A_508], %add3A_507 {strides = array<i32>} : memref<128xi32, #tpu.memory_space<vmem>>, vector<16xi32>,
      %add3A_510 = arith.constant 192 : i32
      %add3A_511 = vector.broadcast %add3A_510 : i32 to vector<16xi32>
      %add3A_512 = arith.addi %add3A_511, %iota3A : vector<16xi32>
      %mul3A_513 = arith.constant 8 : i32
      %mul3A_514 = vector.broadcast %mul3A_513 : i32 to vector<16xi32>
      %mul3A_515 = arith.muli %add3A_512, %mul3A_514 : vector<16xi32>
      %add3A_516 = vector.broadcast %add3A_390 : i32 to vector<16xi32>
      %add3A_517 = arith.addi %add3A_516, %mul3A_515 : vector<16xi32>
      %swap3A_518 = arith.constant 64 : index
      %swap3A_519 = tpu.vector_load %arg23[%swap3A_518] {strides = array<i32>} : memref<128xi32, #tpu.memory_space<vmem>>, vector<16xi32>,
      tpu.vector_store %arg23[%swap3A_518], %add3A_517 {strides = array<i32>} : memref<128xi32, #tpu.memory_space<vmem>>, vector<16xi32>,
      %add3A_520 = arith.constant 208 : i32
      %add3A_521 = vector.broadcast %add3A_520 : i32 to vector<16xi32>
      %add3A_522 = arith.addi %add3A_521, %iota3A : vector<16xi32>
      %mul3A_523 = arith.constant 8 : i32
      %mul3A_524 = vector.broadcast %mul3A_523 : i32 to vector<16xi32>
      %mul3A_525 = arith.muli %add3A_522, %mul3A_524 : vector<16xi32>
      %add3A_526 = vector.broadcast %add3A_390 : i32 to vector<16xi32>
      %add3A_527 = arith.addi %add3A_526, %mul3A_525 : vector<16xi32>
      %swap3A_528 = arith.constant 80 : index
      %swap3A_529 = tpu.vector_load %arg23[%swap3A_528] {strides = array<i32>} : memref<128xi32, #tpu.memory_space<vmem>>, vector<16xi32>,
      tpu.vector_store %arg23[%swap3A_528], %add3A_527 {strides = array<i32>} : memref<128xi32, #tpu.memory_space<vmem>>, vector<16xi32>,
      %add3A_530 = arith.constant 224 : i32
      %add3A_531 = vector.broadcast %add3A_530 : i32 to vector<16xi32>
      %add3A_532 = arith.addi %add3A_531, %iota3A : vector<16xi32>
      %mul3A_533 = arith.constant 8 : i32
      %mul3A_534 = vector.broadcast %mul3A_533 : i32 to vector<16xi32>
      %mul3A_535 = arith.muli %add3A_532, %mul3A_534 : vector<16xi32>
      %add3A_536 = vector.broadcast %add3A_390 : i32 to vector<16xi32>
      %add3A_537 = arith.addi %add3A_536, %mul3A_535 : vector<16xi32>
      %swap3A_538 = arith.constant 96 : index
      %swap3A_539 = tpu.vector_load %arg23[%swap3A_538] {strides = array<i32>} : memref<128xi32, #tpu.memory_space<vmem>>, vector<16xi32>,
      tpu.vector_store %arg23[%swap3A_538], %add3A_537 {strides = array<i32>} : memref<128xi32, #tpu.memory_space<vmem>>, vector<16xi32>,
      %add3A_540 = arith.constant 240 : i32
      %add3A_541 = vector.broadcast %add3A_540 : i32 to vector<16xi32>
      %add3A_542 = arith.addi %add3A_541, %iota3A : vector<16xi32>
      %mul3A_543 = arith.constant 8 : i32
      %mul3A_544 = vector.broadcast %mul3A_543 : i32 to vector<16xi32>
      %mul3A_545 = arith.muli %add3A_542, %mul3A_544 : vector<16xi32>
      %add3A_546 = vector.broadcast %add3A_390 : i32 to vector<16xi32>
      %add3A_547 = arith.addi %add3A_546, %mul3A_545 : vector<16xi32>
      %swap3A_548 = arith.constant 112 : index
      %swap3A_549 = tpu.vector_load %arg23[%swap3A_548] {strides = array<i32>} : memref<128xi32, #tpu.memory_space<vmem>>, vector<16xi32>,
      tpu.vector_store %arg23[%swap3A_548], %add3A_547 {strides = array<i32>} : memref<128xi32, #tpu.memory_space<vmem>>, vector<16xi32>,
      %add3A_550 = arith.constant 256 : i32
      %add3A_551 = vector.broadcast %add3A_550 : i32 to vector<16xi32>
      %add3A_552 = arith.addi %add3A_551, %iota3A : vector<16xi32>
      %mul3A_553 = arith.constant 8 : i32
      %mul3A_554 = vector.broadcast %mul3A_553 : i32 to vector<16xi32>
      %mul3A_555 = arith.muli %add3A_552, %mul3A_554 : vector<16xi32>
      %add3A_556 = vector.broadcast %add3A_390 : i32 to vector<16xi32>
      %add3A_557 = arith.addi %add3A_556, %mul3A_555 : vector<16xi32>
      %swap3A_558 = arith.constant 0 : index
      %swap3A_559 = tpu.vector_load %arg24[%swap3A_558] {strides = array<i32>} : memref<128xi32, #tpu.memory_space<vmem>>, vector<16xi32>,
      tpu.vector_store %arg24[%swap3A_558], %add3A_557 {strides = array<i32>} : memref<128xi32, #tpu.memory_space<vmem>>, vector<16xi32>,
      %add3A_560 = arith.constant 272 : i32
      %add3A_561 = vector.broadcast %add3A_560 : i32 to vector<16xi32>
      %add3A_562 = arith.addi %add3A_561, %iota3A : vector<16xi32>
      %mul3A_563 = arith.constant 8 : i32
      %mul3A_564 = vector.broadcast %mul3A_563 : i32 to vector<16xi32>
      %mul3A_565 = arith.muli %add3A_562, %mul3A_564 : vector<16xi32>
      %add3A_566 = vector.broadcast %add3A_390 : i32 to vector<16xi32>
      %add3A_567 = arith.addi %add3A_566, %mul3A_565 : vector<16xi32>
      %swap3A_568 = arith.constant 16 : index
      %swap3A_569 = tpu.vector_load %arg24[%swap3A_568] {strides = array<i32>} : memref<128xi32, #tpu.memory_space<vmem>>, vector<16xi32>,
      tpu.vector_store %arg24[%swap3A_568], %add3A_567 {strides = array<i32>} : memref<128xi32, #tpu.memory_space<vmem>>, vector<16xi32>,
      %add3A_570 = arith.constant 288 : i32
      %add3A_571 = vector.broadcast %add3A_570 : i32 to vector<16xi32>
      %add3A_572 = arith.addi %add3A_571, %iota3A : vector<16xi32>
      %mul3A_573 = arith.constant 8 : i32
      %mul3A_574 = vector.broadcast %mul3A_573 : i32 to vector<16xi32>
      %mul3A_575 = arith.muli %add3A_572, %mul3A_574 : vector<16xi32>
      %add3A_576 = vector.broadcast %add3A_390 : i32 to vector<16xi32>
      %add3A_577 = arith.addi %add3A_576, %mul3A_575 : vector<16xi32>
      %swap3A_578 = arith.constant 32 : index
      %swap3A_579 = tpu.vector_load %arg24[%swap3A_578] {strides = array<i32>} : memref<128xi32, #tpu.memory_space<vmem>>, vector<16xi32>,
      tpu.vector_store %arg24[%swap3A_578], %add3A_577 {strides = array<i32>} : memref<128xi32, #tpu.memory_space<vmem>>, vector<16xi32>,
      %add3A_580 = arith.constant 304 : i32
      %add3A_581 = vector.broadcast %add3A_580 : i32 to vector<16xi32>
      %add3A_582 = arith.addi %add3A_581, %iota3A : vector<16xi32>
      %mul3A_583 = arith.constant 8 : i32
      %mul3A_584 = vector.broadcast %mul3A_583 : i32 to vector<16xi32>
      %mul3A_585 = arith.muli %add3A_582, %mul3A_584 : vector<16xi32>
      %add3A_586 = vector.broadcast %add3A_390 : i32 to vector<16xi32>
      %add3A_587 = arith.addi %add3A_586, %mul3A_585 : vector<16xi32>
      %swap3A_588 = arith.constant 48 : index
      %swap3A_589 = tpu.vector_load %arg24[%swap3A_588] {strides = array<i32>} : memref<128xi32, #tpu.memory_space<vmem>>, vector<16xi32>,
      tpu.vector_store %arg24[%swap3A_588], %add3A_587 {strides = array<i32>} : memref<128xi32, #tpu.memory_space<vmem>>, vector<16xi32>,
      %add3A_590 = arith.constant 320 : i32
      %add3A_591 = vector.broadcast %add3A_590 : i32 to vector<16xi32>
      %add3A_592 = arith.addi %add3A_591, %iota3A : vector<16xi32>
      %mul3A_593 = arith.constant 8 : i32
      %mul3A_594 = vector.broadcast %mul3A_593 : i32 to vector<16xi32>
      %mul3A_595 = arith.muli %add3A_592, %mul3A_594 : vector<16xi32>
      %add3A_596 = vector.broadcast %add3A_390 : i32 to vector<16xi32>
      %add3A_597 = arith.addi %add3A_596, %mul3A_595 : vector<16xi32>
      %swap3A_598 = arith.constant 64 : index
      %swap3A_599 = tpu.vector_load %arg24[%swap3A_598] {strides = array<i32>} : memref<128xi32, #tpu.memory_space<vmem>>, vector<16xi32>,
      tpu.vector_store %arg24[%swap3A_598], %add3A_597 {strides = array<i32>} : memref<128xi32, #tpu.memory_space<vmem>>, vector<16xi32>,
      %add3A_600 = arith.constant 336 : i32
      %add3A_601 = vector.broadcast %add3A_600 : i32 to vector<16xi32>
      %add3A_602 = arith.addi %add3A_601, %iota3A : vector<16xi32>
      %mul3A_603 = arith.constant 8 : i32
      %mul3A_604 = vector.broadcast %mul3A_603 : i32 to vector<16xi32>
      %mul3A_605 = arith.muli %add3A_602, %mul3A_604 : vector<16xi32>
      %add3A_606 = vector.broadcast %add3A_390 : i32 to vector<16xi32>
      %add3A_607 = arith.addi %add3A_606, %mul3A_605 : vector<16xi32>
      %swap3A_608 = arith.constant 80 : index
      %swap3A_609 = tpu.vector_load %arg24[%swap3A_608] {strides = array<i32>} : memref<128xi32, #tpu.memory_space<vmem>>, vector<16xi32>,
      tpu.vector_store %arg24[%swap3A_608], %add3A_607 {strides = array<i32>} : memref<128xi32, #tpu.memory_space<vmem>>, vector<16xi32>,
      %add3A_610 = arith.constant 352 : i32
      %add3A_611 = vector.broadcast %add3A_610 : i32 to vector<16xi32>
      %add3A_612 = arith.addi %add3A_611, %iota3A : vector<16xi32>
      %mul3A_613 = arith.constant 8 : i32
      %mul3A_614 = vector.broadcast %mul3A_613 : i32 to vector<16xi32>
      %mul3A_615 = arith.muli %add3A_612, %mul3A_614 : vector<16xi32>
      %add3A_616 = vector.broadcast %add3A_390 : i32 to vector<16xi32>
      %add3A_617 = arith.addi %add3A_616, %mul3A_615 : vector<16xi32>
      %swap3A_618 = arith.constant 96 : index
      %swap3A_619 = tpu.vector_load %arg24[%swap3A_618] {strides = array<i32>} : memref<128xi32, #tpu.memory_space<vmem>>, vector<16xi32>,
      tpu.vector_store %arg24[%swap3A_618], %add3A_617 {strides = array<i32>} : memref<128xi32, #tpu.memory_space<vmem>>, vector<16xi32>,
      %add3A_620 = arith.constant 368 : i32
      %add3A_621 = vector.broadcast %add3A_620 : i32 to vector<16xi32>
      %add3A_622 = arith.addi %add3A_621, %iota3A : vector<16xi32>
      %mul3A_623 = arith.constant 8 : i32
      %mul3A_624 = vector.broadcast %mul3A_623 : i32 to vector<16xi32>
      %mul3A_625 = arith.muli %add3A_622, %mul3A_624 : vector<16xi32>
      %add3A_626 = vector.broadcast %add3A_390 : i32 to vector<16xi32>
      %add3A_627 = arith.addi %add3A_626, %mul3A_625 : vector<16xi32>
      %swap3A_628 = arith.constant 112 : index
      %swap3A_629 = tpu.vector_load %arg24[%swap3A_628] {strides = array<i32>} : memref<128xi32, #tpu.memory_space<vmem>>, vector<16xi32>,
      tpu.vector_store %arg24[%swap3A_628], %add3A_627 {strides = array<i32>} : memref<128xi32, #tpu.memory_space<vmem>>, vector<16xi32>,
      %add3A_630 = arith.constant 384 : i32
      %add3A_631 = vector.broadcast %add3A_630 : i32 to vector<16xi32>
      %add3A_632 = arith.addi %add3A_631, %iota3A : vector<16xi32>
      %mul3A_633 = arith.constant 8 : i32
      %mul3A_634 = vector.broadcast %mul3A_633 : i32 to vector<16xi32>
      %mul3A_635 = arith.muli %add3A_632, %mul3A_634 : vector<16xi32>
      %add3A_636 = vector.broadcast %add3A_390 : i32 to vector<16xi32>
      %add3A_637 = arith.addi %add3A_636, %mul3A_635 : vector<16xi32>
      %swap3A_638 = arith.constant 0 : index
      %swap3A_639 = tpu.vector_load %arg25[%swap3A_638] {strides = array<i32>} : memref<128xi32, #tpu.memory_space<vmem>>, vector<16xi32>,
      tpu.vector_store %arg25[%swap3A_638], %add3A_637 {strides = array<i32>} : memref<128xi32, #tpu.memory_space<vmem>>, vector<16xi32>,
      %add3A_640 = arith.constant 400 : i32
      %add3A_641 = vector.broadcast %add3A_640 : i32 to vector<16xi32>
      %add3A_642 = arith.addi %add3A_641, %iota3A : vector<16xi32>
      %mul3A_643 = arith.constant 8 : i32
      %mul3A_644 = vector.broadcast %mul3A_643 : i32 to vector<16xi32>
      %mul3A_645 = arith.muli %add3A_642, %mul3A_644 : vector<16xi32>
      %add3A_646 = vector.broadcast %add3A_390 : i32 to vector<16xi32>
      %add3A_647 = arith.addi %add3A_646, %mul3A_645 : vector<16xi32>
      %swap3A_648 = arith.constant 16 : index
      %swap3A_649 = tpu.vector_load %arg25[%swap3A_648] {strides = array<i32>} : memref<128xi32, #tpu.memory_space<vmem>>, vector<16xi32>,
      tpu.vector_store %arg25[%swap3A_648], %add3A_647 {strides = array<i32>} : memref<128xi32, #tpu.memory_space<vmem>>, vector<16xi32>,
      %add3A_650 = arith.constant 416 : i32
      %add3A_651 = vector.broadcast %add3A_650 : i32 to vector<16xi32>
      %add3A_652 = arith.addi %add3A_651, %iota3A : vector<16xi32>
      %mul3A_653 = arith.constant 8 : i32
      %mul3A_654 = vector.broadcast %mul3A_653 : i32 to vector<16xi32>
      %mul3A_655 = arith.muli %add3A_652, %mul3A_654 : vector<16xi32>
      %add3A_656 = vector.broadcast %add3A_390 : i32 to vector<16xi32>
      %add3A_657 = arith.addi %add3A_656, %mul3A_655 : vector<16xi32>
      %swap3A_658 = arith.constant 32 : index
      %swap3A_659 = tpu.vector_load %arg25[%swap3A_658] {strides = array<i32>} : memref<128xi32, #tpu.memory_space<vmem>>, vector<16xi32>,
      tpu.vector_store %arg25[%swap3A_658], %add3A_657 {strides = array<i32>} : memref<128xi32, #tpu.memory_space<vmem>>, vector<16xi32>,
      %add3A_660 = arith.constant 432 : i32
      %add3A_661 = vector.broadcast %add3A_660 : i32 to vector<16xi32>
      %add3A_662 = arith.addi %add3A_661, %iota3A : vector<16xi32>
      %mul3A_663 = arith.constant 8 : i32
      %mul3A_664 = vector.broadcast %mul3A_663 : i32 to vector<16xi32>
      %mul3A_665 = arith.muli %add3A_662, %mul3A_664 : vector<16xi32>
      %add3A_666 = vector.broadcast %add3A_390 : i32 to vector<16xi32>
      %add3A_667 = arith.addi %add3A_666, %mul3A_665 : vector<16xi32>
      %swap3A_668 = arith.constant 48 : index
      %swap3A_669 = tpu.vector_load %arg25[%swap3A_668] {strides = array<i32>} : memref<128xi32, #tpu.memory_space<vmem>>, vector<16xi32>,
      tpu.vector_store %arg25[%swap3A_668], %add3A_667 {strides = array<i32>} : memref<128xi32, #tpu.memory_space<vmem>>, vector<16xi32>,
      %add3A_670 = arith.constant 448 : i32
      %add3A_671 = vector.broadcast %add3A_670 : i32 to vector<16xi32>
      %add3A_672 = arith.addi %add3A_671, %iota3A : vector<16xi32>
      %mul3A_673 = arith.constant 8 : i32
      %mul3A_674 = vector.broadcast %mul3A_673 : i32 to vector<16xi32>
      %mul3A_675 = arith.muli %add3A_672, %mul3A_674 : vector<16xi32>
      %add3A_676 = vector.broadcast %add3A_390 : i32 to vector<16xi32>
      %add3A_677 = arith.addi %add3A_676, %mul3A_675 : vector<16xi32>
      %swap3A_678 = arith.constant 64 : index
      %swap3A_679 = tpu.vector_load %arg25[%swap3A_678] {strides = array<i32>} : memref<128xi32, #tpu.memory_space<vmem>>, vector<16xi32>,
      tpu.vector_store %arg25[%swap3A_678], %add3A_677 {strides = array<i32>} : memref<128xi32, #tpu.memory_space<vmem>>, vector<16xi32>,
      %add3A_680 = arith.constant 464 : i32
      %add3A_681 = vector.broadcast %add3A_680 : i32 to vector<16xi32>
      %add3A_682 = arith.addi %add3A_681, %iota3A : vector<16xi32>
      %mul3A_683 = arith.constant 8 : i32
      %mul3A_684 = vector.broadcast %mul3A_683 : i32 to vector<16xi32>
      %mul3A_685 = arith.muli %add3A_682, %mul3A_684 : vector<16xi32>
      %add3A_686 = vector.broadcast %add3A_390 : i32 to vector<16xi32>
      %add3A_687 = arith.addi %add3A_686, %mul3A_685 : vector<16xi32>
      %swap3A_688 = arith.constant 80 : index
      %swap3A_689 = tpu.vector_load %arg25[%swap3A_688] {strides = array<i32>} : memref<128xi32, #tpu.memory_space<vmem>>, vector<16xi32>,
      tpu.vector_store %arg25[%swap3A_688], %add3A_687 {strides = array<i32>} : memref<128xi32, #tpu.memory_space<vmem>>, vector<16xi32>,
      %add3A_690 = arith.constant 480 : i32
      %add3A_691 = vector.broadcast %add3A_690 : i32 to vector<16xi32>
      %add3A_692 = arith.addi %add3A_691, %iota3A : vector<16xi32>
      %mul3A_693 = arith.constant 8 : i32
      %mul3A_694 = vector.broadcast %mul3A_693 : i32 to vector<16xi32>
      %mul3A_695 = arith.muli %add3A_692, %mul3A_694 : vector<16xi32>
      %add3A_696 = vector.broadcast %add3A_390 : i32 to vector<16xi32>
      %add3A_697 = arith.addi %add3A_696, %mul3A_695 : vector<16xi32>
      %swap3A_698 = arith.constant 96 : index
      %swap3A_699 = tpu.vector_load %arg25[%swap3A_698] {strides = array<i32>} : memref<128xi32, #tpu.memory_space<vmem>>, vector<16xi32>,
      tpu.vector_store %arg25[%swap3A_698], %add3A_697 {strides = array<i32>} : memref<128xi32, #tpu.memory_space<vmem>>, vector<16xi32>,
      %add3A_700 = arith.constant 496 : i32
      %add3A_701 = vector.broadcast %add3A_700 : i32 to vector<16xi32>
      %add3A_702 = arith.addi %add3A_701, %iota3A : vector<16xi32>
      %mul3A_703 = arith.constant 8 : i32
      %mul3A_704 = vector.broadcast %mul3A_703 : i32 to vector<16xi32>
      %mul3A_705 = arith.muli %add3A_702, %mul3A_704 : vector<16xi32>
      %add3A_706 = vector.broadcast %add3A_390 : i32 to vector<16xi32>
      %add3A_707 = arith.addi %add3A_706, %mul3A_705 : vector<16xi32>
      %swap3A_708 = arith.constant 112 : index
      %swap3A_709 = tpu.vector_load %arg25[%swap3A_708] {strides = array<i32>} : memref<128xi32, #tpu.memory_space<vmem>>, vector<16xi32>,
      tpu.vector_store %arg25[%swap3A_708], %add3A_707 {strides = array<i32>} : memref<128xi32, #tpu.memory_space<vmem>>, vector<16xi32>,
      %dma_start3A_710 = arith.constant 0 : i32
      %dma_start3A_711 = arith.constant 0 : i32
      %dma_start3A_712 = tpu.memref_slice %arg10[%dma_start3A_710, %dma_start3A_711] : memref<512x128xf32, #tpu.memory_space<vmem>> -> memref<128x128xf32, #tpu.memory_space<vmem>>
      %dma_start3A_713 = arith.constant 0 : i32
      %dma_start3A_714 = arith.constant 0 : i32
      %dma_start3A_715 = tpu.memref_slice %arg9[%dma_start3A_713, %dma_start3A_714] : memref<262144x128xf32, #tpu.memory_space<hbm>> -> memref<262144x128xf32, #tpu.memory_space<hbm>>
      tpu.enqueue_indirect_dma source(%dma_start3A_712 : memref<128x128xf32, #tpu.memory_space<vmem>>) target(%dma_start3A_715 : memref<262144x128xf32, #tpu.memory_space<hbm>>) offsets(%arg22 : memref<128xi32, #tpu.memory_space<vmem>>) semaphore(%arg29 : memref<!tpu.dma_semaphore, #tpu.memory_space<semaphore_mem>>)
      %dma_start3A_716 = arith.constant 128 : i32
      %dma_start3A_717 = arith.constant 0 : i32
      %dma_start3A_718 = tpu.memref_slice %arg10[%dma_start3A_716, %dma_start3A_717] : memref<512x128xf32, #tpu.memory_space<vmem>> -> memref<128x128xf32, #tpu.memory_space<vmem>>
      %dma_start3A_719 = arith.constant 0 : i32
      %dma_start3A_720 = arith.constant 0 : i32
      %dma_start3A_721 = tpu.memref_slice %arg9[%dma_start3A_719, %dma_start3A_720] : memref<262144x128xf32, #tpu.memory_space<hbm>> -> memref<262144x128xf32, #tpu.memory_space<hbm>>
      tpu.enqueue_indirect_dma source(%dma_start3A_718 : memref<128x128xf32, #tpu.memory_space<vmem>>) target(%dma_start3A_721 : memref<262144x128xf32, #tpu.memory_space<hbm>>) offsets(%arg23 : memref<128xi32, #tpu.memory_space<vmem>>) semaphore(%arg29 : memref<!tpu.dma_semaphore, #tpu.memory_space<semaphore_mem>>)
      %dma_start3A_722 = arith.constant 256 : i32
      %dma_start3A_723 = arith.constant 0 : i32
      %dma_start3A_724 = tpu.memref_slice %arg10[%dma_start3A_722, %dma_start3A_723] : memref<512x128xf32, #tpu.memory_space<vmem>> -> memref<128x128xf32, #tpu.memory_space<vmem>>
      %dma_start3A_725 = arith.constant 0 : i32
      %dma_start3A_726 = arith.constant 0 : i32
      %dma_start3A_727 = tpu.memref_slice %arg9[%dma_start3A_725, %dma_start3A_726] : memref<262144x128xf32, #tpu.memory_space<hbm>> -> memref<262144x128xf32, #tpu.memory_space<hbm>>
      tpu.enqueue_indirect_dma source(%dma_start3A_724 : memref<128x128xf32, #tpu.memory_space<vmem>>) target(%dma_start3A_727 : memref<262144x128xf32, #tpu.memory_space<hbm>>) offsets(%arg24 : memref<128xi32, #tpu.memory_space<vmem>>) semaphore(%arg29 : memref<!tpu.dma_semaphore, #tpu.memory_space<semaphore_mem>>)
      %dma_start3A_728 = arith.constant 384 : i32
      %dma_start3A_729 = arith.constant 0 : i32
      %dma_start3A_730 = tpu.memref_slice %arg10[%dma_start3A_728, %dma_start3A_729] : memref<512x128xf32, #tpu.memory_space<vmem>> -> memref<128x128xf32, #tpu.memory_space<vmem>>
      %dma_start3A_731 = arith.constant 0 : i32
      %dma_start3A_732 = arith.constant 0 : i32
      %dma_start3A_733 = tpu.memref_slice %arg9[%dma_start3A_731, %dma_start3A_732] : memref<262144x128xf32, #tpu.memory_space<hbm>> -> memref<262144x128xf32, #tpu.memory_space<hbm>>
      tpu.enqueue_indirect_dma source(%dma_start3A_730 : memref<128x128xf32, #tpu.memory_space<vmem>>) target(%dma_start3A_733 : memref<262144x128xf32, #tpu.memory_space<hbm>>) offsets(%arg25 : memref<128xi32, #tpu.memory_space<vmem>>) semaphore(%arg29 : memref<!tpu.dma_semaphore, #tpu.memory_space<semaphore_mem>>)
    }
    %scan3A_96 = arith.constant 16 : i32
    %dma_wait3A = arith.constant 0 : i32
    %dma_wait3A_97 = arith.constant 0 : i32
    %dma_wait3A_98 = tpu.memref_slice %arg10[%dma_wait3A, %dma_wait3A_97] : memref<512x128xf32, #tpu.memory_space<vmem>> -> memref<128x128xf32, #tpu.memory_space<vmem>>
    %dma_wait3A_99 = arith.constant 0 : i32
    %dma_wait3A_100 = arith.constant 0 : i32
    %dma_wait3A_101 = tpu.memref_slice %arg9[%dma_wait3A_99, %dma_wait3A_100] : memref<262144x128xf32, #tpu.memory_space<hbm>> -> memref<262144x128xf32, #tpu.memory_space<hbm>>
    tpu.wait_indirect_dma semaphore(%arg29 : memref<!tpu.dma_semaphore, #tpu.memory_space<semaphore_mem>>) src(%dma_wait3A_98 : memref<128x128xf32, #tpu.memory_space<vmem>>) dst(%dma_wait3A_101 : memref<262144x128xf32, #tpu.memory_space<hbm>>)
    %dma_wait3A_102 = arith.constant 128 : i32
    %dma_wait3A_103 = arith.constant 0 : i32
    %dma_wait3A_104 = tpu.memref_slice %arg10[%dma_wait3A_102, %dma_wait3A_103] : memref<512x128xf32, #tpu.memory_space<vmem>> -> memref<128x128xf32, #tpu.memory_space<vmem>>
    %dma_wait3A_105 = arith.constant 0 : i32
    %dma_wait3A_106 = arith.constant 0 : i32
    %dma_wait3A_107 = tpu.memref_slice %arg9[%dma_wait3A_105, %dma_wait3A_106] : memref<262144x128xf32, #tpu.memory_space<hbm>> -> memref<262144x128xf32, #tpu.memory_space<hbm>>
    tpu.wait_indirect_dma semaphore(%arg29 : memref<!tpu.dma_semaphore, #tpu.memory_space<semaphore_mem>>) src(%dma_wait3A_104 : memref<128x128xf32, #tpu.memory_space<vmem>>) dst(%dma_wait3A_107 : memref<262144x128xf32, #tpu.memory_space<hbm>>)
    %dma_wait3A_108 = arith.constant 256 : i32
    %dma_wait3A_109 = arith.constant 0 : i32
    %dma_wait3A_110 = tpu.memref_slice %arg10[%dma_wait3A_108, %dma_wait3A_109] : memref<512x128xf32, #tpu.memory_space<vmem>> -> memref<128x128xf32, #tpu.memory_space<vmem>>
    %dma_wait3A_111 = arith.constant 0 : i32
    %dma_wait3A_112 = arith.constant 0 : i32
    %dma_wait3A_113 = tpu.memref_slice %arg9[%dma_wait3A_111, %dma_wait3A_112] : memref<262144x128xf32, #tpu.memory_space<hbm>> -> memref<262144x128xf32, #tpu.memory_space<hbm>>
    tpu.wait_indirect_dma semaphore(%arg29 : memref<!tpu.dma_semaphore, #tpu.memory_space<semaphore_mem>>) src(%dma_wait3A_110 : memref<128x128xf32, #tpu.memory_space<vmem>>) dst(%dma_wait3A_113 : memref<262144x128xf32, #tpu.memory_space<hbm>>)
    %dma_wait3A_114 = arith.constant 384 : i32
    %dma_wait3A_115 = arith.constant 0 : i32
    %dma_wait3A_116 = tpu.memref_slice %arg10[%dma_wait3A_114, %dma_wait3A_115] : memref<512x128xf32, #tpu.memory_space<vmem>> -> memref<128x128xf32, #tpu.memory_space<vmem>>
    %dma_wait3A_117 = arith.constant 0 : i32
    %dma_wait3A_118 = arith.constant 0 : i32
    %dma_wait3A_119 = tpu.memref_slice %arg9[%dma_wait3A_117, %dma_wait3A_118] : memref<262144x128xf32, #tpu.memory_space<hbm>> -> memref<262144x128xf32, #tpu.memory_space<hbm>>
    tpu.wait_indirect_dma semaphore(%arg29 : memref<!tpu.dma_semaphore, #tpu.memory_space<semaphore_mem>>) src(%dma_wait3A_116 : memref<128x128xf32, #tpu.memory_space<vmem>>) dst(%dma_wait3A_119 : memref<262144x128xf32, #tpu.memory_space<hbm>>)
    return
  }
}

</mosaic_0001>

<sc_bundles>
// kernel: kernel.3.cloned.1.call-start
scs
__scs_entry_jumppad:
0x0: {  	(pc) =	sbr.rel $0x88, $3  }
0x1: {  	(tag) =	ssettag $0x0;
	lr =	simm.s32 $0x1  }
0x2: {  	[smem:$0x3F9A] =	sst lr;
	_ =	strace $0xD0000000  }
0x3: {  	_ = 	snop  }
0x4: {  	_ = 	snop  }
0x5: {  	_ = 	snop  }
0x6: {  	_ = 	snop  }
0x7: {  	_ = 	snop  }
__scs_overlays_trampoline_lowered:
0x8: {  	[smem:$0x3FA9] =	sst s0  }
0x9: {  	[smem:$0x3FAA] =	sst s1  }
0xa: {  	[smem:$0x3FAB] =	sst s2  }
0xb: {  	[smem:$0x3FAC] =	sst s3  }
0xc: {  	[smem:$0x3FAD] =	sst s4  }
0xd: {  	[smem:$0x3FAE] =	sst s5  }
0xe: {  	[smem:$0x3FAF] =	sst s6  }
0xf: {  	[smem:$0x3FB0] =	sst s7  }
0x10: {  	[smem:$0x3FB1] =	sst s8  }
0x11: {  	[smem:$0x3FB2] =	sst s9;
	s0 =	simm.s32 @!p0 $0x0  }
0x12: {  	s1 =	sld [smem:$0x3F98];
	s0 =	simm.s32 @p0 $0x1  }
0x13: {  	[smem:$0x3FB3] =	sst s0;
	s0 =	simm.s32 @!p1 $0x0  }
0x14: {  	s2 =	sld [smem:$0x3F97];
	s0 =	simm.s32 @p1 $0x1  }
0x15: {  	[smem:$0x3FB4] =	sst s0;
	s0 =	simm.s32 @!p2 $0x0  }
0x16: {  	s3 =	sld [smem:$0x3FDB];
	s0 =	simm.s32 @p2 $0x1  }
0x17: {  	s4 =	simm.s32 $0x1BF5;
	[smem:$0x3FB6] =	sst s0  }
0x18: {  	s0 =	sld [smem:$0x3F99];
	_ =	swait.ge [sflag:s4], $0x0  }
0x19: {  	s7 =	sld [smem:$0x3F9A]  }
0x1a: {  	s8 =	sadd.s32 $0xFFFFE003, lr  }
0x1b: {  	s9 =	sadd.s32 $0xFFFFFEF7, lr;
	s5 =	simm.s32 $0xFFFFFFFF;
	p2 =	slt.u32 s8, $0xFFFFF086  }
0x1c: {  	p1 =	slt.u32 s9, $0xF7A;
	s5 =	simm.s32 @!p2 $0x0  }
0x1d: {  	s5 =	simm.s32 @p1 $0x1;
	p0 =	seq.s32 s7, s2  }
0x1e: {  	s7 =	smul.u32 @!p0 $0xF7A, s2;
	p2 =	seq.s32 @!p0 s5, $0x0  }
0x1f: {  	s9 =	smul.u32 $0xF7A, s1;
	s8 =	simm.s32 @!p0 $0x1BF5;
	p2 =	por !p2, p0  }
0x20: {  	[sflag:s8] =	ssyncset.s32 @!p0 $0xFFFFF086;
	s6 =	sadd.s32 @!p0 s3, s7;
	s7 =	simm.s32 @!p0 $0x108  }
0x21: {  	s3 =	sadd.s32 s3, s9;
	s6 =	sadd.s32 @!p0 $0x88, s6;
	s7 =	simm.s32 @p2 $0x1082  }
0x22: {  	[simem:s7], [sflag:s8] =	dma.local @!p0 [hbm:s6], $0xF7A  }
0x23: {  	s9 =	sor.u32 $0xD0000000, s2;
	s6 =	simm.s32 $0x108;
	_ =	swait.ge @!p0 [sflag:s8], $0x0  }
0x24: {  	s3 =	sadd.s32 $0x88, s3;
	s6 =	simm.s32 @!p1 $0x1082;
	[sflag:s4] =	ssyncset.s32 $0xFFFFF086  }
0x25: {  	[simem:s6], [sflag:s4] =	dma.local [hbm:s3], $0xF7A  }
0x26: {  	[smem:$0x3F9A] =	sst s1;
	(tag) =	ssettag s2;
	_ =	strace s9  }
0x27: {  	s1 =	sld [smem:$0x3FAA]  }
0x28: {  	s2 =	sld [smem:$0x3FAB]  }
0x29: {  	s4 =	sld [smem:$0x3FAD]  }
0x2a: {  	p0 =	seq.s32 s5, $0x0;
	s5 =	sld [smem:$0x3FAE]  }
0x2b: {  	s6 =	sld [smem:$0x3FAF]  }
0x2c: {  	s7 =	sld [smem:$0x3FB0]  }
0x2d: {  	s3 =	simm.s32 $0x108;
	s8 =	sld [smem:$0x3FB1]  }
0x2e: {  	s3 =	simm.s32 @!p0 $0x1082;
	s9 =	sld [smem:$0x3FB2]  }
0x2f: {  	lr =	sadd.s32 s0, s3;
	s0 =	sld [smem:$0x3FA9]  }
0x30: {  	s3 =	sld [smem:$0x3FAC]  }
0x31: {  	[smem:$0x3FB5] =	sst s10  }
0x32: {  	s10 =	sld [smem:$0x3FB3];
	_ =	sdelay $0x3  }
0x33: {  	p0 =	seq.s32 s10, $0x1;
	s10 =	sld [smem:$0x3FB5];
	_ =	sdelay $0x3  }
0x34: {  	[smem:$0x3FB5] =	sst s10  }
0x35: {  	s10 =	sld [smem:$0x3FB4];
	_ =	sdelay $0x3  }
0x36: {  	p1 =	seq.s32 s10, $0x1;
	s10 =	sld [smem:$0x3FB5];
	_ =	sdelay $0x3  }
0x37: {  	[smem:$0x3FB5] =	sst s10  }
0x38: {  	s10 =	sld [smem:$0x3FB6]  }
0x39: {  	_ = 	snop;
	(pc) =	sbr.ind lr, $3  }
0x3a: {  	_ = 	snop  }
0x3b: {  	_ = 	snop  }
0x3c: {  	p2 =	seq.s32 s10, $0x1;
	s10 =	sld [smem:$0x3FB5]  }
0x3d: {  	_ =	shalt  }
0x3e: {  	_ =	shalt  }
0x3f: {  	_ =	shalt  }
0x40: {  	_ =	shalt  }
0x41: {  	_ =	shalt  }
0x42: {  	_ =	shalt  }
0x43: {  	_ =	shalt  }
0x44: {  	_ =	shalt  }
0x45: {  	_ =	shalt  }
0x46: {  	_ =	shalt  }
0x47: {  	_ =	shalt  }
0x48: {  	_ =	shalt  }
0x49: {  	_ =	shalt  }
0x4a: {  	_ =	shalt  }
0x4b: {  	_ =	shalt  }
0x4c: {  	_ =	shalt  }
0x4d: {  	_ =	shalt  }
0x4e: {  	_ =	shalt  }
0x4f: {  	_ =	shalt  }
0x50: {  	_ =	shalt  }
0x51: {  	_ =	shalt  }
0x52: {  	_ =	shalt  }
0x53: {  	_ =	shalt  }
0x54: {  	_ =	shalt  }
0x55: {  	_ =	shalt  }
0x56: {  	_ =	shalt  }
0x57: {  	_ =	shalt  }
0x58: {  	_ =	shalt  }
0x59: {  	_ =	shalt  }
0x5a: {  	_ =	shalt  }
0x5b: {  	_ =	shalt  }
0x5c: {  	_ =	shalt  }
0x5d: {  	_ =	shalt  }
0x5e: {  	_ =	shalt  }
0x5f: {  	_ =	shalt  }
0x60: {  	_ =	shalt  }
0x61: {  	_ =	shalt  }
0x62: {  	_ =	shalt  }
0x63: {  	_ =	shalt  }
0x64: {  	_ =	shalt  }
0x65: {  	_ =	shalt  }
0x66: {  	_ =	shalt  }
0x67: {  	_ =	shalt  }
0x68: {  	_ =	shalt  }
0x69: {  	_ =	shalt  }
0x6a: {  	_ =	shalt  }
0x6b: {  	_ =	shalt  }
0x6c: {  	_ =	shalt  }
0x6d: {  	_ =	shalt  }
0x6e: {  	_ =	shalt  }
0x6f: {  	_ =	shalt  }
0x70: {  	_ =	shalt  }
0x71: {  	_ =	shalt  }
0x72: {  	_ =	shalt  }
0x73: {  	_ =	shalt  }
0x74: {  	_ =	shalt  }
0x75: {  	_ =	shalt  }
0x76: {  	_ =	shalt  }
0x77: {  	_ =	shalt  }
0x78: {  	_ =	shalt  }
0x79: {  	_ =	shalt  }
0x7a: {  	_ =	shalt  }
0x7b: {  	_ =	shalt  }
0x7c: {  	_ =	shalt  }
0x7d: {  	_ =	shalt  }
0x7e: {  	_ =	shalt  }
0x7f: {  	_ =	shalt  }
0x80: {  	_ =	shalt  }
0x81: {  	_ =	shalt  }
0x82: {  	_ =	shalt  }
0x83: {  	_ =	shalt  }
0x84: {  	_ =	shalt  }
0x85: {  	_ =	shalt  }
0x86: {  	_ =	shalt  }
0x87: {  	_ =	shalt  }
.Lfunc_end0:
.L_simem_size_0:
called_computation_lowered:
.L_overlay_start_0:
0x88: {  	s2 =	sld [smem:$0x3FD9]  }
0x89: {  	s3 =	sld [smem:$0x3FFE];
	_ =	sdelay $0x1  }
0x8a: {  	s1 =	srdreg.scid  }
0x8b: {  	s0 =	sand.u32 $0x1, s1  }
0x8c: {  	s17 =	sshll.u32 s0, $0xA;
	s2 =	sadd.s32 s3, s2  }
0x8d: {  	s2 =	sadd.s32 s2, s17  }
0x8e: {  	[smem:$0x3FC1] =	sst s2  }
0x8f: {  	_ = 	snop  }
0x90: {  	s2 =	sld [smem:$0x3FD0];
	(tm) =	ssettm $0x1  }
0x91: {  	s18 =	sld [smem:$0x3FFB];
	_ =	sdelay $0x3  }
0x92: {  	_ =	strace s18  }
0x93: {  	s3 =	sld [smem:$0x3FFC];
	_ =	sdelay $0x3  }
0x94: {  	_ =	strace s3  }
0x95: {  	s3 =	sld [smem:$0x3FFD];
	_ =	sdelay $0x3  }
0x96: {  	_ =	strace s3  }
0x97: {  	_ =	strace $0x8FFFFFFF  }
0x98: {  	s19 =	sld [smem:$0x3FDB];
	_ =	sdelay $0x1  }
0x99: {  	s4 =	simm.s32 $_scs_section_size  }
0x9a: {  	s5 =	simm.s32 $_size__tile_overlayer_lowered;
	s6 =	simm.s32 $_tile_overlayer_lowered  }
0x9b: {  	s22 =	simm.s32 $0x1BFF;
	s21 =	sshll.u32 s6, $0x1;
	s3 =	sadd.s32 s4, s19  }
0x9c: {  	s7 =	simm.s32 $0x0;
	s20 =	sshll.u32 s5, $0x1;
	s5 =	sadd.s32 s21, s3  }
0x9d: {  	[timem:s7], [sflag:s22] =	dma.local [hbm:s5], s20  }
0x9e: {  	_ =	swait.ge [sflag:s22], s20  }
0x9f: {  	s4 =	ssub.s32 $0x0, s20;
	[sflag:s22] =	ssyncset.done $0x0  }
0xa0: {  	[sflag:s22] =	ssyncadd.s32 s4;
	_ =	sdelay $0x1  }
0xa1: {  	s23 =	simm.s32 $0x1B8B  }
0xa2: {  	_ =	swait.ge [sflag:s23], $0x1  }
0xa3: {  	[sflag:s23] =	ssyncset.done $0x0  }
0xa4: {  	s25 =	simm.s32 $0x1B8E;
	s24 =	sld [smem:$0x3FFE];
	[sflag:s23] =	ssyncadd.s32 $0xFFFFFFFF  }
0xa5: {  	s26 =	simm.s32 $execute0_lowered;
	[smem:$0x3FD2] =	sst s25  }
0xa6: {  	s5 =	sshll.u32 s26, $0x1;
	_ =	strace $0x80000046;
	[dreg:$0x1] =	wrdreg $0xFFFFFFFF  }
0xa7: {  	s28 =	simm.s32 $_size_execute0_lowered;
	s3 =	sadd.s32 s3, s5;
	[dreg:$0x0] =	wrdreg $0x0  }
0xa8: {  	s5 =	sshll.u32 s28, $0x1;
	[dreg:$0x2] =	wrdreg s3  }
0xa9: {  	[dreg:$0x3] =	wrdreg s5  }
0xaa: {  	[dreg:$0x4] =	wrdreg $0xC0  }
0xab: {  	_ =	task [dreg:s7], $0x5FFFF  }
0xac: {  	[dreg:$0x1] =	wrdreg $0xFFFFFFFF  }
0xad: {  	[dreg:$0x0] =	wrdreg $0x60  }
0xae: {  	[dreg:$0x2] =	wrdreg s24  }
0xaf: {  	[dreg:$0x3] =	wrdreg s2  }
0xb0: {  	[dreg:$0x4] =	wrdreg $0x9  }
0xb1: {  	_ =	task.clear_ibuf [dreg:s7], $0x5FFFF;
	_ =	strace $0x90000046  }
0xb2: {  	s29 =	simm.s32 $0x9;
	_ =	strace $0x80000048  }
0xb3: {  	_ =	swait.ge [sflag:s29], $0x1  }
0xb4: {  	[sflag:s29] =	ssyncadd.s32 $0xFFFFFFFF  }
0xb5: {  	_ =	strace $0x90000048  }
0xb6: {  	_ =	sfence  }
0xb7: {  	s30 =	sld [smem:$0x0];
	_ =	sdelay $0x2  }
0xb8: {  	s31 =	sshll.u32 s1, $0xD;
	s1 =	sshrl.u32 s1, $0x2  }
0xb9: {  	s3 =	sand.u32 $0x4000, s31;
	s1 =	sadd.s32 s1, s30  }
0xba: {  	s0 =	sor.u32 s3, s0;
	s1 =	sshll.u32 s1, $0x11  }
0xbb: {  	s0 =	sor.u32 s1, s0  }
0xbc: {  	s0 =	sadd.s32 $0x8F2B, s0  }
0xbd: {  	[sflag:s0] =	ssyncadd.remote.s32 $0x1  }
0xbe: {  	_ =	sfence.sel $0xFFFF  }
0xbf: {  	[dreg:$0x0] =	wrdreg $0xFFFFFFFF;
	(pc) =	sbr.abs _section_cstart, $3  }
0xc0: {  	[dreg:$0x1] =	wrdreg $0xFFFFFFFF  }
0xc1: {  	_ =	task.clear_ibuf [dreg:s7], $0x2FFFF;
	_ =	strace $0x9FFFFFFF  }
0xc2: {  	(tm) =	ssettm $0x7FFFFFFF  }
0xc3: {  	_ =	shalt  }
tec
execute0_lowered:
.L_overlay_start_1:
0x0: {  	(tag) =	ssettag $0x1  }
0x1: {  	s0 =	srdreg.scid  }
0x2: {  	s1 =	sand.u32 $0x1, s0  }
0x3: {  	s2 =	stileid.u32;
	s6 =	rddreg [dreg:$0x0];
	s0 =	sshll.u32 s1, $0x4  }
0x4: {  	s4 =	simm.s32 $0x1;
	s5 =	sand.u32 $0x7, s2;
	s0 =	sor.u32 s2, s0  }
0x5: {  	s3 =	simm.s32 $0x0;
	p1 =	sne.s32 s5, $0x0;
	p0 =	seq.s32 s0, $0x0  }
0x6: {  	s28 =	simm.s32 $0x1;
	s30 =	simm.s32 $0x10000;
	p0 =	por !p1, !p0  }
0x7: {  	[smem:$0x7FF] =	sst s3;
	s9 =	sadd.s32 $0x5400, s6;
	p0 =	por !p0, !p0  }
0x8: {  	s1 =	ssub.s32 $0x2, s1;
	s0 =	sshrl.u32 s0, $0x3;
	s4 =	simm.s32 @!p0 $0x0  }
0x9: {  	s21 =	sshll.u32 s5, $0x4;
	s2 =	rddreg [dreg:$0x1];
	s0 =	ssub.s32 s0, s4  }
0xa: {  	_ =	strace $0x80000047;
	s8 =	sshrl.u32 s1, $0x1;
	s7 =	smul.u32 $0x1F40, s0  }
0xb: {  	[dreg:$0x3] =	wrdreg s21;
	s5 =	smul.u32 $0x9C40, s0;
	s11 =	sshll.u32 s0, $0x7  }
0xc: {  	s1 =	ssub.s32 s1, s8;
	s4 =	sadd.s32 $0xA400, s6;
	s29 =	sor.u32 $0x1, s11  }
0xd: {  	s7 =	sshrl.u32 s7, $0x3;
	s26 =	sshrl.u32 s5, $0x3;
	s15 =	sadd.s32 $0xFA0, s5  }
0xe: {  	s16 =	sadd.s32 $0x1F40, s5;
	s10 =	sadd.s32 $0x2EE0, s5;
	s18 =	sadd.s32 $0x3E80, s5  }
0xf: {  	s19 =	sadd.s32 $0x4E20, s5;
	s20 =	sadd.s32 $0x5DC0, s5;
	s6 =	sadd.s32 s7, s6  }
0x10: {  	s7 =	sor.u32 s21, s11;
	s12 =	sadd.s32 s9, s26;
	s8 =	sshrl.u32 s16, $0x3  }
0x11: {  	s10 =	sshrl.u32 s10, $0x3;
	s21 =	sadd.s32 $0x6D60, s5;
	s16 =	smov.u32 s11  }
0x12: {  	s11 =	simm.s32 $0x3;
	s22 =	sadd.s32 $0x400, s6;
	s23 =	sadd.s32 $0x1400, s6  }
0x13: {  	s24 =	sadd.s32 $0x2400, s6;
	s25 =	sadd.s32 $0x3400, s6;
	[dreg:$0x4] =	wrdreg s22  }
0x14: {  	s6 =	sadd.s32 $0x4400, s6;
	s31 =	smul.u32 $0x9C40, s7;
	[dreg:$0x5] =	wrdreg s23  }
0x15: {  	s7 =	sshrl.u32 s15, $0x3;
	s14 =	sadd.s32 s9, s8;
	[dreg:$0x6] =	wrdreg s24  }
0x16: {  	v0 =	vlaneseq.u32;
	v1 =	vimm.f32 $0.0e+00;
	s17 =	sadd.s32 s9, s10;
	s8 =	sshrl.u32 s19, $0x3;
	[dreg:$0x7] =	wrdreg s25  }
0x17: {  	v2 =	vor.u32 $0x10, v0;
	v3 =	vor.u32 $0x20, v0;
	v4 =	vmul.u32 $0x8, v0;
	s10 =	sshrl.u32 s20, $0x3;
	s15 =	simm.s32 $0x0;
	[dreg:$0x8] =	wrdreg s6  }
0x18: {  	v5 =	vor.u32 $0x30, v0;
	v6 =	vor.u32 $0x40, v0;
	v7 =	vor.u32 $0x50, v0;
	s13 =	sadd.s32 s9, s7;
	[dreg:$0x9] =	wrdreg s17;
	s7 =	sshrl.u32 s18, $0x3  }
0x19: {  	v8 =	vor.u32 $0x60, v0;
	v9 =	vor.u32 $0x70, v0;
	v10 =	vor.u32 $0x80, v4;
	s17 =	sadd.s32 s9, s8;
	s18 =	sadd.s32 s9, s10;
	s22 =	sadd.s32 $0x7D00, s5  }
0x1a: {  	v11 =	vor.u32 $0x100, v4;
	v12 =	vor.u32 $0x180, v4;
	v13 =	vor.u32 $0x200, v4;
	s5 =	sadd.s32 $0x8CA0, s5;
	s10 =	simm.s32 $0x2;
	s7 =	sadd.s32 s9, s7  }
0x1b: {  	v14 =	vor.u32 $0x280, v4;
	v15 =	vor.u32 $0x300, v4;
	v16 =	vor.u32 $0x380, v4;
	s8 =	sshrl.u32 s22, $0x3;
	s5 =	sshrl.u32 s5, $0x3;
	s23 =	sshrl.u32 s31, $0x3  }
0x1c: {  	v17 =	vor.u32 $0x400, v4;
	v18 =	vor.u32 $0x480, v4;
	v19 =	vor.u32 $0x500, v4;
	s24 =	sadd.s32 $0xFA0, s31;
	s6 =	sadd.s32 $0x1F40, s31;
	s31 =	smax.u32 s1, $0x1  }
0x1d: {  	v20 =	vor.u32 $0x580, v4;
	v21 =	vor.u32 $0x600, v4;
	v22 =	vor.u32 $0x680, v4;
	s1 =	simm.s32 $0x14000;
	s22 =	simm.s32 $0x80;
	[dreg:$0xa] =	wrdreg s7  }
0x1e: {  	v23 =	vor.u32 $0x700, v4;
	v24 =	vor.u32 $0x780, v4;
	v25 =	vor.u32 $0x800, v4;
	s7 =	sshrl.u32 s21, $0x3;
	s20 =	sadd.s32 s9, s8;
	s21 =	sadd.s32 s9, s5  }
0x1f: {  	v26 =	vor.u32 $0x880, v4;
	v27 =	vor.u32 $0x900, v4;
	v28 =	vor.u32 $0x980, v4;
	s5 =	sadd.s32 s4, s23;
	s25 =	sshrl.u32 s24, $0x3;
	s6 =	sshrl.u32 s6, $0x3  }
0x20: {  	v29 =	vor.u32 $0xA00, v4;
	v30 =	vor.u32 $0xA80, v4;
	v31 =	vor.u32 $0xB00, v4;
	[dreg:$0xe] =	wrdreg s31;
	s8 =	simm.s32 $0x12000;
	s19 =	sadd.s32 s9, s7  }
0x21: {  	v32 =	vor.u32 $0xB80, v4;
	v33 =	vor.u32 $0xC00, v4;
	v34 =	vor.u32 $0xC80, v4;
	[dreg:$0xb] =	wrdreg s5;
	s5 =	sadd.s32 s4, s25;
	s26 =	sadd.s32 s4, s6  }
0x22: {  	v35 =	vor.u32 $0xD00, v4;
	v36 =	vor.u32 $0xD80, v4;
	v37 =	vor.u32 $0xE00, v4;
	s25 =	sshll.u32 s0, $0x10;
	s0 =	simm.s32 $0x13000;
	[dreg:$0xc] =	wrdreg s5  }
0x23: {  	v38 =	vor.u32 $0xE80, v4;
	v39 =	vor.u32 $0xF00, v4;
	v40 =	vor.u32 $0xF80, v4;
	s6 =	simm.s32 $0x11000;
	s7 =	simm.s32 $0x15000;
	[dreg:$0xd] =	wrdreg s26  }
.LBB2_1:
0x24: {  	v41 =	vmov s3  }
0x25: {  	v41 =	vshrl.u32 v41, $0x7  }
0x26: {  	v41 =	vshll.u32 v41, $0x7  }
0x27: {  	v42 =	vbroadcast v41, $0x0;
	_ =	sdelay $0x1  }
0x28: {  	v41 =	vor.u32 v0, v42  }
0x29: {  	v43 =	vor.u32 v2, v42  }
0x2a: {  	s5 =	simm.s32 $0x80;
	v44 =	vor.u32 v3, v42  }
0x2b: {  	v45 =	vmov s5;
	v46 =	vor.u32 v5, v42  }
0x2c: {  	v45 =	vshrl.u32 v45, $0x7;
	v47 =	vor.u32 v6, v42  }
0x2d: {  	v63 =	vshll.u32 v45, $0x7;
	v48 =	vor.u32 v7, v42;
	[tilespmem:v41+s3+$0x0] =	vst.idx.msk $0xffff, v1  }
0x2e: {  	v45 =	vor.u32 v8, v42;
	v41 =	vbroadcast v63, $0x0;
	[tilespmem:v43+s3+$0x0] =	vst.idx.msk $0xffff, v1  }
0x2f: {  	v43 =	vor.u32 v9, v42;
	[tilespmem:v44+s3+$0x0] =	vst.idx.msk $0xffff, v1  }
0x30: {  	v44 =	vor.u32 v0, v41;
	[tilespmem:v46+s3+$0x0] =	vst.idx.msk $0xffff, v1  }
0x31: {  	[tilespmem:v47+s3+$0x0] =	vst.idx.msk $0xffff, v1;
	v47 =	vor.u32 v2, v41  }
0x32: {  	[dreg:$0xf] =	wrdreg s15;
	s5 =	simm.s32 $0x100;
	v42 =	vor.u32 v5, v41;
	v46 =	vor.u32 v3, v41;
	[tilespmem:v48+s3+$0x0] =	vst.idx.msk $0xffff, v1  }
.LBB2_2:
0x33: {  	v48 =	vmov s5;
	p0 =	sne.s32 s5, $0xFF80;
	s5 =	sadd.s32 $0x80, s5;
	[tilespmem:v45+s3+$0x0] =	vst.idx.msk $0xffff, v1  }
0x34: {  	v45 =	vshrl.u32 v48, $0x7;
	v48 =	vor.u32 v6, v41;
	[tilespmem:v43+s3+$0x0] =	vst.idx.msk $0xffff, v1  }
0x35: {  	v49 =	vor.u32 v7, v41;
	v43 =	vshll.u32 v45, $0x7;
	[tilespmem:v44+s3+$0x0] =	vst.idx.msk $0xffff, v1  }
.Ltmp0:
0x36: {  	v45 =	vor.u32 v8, v41;
	v50 =	vbroadcast v43, $0x0;
	[tilespmem:v47+s3+$0x0] =	vst.idx.msk $0xffff, v1;
	(pc) =	sbr.rel @p0 .LBB2_2-.Ltmp0, $4  }
0x37: {  	v43 =	vor.u32 v9, v41;
	[tilespmem:v46+s3+$0x0] =	vst.idx.msk $0xffff, v1  }
0x38: {  	v44 =	vor.u32 v0, v50;
	[tilespmem:v42+s3+$0x0] =	vst.idx.msk $0xffff, v1;
	v42 =	vor.u32 v5, v50;
	v41 =	vmov v50  }
0x39: {  	v47 =	vor.u32 v2, v41;
	[tilespmem:v48+s3+$0x0] =	vst.idx.msk $0xffff, v1  }
0x3a: {  	v46 =	vor.u32 v3, v41;
	[tilespmem:v49+s3+$0x0] =	vst.idx.msk $0xffff, v1  }
0x3b: {  	_ =	sdelay $0x3  }
0x3c: {  	[tilespmem:v45+s3+$0x0] =	vst.idx.msk $0xffff, v1  }
0x3d: {  	v60 =	vor.u32 v6, v41;
	[tilespmem:v43+s3+$0x0] =	vst.idx.msk $0xffff, v1  }
0x3e: {  	v61 =	vor.u32 v7, v41;
	[tilespmem:v44+s3+$0x0] =	vst.idx.msk $0xffff, v1  }
0x3f: {  	v62 =	vor.u32 v8, v41;
	[tilespmem:v47+s3+$0x0] =	vst.idx.msk $0xffff, v1  }
0x40: {  	v63 =	vor.u32 v9, v41;
	[tilespmem:v46+s3+$0x0] =	vst.idx.msk $0xffff, v1  }
0x41: {  	[tilespmem:v42+s3+$0x0] =	vst.idx.msk $0xffff, v1  }
0x42: {  	[tilespmem:v60+s3+$0x0] =	vst.idx.msk $0xffff, v1  }
0x43: {  	[tilespmem:v61+s3+$0x0] =	vst.idx.msk $0xffff, v1  }
0x44: {  	[tilespmem:v62+s3+$0x0] =	vst.idx.msk $0xffff, v1  }
0x45: {  	s31 =	simm.s32 $0x0;
	s5 =	rddreg [dreg:$0x4];
	s9 =	simm.s32 $0x16000;
	[tilespmem:v63+s3+$0x0] =	vst.idx.msk $0xffff, v1  }
0x46: {  	[tilespmem:s9], [sflag:$0x5] =	stream.linear.gather [hbm4b:s5+s31], $0x1F40, $0x38;
	[tilespmem:$0x1FF80] =	vst v63  }
0x47: {  	s9 =	simm.s32 $0x5  }
0x48: {  	_ =	swait.ge [sflag:s9], $0x1F40  }
0x49: {  	[sflag:s9] =	ssyncset.done $0x0  }
0x4a: {  	s15 =	simm.s32 $0x17F80;
	s23 =	rddreg [dreg:$0x5];
	[sflag:s9] =	ssyncadd.s32 $0xFFFFE0C0  }
0x4b: {  	[tilespmem:s15], [sflag:$0x5] =	stream.linear.gather [hbm4b:s23+s31], $0x1F40, $0x38;
	[tilespmem:$0x1FF80] =	vst v63  }
0x4c: {  	_ =	swait.ge [sflag:s9], $0x1F40  }
0x4d: {  	[sflag:s9] =	ssyncset.done $0x0  }
0x4e: {  	s26 =	simm.s32 $0x19F00;
	s24 =	rddreg [dreg:$0x6];
	[sflag:s9] =	ssyncadd.s32 $0xFFFFE0C0  }
0x4f: {  	[tilespmem:s26], [sflag:$0x5] =	stream.linear.gather [hbm4b:s24+s31], $0x1F40, $0x38;
	[tilespmem:$0x1FF80] =	vst v63  }
0x50: {  	_ =	swait.ge [sflag:s9], $0x1F40  }
0x51: {  	[sflag:s9] =	ssyncset.done $0x0  }
0x52: {  	s23 =	simm.s32 $0x1BE80;
	s15 =	rddreg [dreg:$0x7];
	[sflag:s9] =	ssyncadd.s32 $0xFFFFE0C0  }
0x53: {  	[tilespmem:s23], [sflag:$0x5] =	stream.linear.gather [hbm4b:s15+s31], $0x1F40, $0x38;
	[tilespmem:$0x1FF80] =	vst v63  }
0x54: {  	_ =	swait.ge [sflag:s9], $0x1F40  }
0x55: {  	[sflag:s9] =	ssyncset.done $0x0  }
0x56: {  	s26 =	simm.s32 $0x1DE00;
	s24 =	rddreg [dreg:$0x8];
	[sflag:s9] =	ssyncadd.s32 $0xFFFFE0C0  }
0x57: {  	[tilespmem:s26], [sflag:$0x5] =	stream.linear.gather [hbm4b:s24+s31], $0x1F40, $0x38;
	[tilespmem:$0x1FF80] =	vst v63  }
0x58: {  	_ =	swait.ge [sflag:s9], $0x1F40  }
0x59: {  	[sflag:s9] =	ssyncset.done $0x0  }
0x5a: {  	[sflag:s9] =	ssyncadd.s32 $0xFFFFE0C0  }
0x5b: {  	[tilespmem:s0], [sflag:$0x1] =	stream.linear.gather [hbm4b:s12+s31], $0xFA0, $0x38;
	[tilespmem:$0x1FF80] =	vst v63  }
0x5c: {  	s23 =	rddreg [dreg:$0xb]  }
0x5d: {  	[tilespmem:s30], [sflag:$0x1] =	stream.linear.gather [hbm4b:s23+s31], $0xFA0, $0x38;
	[tilespmem:$0x1FF80] =	vst v63  }
0x5e: {  	_ = 	snop  }
0x5f: {  	[tilespmem:s1], [sflag:$0x2] =	stream.linear.gather [hbm4b:s13+s31], $0xFA0, $0x38;
	[tilespmem:$0x1FF80] =	vst v63  }
0x60: {  	s24 =	rddreg [dreg:$0xc]  }
0x61: {  	[tilespmem:s6], [sflag:$0x2] =	stream.linear.gather [hbm4b:s24+s31], $0xFA0, $0x38;
	[tilespmem:$0x1FF80] =	vst v63  }
0x62: {  	_ = 	snop  }
0x63: {  	[tilespmem:s7], [sflag:$0x3] =	stream.linear.gather [hbm4b:s14+s31], $0xFA0, $0x38;
	[tilespmem:$0x1FF80] =	vst v63  }
0x64: {  	s26 =	rddreg [dreg:$0xd]  }
0x65: {  	[tilespmem:s8], [sflag:$0x3] =	stream.linear.gather [hbm4b:s26+s31], $0xFA0, $0x38;
	[tilespmem:$0x1FF80] =	vst v63  }
.LBB2_4:
0x66: {  	p0 =	seq.s32 s31, $0x0  }
0x67: {  	s5 =	simm.s32 @!p0 $0x4  }
0x68: {  	_ =	swait.ge @!p0 [sflag:s5], $0x4000  }
0x69: {  	[sflag:s5] =	ssyncset.done @!p0 $0x0  }
0x6a: {  	[sflag:s5] =	ssyncadd.s32 @!p0 $0xFFFFC000  }
0x6b: {  	_ =	swait.ge @!p0 [sflag:s5], $0x4000  }
0x6c: {  	[sflag:s5] =	ssyncset.done @!p0 $0x0  }
0x6d: {  	[sflag:s5] =	ssyncadd.s32 @!p0 $0xFFFFC000  }
0x6e: {  	_ =	swait.ge @!p0 [sflag:s5], $0x4000  }
0x6f: {  	[sflag:s5] =	ssyncset.done @!p0 $0x0  }
0x70: {  	[sflag:s5] =	ssyncadd.s32 @!p0 $0xFFFFC000  }
0x71: {  	_ =	swait.ge @!p0 [sflag:s5], $0x4000  }
0x72: {  	[sflag:s5] =	ssyncset.done @!p0 $0x0  }
0x73: {  	[sflag:s5] =	ssyncadd.s32 @!p0 $0xFFFFC000  }
0x74: {  	_ =	swait.ge [sflag:s28], $0xFA0  }
0x75: {  	[sflag:s28] =	ssyncset.done $0x0  }
0x76: {  	[sflag:s28] =	ssyncadd.s32 $0xFFFFF060  }
0x77: {  	s24 =	simm.s32 $0x10050;
	_ =	swait.ge [sflag:s28], $0xFA0  }
0x78: {  	s5 =	simm.s32 $0x0;
	[sflag:s28] =	ssyncset.done $0x0;
	s26 =	rddreg [dreg:$0x3]  }
0x79: {  	s23 =	sor.u32 s26, s31;
	[sflag:s28] =	ssyncadd.s32 $0xFFFFF060;
	s26 =	simm.s32 $0x13050  }
.LBB2_5:
0x7a: {  	v41 =	vld [tilespmem:s26+$0xFFFFFFB0];
	_ =	sdelay $0x2  }
0x7b: {  	v42 =	vld [tilespmem:s24+$0xFFFFFFB0];
	_ =	sdelay $0x4  }
0x7c: {  	[tilespmem:v41+s3+$0x0] =	vst.idx.msk $0xffff, v42  }
0x7d: {  	v41 =	vld [tilespmem:s26+$0xFFFFFFC0];
	_ =	sdelay $0x2  }
0x7e: {  	v42 =	vld [tilespmem:s24+$0xFFFFFFC0];
	_ =	sdelay $0x4  }
0x7f: {  	[tilespmem:v41+s3+$0x0] =	vst.idx.msk $0xffff, v42  }
0x80: {  	v41 =	vld [tilespmem:s26+$0xFFFFFFD0];
	_ =	sdelay $0x2  }
0x81: {  	v42 =	vld [tilespmem:s24+$0xFFFFFFD0];
	_ =	sdelay $0x4  }
0x82: {  	[tilespmem:v41+s3+$0x0] =	vst.idx.msk $0xffff, v42  }
0x83: {  	v41 =	vld [tilespmem:s26+$0xFFFFFFE0];
	_ =	sdelay $0x2  }
0x84: {  	v42 =	vld [tilespmem:s24+$0xFFFFFFE0];
	_ =	sdelay $0x4  }
0x85: {  	[tilespmem:v41+s3+$0x0] =	vst.idx.msk $0xffff, v42  }
0x86: {  	v41 =	vld [tilespmem:s26+$0xFFFFFFF0];
	_ =	sdelay $0x2  }
0x87: {  	v42 =	vld [tilespmem:s24+$0xFFFFFFF0];
	_ =	sdelay $0x4  }
0x88: {  	[tilespmem:v41+s3+$0x0] =	vst.idx.msk $0xffff, v42  }
0x89: {  	v41 =	vld [tilespmem:s26+$0x0];
	_ =	sdelay $0x2  }
0x8a: {  	v42 =	vld [tilespmem:s24+$0x0];
	_ =	sdelay $0x4  }
0x8b: {  	[tilespmem:v41+s3+$0x0] =	vst.idx.msk $0xffff, v42  }
0x8c: {  	v41 =	vld [tilespmem:s26+$0x10];
	_ =	sdelay $0x2  }
0x8d: {  	v42 =	vld [tilespmem:s24+$0x10];
	_ =	sdelay $0x4  }
0x8e: {  	[tilespmem:v41+s3+$0x0] =	vst.idx.msk $0xffff, v42  }
0x8f: {  	v41 =	vld [tilespmem:s26+$0x20];
	_ =	sdelay $0x2  }
0x90: {  	v42 =	vld [tilespmem:s24+$0x20];
	_ =	sdelay $0x4  }
0x91: {  	s9 =	sand.u32 $0x1FE0, s5;
	[tilespmem:v41+s3+$0x0] =	vst.idx.msk $0xffff, v42  }
0x92: {  	v41 =	vld [tilespmem:s9+$0x13080];
	_ =	sdelay $0x2  }
0x93: {  	v42 =	vld [tilespmem:s9+$0x10080];
	_ =	sdelay $0x4  }
0x94: {  	[tilespmem:v41+s3+$0x0] =	vst.idx.msk $0xffff, v42  }
0x95: {  	v41 =	vld [tilespmem:s26+$0x40];
	_ =	sdelay $0x2  }
0x96: {  	p0 =	sne.s32 s5, $0xF00;
	v42 =	vld [tilespmem:s24+$0x40]  }
.Ltmp1:
0x97: {  	_ = 	snop;
	(pc) =	sbr.rel @p0 .LBB2_5-.Ltmp1, $2  }
0x98: {  	_ =	sdelay $0x2  }
0x99: {  	s5 =	sadd.s32 $0xA0, s5;
	s24 =	sadd.s32 $0xA0, s24;
	s26 =	sadd.s32 $0xA0, s26;
	[tilespmem:v41+s3+$0x0] =	vst.idx.msk $0xffff, v42  }
0x9a: {  	s5 =	sor.u32 s16, s23  }
0x9b: {  	s26 =	simm.s32 $0x0;
	s9 =	rddreg [dreg:$0x9];
	s24 =	smul.u32 $0x9C40, s5  }
0x9c: {  	[tilespmem:s0], [sflag:$0x1] =	stream.linear.gather [hbm4b:s9+s26], $0xFA0, $0x38;
	[tilespmem:$0x1FF80] =	vst v63  }
0x9d: {  	s15 =	sadd.s32 $0x2EE0, s24  }
0x9e: {  	s5 =	sshrl.u32 s15, $0x3  }
0x9f: {  	s5 =	sadd.s32 s4, s5  }
0xa0: {  	[tilespmem:s30], [sflag:$0x1] =	stream.linear.gather [hbm4b:s5+s26], $0xFA0, $0x38;
	[tilespmem:$0x1FF80] =	vst v63  }
0xa1: {  	_ =	swait.ge [sflag:s10], $0xFA0  }
0xa2: {  	[sflag:s10] =	ssyncset.done $0x0  }
0xa3: {  	[sflag:s10] =	ssyncadd.s32 $0xFFFFF060  }
0xa4: {  	_ =	swait.ge [sflag:s10], $0xFA0  }
0xa5: {  	[sflag:s10] =	ssyncset.done $0x0  }
0xa6: {  	s9 =	simm.s32 $0x14050;
	s5 =	simm.s32 $0x11050;
	[sflag:s10] =	ssyncadd.s32 $0xFFFFF060  }
.LBB2_7:
0xa7: {  	v41 =	vld [tilespmem:s9+$0xFFFFFFB0];
	_ =	sdelay $0x2  }
0xa8: {  	v42 =	vld [tilespmem:s5+$0xFFFFFFB0];
	_ =	sdelay $0x4  }
0xa9: {  	[tilespmem:v41+s3+$0x0] =	vst.idx.msk $0xffff, v42  }
0xaa: {  	v41 =	vld [tilespmem:s9+$0xFFFFFFC0];
	_ =	sdelay $0x2  }
0xab: {  	v42 =	vld [tilespmem:s5+$0xFFFFFFC0];
	_ =	sdelay $0x4  }
0xac: {  	[tilespmem:v41+s3+$0x0] =	vst.idx.msk $0xffff, v42  }
0xad: {  	v41 =	vld [tilespmem:s9+$0xFFFFFFD0];
	_ =	sdelay $0x2  }
0xae: {  	v42 =	vld [tilespmem:s5+$0xFFFFFFD0];
	_ =	sdelay $0x4  }
0xaf: {  	[tilespmem:v41+s3+$0x0] =	vst.idx.msk $0xffff, v42  }
0xb0: {  	v41 =	vld [tilespmem:s9+$0xFFFFFFE0];
	_ =	sdelay $0x2  }
0xb1: {  	v42 =	vld [tilespmem:s5+$0xFFFFFFE0];
	_ =	sdelay $0x4  }
0xb2: {  	[tilespmem:v41+s3+$0x0] =	vst.idx.msk $0xffff, v42  }
0xb3: {  	v41 =	vld [tilespmem:s9+$0xFFFFFFF0];
	_ =	sdelay $0x2  }
0xb4: {  	v42 =	vld [tilespmem:s5+$0xFFFFFFF0];
	_ =	sdelay $0x4  }
0xb5: {  	[tilespmem:v41+s3+$0x0] =	vst.idx.msk $0xffff, v42  }
0xb6: {  	v41 =	vld [tilespmem:s9+$0x0];
	_ =	sdelay $0x2  }
0xb7: {  	v42 =	vld [tilespmem:s5+$0x0];
	_ =	sdelay $0x4  }
0xb8: {  	[tilespmem:v41+s3+$0x0] =	vst.idx.msk $0xffff, v42  }
0xb9: {  	v41 =	vld [tilespmem:s9+$0x10];
	_ =	sdelay $0x2  }
0xba: {  	v42 =	vld [tilespmem:s5+$0x10];
	_ =	sdelay $0x4  }
0xbb: {  	[tilespmem:v41+s3+$0x0] =	vst.idx.msk $0xffff, v42  }
0xbc: {  	v41 =	vld [tilespmem:s9+$0x20];
	_ =	sdelay $0x2  }
0xbd: {  	v42 =	vld [tilespmem:s5+$0x20];
	_ =	sdelay $0x4  }
0xbe: {  	s15 =	sand.u32 $0x1FE0, s26;
	[tilespmem:v41+s3+$0x0] =	vst.idx.msk $0xffff, v42  }
0xbf: {  	v41 =	vld [tilespmem:s15+$0x14080];
	_ =	sdelay $0x2  }
0xc0: {  	v42 =	vld [tilespmem:s15+$0x11080];
	_ =	sdelay $0x4  }
0xc1: {  	[tilespmem:v41+s3+$0x0] =	vst.idx.msk $0xffff, v42  }
0xc2: {  	v41 =	vld [tilespmem:s9+$0x40];
	_ =	sdelay $0x2  }
0xc3: {  	p0 =	sne.s32 s26, $0xF00;
	v42 =	vld [tilespmem:s5+$0x40]  }
.Ltmp2:
0xc4: {  	_ = 	snop;
	(pc) =	sbr.rel @p0 .LBB2_7-.Ltmp2, $2  }
0xc5: {  	_ =	sdelay $0x2  }
0xc6: {  	s26 =	sadd.s32 $0xA0, s26;
	s5 =	sadd.s32 $0xA0, s5;
	s9 =	sadd.s32 $0xA0, s9;
	[tilespmem:v41+s3+$0x0] =	vst.idx.msk $0xffff, v42  }
0xc7: {  	s26 =	simm.s32 $0x0;
	s5 =	rddreg [dreg:$0xa];
	s15 =	sadd.s32 $0x3E80, s24  }
0xc8: {  	[tilespmem:s1], [sflag:$0x2] =	stream.linear.gather [hbm4b:s5+s26], $0xFA0, $0x38;
	[tilespmem:$0x1FF80] =	vst v63  }
0xc9: {  	s5 =	sshrl.u32 s15, $0x3  }
0xca: {  	s5 =	sadd.s32 s4, s5  }
0xcb: {  	[tilespmem:s6], [sflag:$0x2] =	stream.linear.gather [hbm4b:s5+s26], $0xFA0, $0x38;
	[tilespmem:$0x1FF80] =	vst v63  }
0xcc: {  	_ =	swait.ge [sflag:s11], $0xFA0  }
0xcd: {  	[sflag:s11] =	ssyncset.done $0x0  }
0xce: {  	[sflag:s11] =	ssyncadd.s32 $0xFFFFF060  }
0xcf: {  	_ =	swait.ge [sflag:s11], $0xFA0  }
0xd0: {  	[sflag:s11] =	ssyncset.done $0x0  }
0xd1: {  	s9 =	simm.s32 $0x15050;
	s5 =	simm.s32 $0x12050;
	[sflag:s11] =	ssyncadd.s32 $0xFFFFF060  }
.LBB2_9:
0xd2: {  	v41 =	vld [tilespmem:s9+$0xFFFFFFB0];
	_ =	sdelay $0x2  }
0xd3: {  	v42 =	vld [tilespmem:s5+$0xFFFFFFB0];
	_ =	sdelay $0x4  }
0xd4: {  	[tilespmem:v41+s3+$0x0] =	vst.idx.msk $0xffff, v42  }
0xd5: {  	v41 =	vld [tilespmem:s9+$0xFFFFFFC0];
	_ =	sdelay $0x2  }
0xd6: {  	v42 =	vld [tilespmem:s5+$0xFFFFFFC0];
	_ =	sdelay $0x4  }
0xd7: {  	[tilespmem:v41+s3+$0x0] =	vst.idx.msk $0xffff, v42  }
0xd8: {  	v41 =	vld [tilespmem:s9+$0xFFFFFFD0];
	_ =	sdelay $0x2  }
0xd9: {  	v42 =	vld [tilespmem:s5+$0xFFFFFFD0];
	_ =	sdelay $0x4  }
0xda: {  	[tilespmem:v41+s3+$0x0] =	vst.idx.msk $0xffff, v42  }
0xdb: {  	v41 =	vld [tilespmem:s9+$0xFFFFFFE0];
	_ =	sdelay $0x2  }
0xdc: {  	v42 =	vld [tilespmem:s5+$0xFFFFFFE0];
	_ =	sdelay $0x4  }
0xdd: {  	[tilespmem:v41+s3+$0x0] =	vst.idx.msk $0xffff, v42  }
0xde: {  	v41 =	vld [tilespmem:s9+$0xFFFFFFF0];
	_ =	sdelay $0x2  }
0xdf: {  	v42 =	vld [tilespmem:s5+$0xFFFFFFF0];
	_ =	sdelay $0x4  }
0xe0: {  	[tilespmem:v41+s3+$0x0] =	vst.idx.msk $0xffff, v42  }
0xe1: {  	v41 =	vld [tilespmem:s9+$0x0];
	_ =	sdelay $0x2  }
0xe2: {  	v42 =	vld [tilespmem:s5+$0x0];
	_ =	sdelay $0x4  }
0xe3: {  	[tilespmem:v41+s3+$0x0] =	vst.idx.msk $0xffff, v42  }
0xe4: {  	v41 =	vld [tilespmem:s9+$0x10];
	_ =	sdelay $0x2  }
0xe5: {  	v42 =	vld [tilespmem:s5+$0x10];
	_ =	sdelay $0x4  }
0xe6: {  	[tilespmem:v41+s3+$0x0] =	vst.idx.msk $0xffff, v42  }
0xe7: {  	v41 =	vld [tilespmem:s9+$0x20];
	_ =	sdelay $0x2  }
0xe8: {  	v42 =	vld [tilespmem:s5+$0x20];
	_ =	sdelay $0x4  }
0xe9: {  	s15 =	sand.u32 $0x1FE0, s26;
	[tilespmem:v41+s3+$0x0] =	vst.idx.msk $0xffff, v42  }
0xea: {  	v41 =	vld [tilespmem:s15+$0x15080];
	_ =	sdelay $0x2  }
0xeb: {  	v42 =	vld [tilespmem:s15+$0x12080];
	_ =	sdelay $0x4  }
0xec: {  	[tilespmem:v41+s3+$0x0] =	vst.idx.msk $0xffff, v42  }
0xed: {  	v41 =	vld [tilespmem:s9+$0x40];
	_ =	sdelay $0x2  }
0xee: {  	p0 =	sne.s32 s26, $0xF00;
	v42 =	vld [tilespmem:s5+$0x40]  }
.Ltmp3:
0xef: {  	_ = 	snop;
	(pc) =	sbr.rel @p0 .LBB2_9-.Ltmp3, $2  }
0xf0: {  	_ =	sdelay $0x2  }
0xf1: {  	s26 =	sadd.s32 $0xA0, s26;
	s5 =	sadd.s32 $0xA0, s5;
	s9 =	sadd.s32 $0xA0, s9;
	[tilespmem:v41+s3+$0x0] =	vst.idx.msk $0xffff, v42  }
0xf2: {  	s26 =	simm.s32 $0x0;
	s5 =	sadd.s32 $0x4E20, s24  }
0xf3: {  	[tilespmem:s7], [sflag:$0x3] =	stream.linear.gather [hbm4b:s17+s26], $0xFA0, $0x38;
	[tilespmem:$0x1FF80] =	vst v63  }
0xf4: {  	s5 =	sshrl.u32 s5, $0x3  }
0xf5: {  	s5 =	sadd.s32 s4, s5  }
0xf6: {  	[tilespmem:s8], [sflag:$0x3] =	stream.linear.gather [hbm4b:s5+s26], $0xFA0, $0x38;
	[tilespmem:$0x1FF80] =	vst v63  }
0xf7: {  	_ =	swait.ge [sflag:s28], $0xFA0  }
0xf8: {  	[sflag:s28] =	ssyncset.done $0x0  }
0xf9: {  	[sflag:s28] =	ssyncadd.s32 $0xFFFFF060  }
0xfa: {  	_ =	swait.ge [sflag:s28], $0xFA0  }
0xfb: {  	[sflag:s28] =	ssyncset.done $0x0  }
0xfc: {  	s9 =	simm.s32 $0x13050;
	s5 =	simm.s32 $0x10050;
	[sflag:s28] =	ssyncadd.s32 $0xFFFFF060  }
.LBB2_11:
0xfd: {  	v41 =	vld [tilespmem:s9+$0xFFFFFFB0];
	_ =	sdelay $0x2  }
0xfe: {  	v42 =	vld [tilespmem:s5+$0xFFFFFFB0];
	_ =	sdelay $0x4  }
0xff: {  	[tilespmem:v41+s3+$0x0] =	vst.idx.msk $0xffff, v42  }
0x100: {  	v41 =	vld [tilespmem:s9+$0xFFFFFFC0];
	_ =	sdelay $0x2  }
0x101: {  	v42 =	vld [tilespmem:s5+$0xFFFFFFC0];
	_ =	sdelay $0x4  }
0x102: {  	[tilespmem:v41+s3+$0x0] =	vst.idx.msk $0xffff, v42  }
0x103: {  	v41 =	vld [tilespmem:s9+$0xFFFFFFD0];
	_ =	sdelay $0x2  }
0x104: {  	v42 =	vld [tilespmem:s5+$0xFFFFFFD0];
	_ =	sdelay $0x4  }
0x105: {  	[tilespmem:v41+s3+$0x0] =	vst.idx.msk $0xffff, v42  }
0x106: {  	v41 =	vld [tilespmem:s9+$0xFFFFFFE0];
	_ =	sdelay $0x2  }
0x107: {  	v42 =	vld [tilespmem:s5+$0xFFFFFFE0];
	_ =	sdelay $0x4  }
0x108: {  	[tilespmem:v41+s3+$0x0] =	vst.idx.msk $0xffff, v42  }
0x109: {  	v41 =	vld [tilespmem:s9+$0xFFFFFFF0];
	_ =	sdelay $0x2  }
0x10a: {  	v42 =	vld [tilespmem:s5+$0xFFFFFFF0];
	_ =	sdelay $0x4  }
0x10b: {  	[tilespmem:v41+s3+$0x0] =	vst.idx.msk $0xffff, v42  }
0x10c: {  	v41 =	vld [tilespmem:s9+$0x0];
	_ =	sdelay $0x2  }
0x10d: {  	v42 =	vld [tilespmem:s5+$0x0];
	_ =	sdelay $0x4  }
0x10e: {  	[tilespmem:v41+s3+$0x0] =	vst.idx.msk $0xffff, v42  }
0x10f: {  	v41 =	vld [tilespmem:s9+$0x10];
	_ =	sdelay $0x2  }
0x110: {  	v42 =	vld [tilespmem:s5+$0x10];
	_ =	sdelay $0x4  }
0x111: {  	[tilespmem:v41+s3+$0x0] =	vst.idx.msk $0xffff, v42  }
0x112: {  	v41 =	vld [tilespmem:s9+$0x20];
	_ =	sdelay $0x2  }
0x113: {  	v42 =	vld [tilespmem:s5+$0x20];
	_ =	sdelay $0x4  }
0x114: {  	s15 =	sand.u32 $0x1FE0, s26;
	[tilespmem:v41+s3+$0x0] =	vst.idx.msk $0xffff, v42  }
0x115: {  	v41 =	vld [tilespmem:s15+$0x13080];
	_ =	sdelay $0x2  }
0x116: {  	v42 =	vld [tilespmem:s15+$0x10080];
	_ =	sdelay $0x4  }
0x117: {  	[tilespmem:v41+s3+$0x0] =	vst.idx.msk $0xffff, v42  }
0x118: {  	v41 =	vld [tilespmem:s9+$0x40];
	_ =	sdelay $0x2  }
0x119: {  	p0 =	sne.s32 s26, $0xF00;
	v42 =	vld [tilespmem:s5+$0x40]  }
.Ltmp4:
0x11a: {  	_ = 	snop;
	(pc) =	sbr.rel @p0 .LBB2_11-.Ltmp4, $2  }
0x11b: {  	_ =	sdelay $0x2  }
0x11c: {  	s26 =	sadd.s32 $0xA0, s26;
	s5 =	sadd.s32 $0xA0, s5;
	s9 =	sadd.s32 $0xA0, s9;
	[tilespmem:v41+s3+$0x0] =	vst.idx.msk $0xffff, v42  }
0x11d: {  	s26 =	simm.s32 $0x0;
	s5 =	sadd.s32 $0x5DC0, s24  }
0x11e: {  	[tilespmem:s0], [sflag:$0x1] =	stream.linear.gather [hbm4b:s18+s26], $0xFA0, $0x38;
	[tilespmem:$0x1FF80] =	vst v63  }
0x11f: {  	s5 =	sshrl.u32 s5, $0x3  }
0x120: {  	s5 =	sadd.s32 s4, s5  }
0x121: {  	[tilespmem:s30], [sflag:$0x1] =	stream.linear.gather [hbm4b:s5+s26], $0xFA0, $0x38;
	[tilespmem:$0x1FF80] =	vst v63  }
0x122: {  	_ =	swait.ge [sflag:s10], $0xFA0  }
0x123: {  	[sflag:s10] =	ssyncset.done $0x0  }
0x124: {  	[sflag:s10] =	ssyncadd.s32 $0xFFFFF060  }
0x125: {  	_ =	swait.ge [sflag:s10], $0xFA0  }
0x126: {  	[sflag:s10] =	ssyncset.done $0x0  }
0x127: {  	s9 =	simm.s32 $0x14050;
	s5 =	simm.s32 $0x11050;
	[sflag:s10] =	ssyncadd.s32 $0xFFFFF060  }
.LBB2_13:
0x128: {  	v41 =	vld [tilespmem:s9+$0xFFFFFFB0];
	_ =	sdelay $0x2  }
0x129: {  	v42 =	vld [tilespmem:s5+$0xFFFFFFB0];
	_ =	sdelay $0x4  }
0x12a: {  	[tilespmem:v41+s3+$0x0] =	vst.idx.msk $0xffff, v42  }
0x12b: {  	v41 =	vld [tilespmem:s9+$0xFFFFFFC0];
	_ =	sdelay $0x2  }
0x12c: {  	v42 =	vld [tilespmem:s5+$0xFFFFFFC0];
	_ =	sdelay $0x4  }
0x12d: {  	[tilespmem:v41+s3+$0x0] =	vst.idx.msk $0xffff, v42  }
0x12e: {  	v41 =	vld [tilespmem:s9+$0xFFFFFFD0];
	_ =	sdelay $0x2  }
0x12f: {  	v42 =	vld [tilespmem:s5+$0xFFFFFFD0];
	_ =	sdelay $0x4  }
0x130: {  	[tilespmem:v41+s3+$0x0] =	vst.idx.msk $0xffff, v42  }
0x131: {  	v41 =	vld [tilespmem:s9+$0xFFFFFFE0];
	_ =	sdelay $0x2  }
0x132: {  	v42 =	vld [tilespmem:s5+$0xFFFFFFE0];
	_ =	sdelay $0x4  }
0x133: {  	[tilespmem:v41+s3+$0x0] =	vst.idx.msk $0xffff, v42  }
0x134: {  	v41 =	vld [tilespmem:s9+$0xFFFFFFF0];
	_ =	sdelay $0x2  }
0x135: {  	v42 =	vld [tilespmem:s5+$0xFFFFFFF0];
	_ =	sdelay $0x4  }
0x136: {  	[tilespmem:v41+s3+$0x0] =	vst.idx.msk $0xffff, v42  }
0x137: {  	v41 =	vld [tilespmem:s9+$0x0];
	_ =	sdelay $0x2  }
0x138: {  	v42 =	vld [tilespmem:s5+$0x0];
	_ =	sdelay $0x4  }
0x139: {  	[tilespmem:v41+s3+$0x0] =	vst.idx.msk $0xffff, v42  }
0x13a: {  	v41 =	vld [tilespmem:s9+$0x10];
	_ =	sdelay $0x2  }
0x13b: {  	v42 =	vld [tilespmem:s5+$0x10];
	_ =	sdelay $0x4  }
0x13c: {  	[tilespmem:v41+s3+$0x0] =	vst.idx.msk $0xffff, v42  }
0x13d: {  	v41 =	vld [tilespmem:s9+$0x20];
	_ =	sdelay $0x2  }
0x13e: {  	v42 =	vld [tilespmem:s5+$0x20];
	_ =	sdelay $0x4  }
0x13f: {  	s15 =	sand.u32 $0x1FE0, s26;
	[tilespmem:v41+s3+$0x0] =	vst.idx.msk $0xffff, v42  }
0x140: {  	v41 =	vld [tilespmem:s15+$0x14080];
	_ =	sdelay $0x2  }
0x141: {  	v42 =	vld [tilespmem:s15+$0x11080];
	_ =	sdelay $0x4  }
0x142: {  	[tilespmem:v41+s3+$0x0] =	vst.idx.msk $0xffff, v42  }
0x143: {  	v41 =	vld [tilespmem:s9+$0x40];
	_ =	sdelay $0x2  }
0x144: {  	p0 =	sne.s32 s26, $0xF00;
	v42 =	vld [tilespmem:s5+$0x40]  }
.Ltmp5:
0x145: {  	_ = 	snop;
	(pc) =	sbr.rel @p0 .LBB2_13-.Ltmp5, $2  }
0x146: {  	_ =	sdelay $0x2  }
0x147: {  	s26 =	sadd.s32 $0xA0, s26;
	s5 =	sadd.s32 $0xA0, s5;
	s9 =	sadd.s32 $0xA0, s9;
	[tilespmem:v41+s3+$0x0] =	vst.idx.msk $0xffff, v42  }
0x148: {  	s26 =	simm.s32 $0x0;
	s5 =	sadd.s32 $0x6D60, s24  }
0x149: {  	[tilespmem:s1], [sflag:$0x2] =	stream.linear.gather [hbm4b:s19+s26], $0xFA0, $0x38;
	[tilespmem:$0x1FF80] =	vst v63  }
0x14a: {  	s5 =	sshrl.u32 s5, $0x3  }
0x14b: {  	s5 =	sadd.s32 s4, s5  }
0x14c: {  	[tilespmem:s6], [sflag:$0x2] =	stream.linear.gather [hbm4b:s5+s26], $0xFA0, $0x38;
	[tilespmem:$0x1FF80] =	vst v63  }
0x14d: {  	_ =	swait.ge [sflag:s11], $0xFA0  }
0x14e: {  	[sflag:s11] =	ssyncset.done $0x0  }
0x14f: {  	[sflag:s11] =	ssyncadd.s32 $0xFFFFF060  }
0x150: {  	_ =	swait.ge [sflag:s11], $0xFA0  }
0x151: {  	[sflag:s11] =	ssyncset.done $0x0  }
0x152: {  	s9 =	simm.s32 $0x15050;
	s5 =	simm.s32 $0x12050;
	[sflag:s11] =	ssyncadd.s32 $0xFFFFF060  }
.LBB2_15:
0x153: {  	v41 =	vld [tilespmem:s9+$0xFFFFFFB0];
	_ =	sdelay $0x2  }
0x154: {  	v42 =	vld [tilespmem:s5+$0xFFFFFFB0];
	_ =	sdelay $0x4  }
0x155: {  	[tilespmem:v41+s3+$0x0] =	vst.idx.msk $0xffff, v42  }
0x156: {  	v41 =	vld [tilespmem:s9+$0xFFFFFFC0];
	_ =	sdelay $0x2  }
0x157: {  	v42 =	vld [tilespmem:s5+$0xFFFFFFC0];
	_ =	sdelay $0x4  }
0x158: {  	[tilespmem:v41+s3+$0x0] =	vst.idx.msk $0xffff, v42  }
0x159: {  	v41 =	vld [tilespmem:s9+$0xFFFFFFD0];
	_ =	sdelay $0x2  }
0x15a: {  	v42 =	vld [tilespmem:s5+$0xFFFFFFD0];
	_ =	sdelay $0x4  }
0x15b: {  	[tilespmem:v41+s3+$0x0] =	vst.idx.msk $0xffff, v42  }
0x15c: {  	v41 =	vld [tilespmem:s9+$0xFFFFFFE0];
	_ =	sdelay $0x2  }
0x15d: {  	v42 =	vld [tilespmem:s5+$0xFFFFFFE0];
	_ =	sdelay $0x4  }
0x15e: {  	[tilespmem:v41+s3+$0x0] =	vst.idx.msk $0xffff, v42  }
0x15f: {  	v41 =	vld [tilespmem:s9+$0xFFFFFFF0];
	_ =	sdelay $0x2  }
0x160: {  	v42 =	vld [tilespmem:s5+$0xFFFFFFF0];
	_ =	sdelay $0x4  }
0x161: {  	[tilespmem:v41+s3+$0x0] =	vst.idx.msk $0xffff, v42  }
0x162: {  	v41 =	vld [tilespmem:s9+$0x0];
	_ =	sdelay $0x2  }
0x163: {  	v42 =	vld [tilespmem:s5+$0x0];
	_ =	sdelay $0x4  }
0x164: {  	[tilespmem:v41+s3+$0x0] =	vst.idx.msk $0xffff, v42  }
0x165: {  	v41 =	vld [tilespmem:s9+$0x10];
	_ =	sdelay $0x2  }
0x166: {  	v42 =	vld [tilespmem:s5+$0x10];
	_ =	sdelay $0x4  }
0x167: {  	[tilespmem:v41+s3+$0x0] =	vst.idx.msk $0xffff, v42  }
0x168: {  	v41 =	vld [tilespmem:s9+$0x20];
	_ =	sdelay $0x2  }
0x169: {  	v42 =	vld [tilespmem:s5+$0x20];
	_ =	sdelay $0x4  }
0x16a: {  	s15 =	sand.u32 $0x1FE0, s26;
	[tilespmem:v41+s3+$0x0] =	vst.idx.msk $0xffff, v42  }
0x16b: {  	v41 =	vld [tilespmem:s15+$0x15080];
	_ =	sdelay $0x2  }
0x16c: {  	v42 =	vld [tilespmem:s15+$0x12080];
	_ =	sdelay $0x4  }
0x16d: {  	[tilespmem:v41+s3+$0x0] =	vst.idx.msk $0xffff, v42  }
0x16e: {  	v41 =	vld [tilespmem:s9+$0x40];
	_ =	sdelay $0x2  }
0x16f: {  	p0 =	sne.s32 s26, $0xF00;
	v42 =	vld [tilespmem:s5+$0x40]  }
.Ltmp6:
0x170: {  	_ = 	snop;
	(pc) =	sbr.rel @p0 .LBB2_15-.Ltmp6, $2  }
0x171: {  	_ =	sdelay $0x2  }
0x172: {  	s26 =	sadd.s32 $0xA0, s26;
	s5 =	sadd.s32 $0xA0, s5;
	s9 =	sadd.s32 $0xA0, s9;
	[tilespmem:v41+s3+$0x0] =	vst.idx.msk $0xffff, v42  }
0x173: {  	s26 =	simm.s32 $0x0;
	s5 =	sadd.s32 $0x7D00, s24  }
0x174: {  	[tilespmem:s7], [sflag:$0x3] =	stream.linear.gather [hbm4b:s20+s26], $0xFA0, $0x38;
	[tilespmem:$0x1FF80] =	vst v63  }
0x175: {  	s5 =	sshrl.u32 s5, $0x3  }
0x176: {  	s5 =	sadd.s32 s4, s5  }
0x177: {  	[tilespmem:s8], [sflag:$0x3] =	stream.linear.gather [hbm4b:s5+s26], $0xFA0, $0x38;
	[tilespmem:$0x1FF80] =	vst v63  }
0x178: {  	_ =	swait.ge [sflag:s28], $0xFA0  }
0x179: {  	[sflag:s28] =	ssyncset.done $0x0  }
0x17a: {  	[sflag:s28] =	ssyncadd.s32 $0xFFFFF060  }
0x17b: {  	_ =	swait.ge [sflag:s28], $0xFA0  }
0x17c: {  	[sflag:s28] =	ssyncset.done $0x0  }
0x17d: {  	s9 =	simm.s32 $0x13050;
	s5 =	simm.s32 $0x10050;
	[sflag:s28] =	ssyncadd.s32 $0xFFFFF060  }
.LBB2_17:
0x17e: {  	v41 =	vld [tilespmem:s9+$0xFFFFFFB0];
	_ =	sdelay $0x2  }
0x17f: {  	v42 =	vld [tilespmem:s5+$0xFFFFFFB0];
	_ =	sdelay $0x4  }
0x180: {  	[tilespmem:v41+s3+$0x0] =	vst.idx.msk $0xffff, v42  }
0x181: {  	v41 =	vld [tilespmem:s9+$0xFFFFFFC0];
	_ =	sdelay $0x2  }
0x182: {  	v42 =	vld [tilespmem:s5+$0xFFFFFFC0];
	_ =	sdelay $0x4  }
0x183: {  	[tilespmem:v41+s3+$0x0] =	vst.idx.msk $0xffff, v42  }
0x184: {  	v41 =	vld [tilespmem:s9+$0xFFFFFFD0];
	_ =	sdelay $0x2  }
0x185: {  	v42 =	vld [tilespmem:s5+$0xFFFFFFD0];
	_ =	sdelay $0x4  }
0x186: {  	[tilespmem:v41+s3+$0x0] =	vst.idx.msk $0xffff, v42  }
0x187: {  	v41 =	vld [tilespmem:s9+$0xFFFFFFE0];
	_ =	sdelay $0x2  }
0x188: {  	v42 =	vld [tilespmem:s5+$0xFFFFFFE0];
	_ =	sdelay $0x4  }
0x189: {  	[tilespmem:v41+s3+$0x0] =	vst.idx.msk $0xffff, v42  }
0x18a: {  	v41 =	vld [tilespmem:s9+$0xFFFFFFF0];
	_ =	sdelay $0x2  }
0x18b: {  	v42 =	vld [tilespmem:s5+$0xFFFFFFF0];
	_ =	sdelay $0x4  }
0x18c: {  	[tilespmem:v41+s3+$0x0] =	vst.idx.msk $0xffff, v42  }
0x18d: {  	v41 =	vld [tilespmem:s9+$0x0];
	_ =	sdelay $0x2  }
0x18e: {  	v42 =	vld [tilespmem:s5+$0x0];
	_ =	sdelay $0x4  }
0x18f: {  	[tilespmem:v41+s3+$0x0] =	vst.idx.msk $0xffff, v42  }
0x190: {  	v41 =	vld [tilespmem:s9+$0x10];
	_ =	sdelay $0x2  }
0x191: {  	v42 =	vld [tilespmem:s5+$0x10];
	_ =	sdelay $0x4  }
0x192: {  	[tilespmem:v41+s3+$0x0] =	vst.idx.msk $0xffff, v42  }
0x193: {  	v41 =	vld [tilespmem:s9+$0x20];
	_ =	sdelay $0x2  }
0x194: {  	v42 =	vld [tilespmem:s5+$0x20];
	_ =	sdelay $0x4  }
0x195: {  	s15 =	sand.u32 $0x1FE0, s26;
	[tilespmem:v41+s3+$0x0] =	vst.idx.msk $0xffff, v42  }
0x196: {  	v41 =	vld [tilespmem:s15+$0x13080];
	_ =	sdelay $0x2  }
0x197: {  	v42 =	vld [tilespmem:s15+$0x10080];
	_ =	sdelay $0x4  }
0x198: {  	[tilespmem:v41+s3+$0x0] =	vst.idx.msk $0xffff, v42  }
0x199: {  	v41 =	vld [tilespmem:s9+$0x40];
	_ =	sdelay $0x2  }
0x19a: {  	p0 =	sne.s32 s26, $0xF00;
	v42 =	vld [tilespmem:s5+$0x40]  }
.Ltmp7:
0x19b: {  	_ = 	snop;
	(pc) =	sbr.rel @p0 .LBB2_17-.Ltmp7, $2  }
0x19c: {  	_ =	sdelay $0x2  }
0x19d: {  	s26 =	sadd.s32 $0xA0, s26;
	s5 =	sadd.s32 $0xA0, s5;
	s9 =	sadd.s32 $0xA0, s9;
	[tilespmem:v41+s3+$0x0] =	vst.idx.msk $0xffff, v42  }
0x19e: {  	s26 =	simm.s32 $0x0;
	s5 =	sadd.s32 $0x8CA0, s24  }
0x19f: {  	[tilespmem:s0], [sflag:$0x1] =	stream.linear.gather [hbm4b:s21+s26], $0xFA0, $0x38;
	[tilespmem:$0x1FF80] =	vst v63  }
0x1a0: {  	s5 =	sshrl.u32 s5, $0x3  }
0x1a1: {  	s5 =	sadd.s32 s4, s5  }
0x1a2: {  	[tilespmem:s30], [sflag:$0x1] =	stream.linear.gather [hbm4b:s5+s26], $0xFA0, $0x38;
	[tilespmem:$0x1FF80] =	vst v63  }
0x1a3: {  	_ =	swait.ge [sflag:s10], $0xFA0  }
0x1a4: {  	[sflag:s10] =	ssyncset.done $0x0  }
0x1a5: {  	[sflag:s10] =	ssyncadd.s32 $0xFFFFF060  }
0x1a6: {  	_ =	swait.ge [sflag:s10], $0xFA0  }
0x1a7: {  	[sflag:s10] =	ssyncset.done $0x0  }
0x1a8: {  	s9 =	simm.s32 $0x14050;
	s5 =	simm.s32 $0x11050;
	[sflag:s10] =	ssyncadd.s32 $0xFFFFF060  }
.LBB2_19:
0x1a9: {  	v41 =	vld [tilespmem:s9+$0xFFFFFFB0];
	_ =	sdelay $0x2  }
0x1aa: {  	v42 =	vld [tilespmem:s5+$0xFFFFFFB0];
	_ =	sdelay $0x4  }
0x1ab: {  	[tilespmem:v41+s3+$0x0] =	vst.idx.msk $0xffff, v42  }
0x1ac: {  	v41 =	vld [tilespmem:s9+$0xFFFFFFC0];
	_ =	sdelay $0x2  }
0x1ad: {  	v42 =	vld [tilespmem:s5+$0xFFFFFFC0];
	_ =	sdelay $0x4  }
0x1ae: {  	[tilespmem:v41+s3+$0x0] =	vst.idx.msk $0xffff, v42  }
0x1af: {  	v41 =	vld [tilespmem:s9+$0xFFFFFFD0];
	_ =	sdelay $0x2  }
0x1b0: {  	v42 =	vld [tilespmem:s5+$0xFFFFFFD0];
	_ =	sdelay $0x4  }
0x1b1: {  	[tilespmem:v41+s3+$0x0] =	vst.idx.msk $0xffff, v42  }
0x1b2: {  	v41 =	vld [tilespmem:s9+$0xFFFFFFE0];
	_ =	sdelay $0x2  }
0x1b3: {  	v42 =	vld [tilespmem:s5+$0xFFFFFFE0];
	_ =	sdelay $0x4  }
0x1b4: {  	[tilespmem:v41+s3+$0x0] =	vst.idx.msk $0xffff, v42  }
0x1b5: {  	v41 =	vld [tilespmem:s9+$0xFFFFFFF0];
	_ =	sdelay $0x2  }
0x1b6: {  	v42 =	vld [tilespmem:s5+$0xFFFFFFF0];
	_ =	sdelay $0x4  }
0x1b7: {  	[tilespmem:v41+s3+$0x0] =	vst.idx.msk $0xffff, v42  }
0x1b8: {  	v41 =	vld [tilespmem:s9+$0x0];
	_ =	sdelay $0x2  }
0x1b9: {  	v42 =	vld [tilespmem:s5+$0x0];
	_ =	sdelay $0x4  }
0x1ba: {  	[tilespmem:v41+s3+$0x0] =	vst.idx.msk $0xffff, v42  }
0x1bb: {  	v41 =	vld [tilespmem:s9+$0x10];
	_ =	sdelay $0x2  }
0x1bc: {  	v42 =	vld [tilespmem:s5+$0x10];
	_ =	sdelay $0x4  }
0x1bd: {  	[tilespmem:v41+s3+$0x0] =	vst.idx.msk $0xffff, v42  }
0x1be: {  	v41 =	vld [tilespmem:s9+$0x20];
	_ =	sdelay $0x2  }
0x1bf: {  	v42 =	vld [tilespmem:s5+$0x20];
	_ =	sdelay $0x4  }
0x1c0: {  	s15 =	sand.u32 $0x1FE0, s26;
	[tilespmem:v41+s3+$0x0] =	vst.idx.msk $0xffff, v42  }
0x1c1: {  	v41 =	vld [tilespmem:s15+$0x14080];
	_ =	sdelay $0x2  }
0x1c2: {  	v42 =	vld [tilespmem:s15+$0x11080];
	_ =	sdelay $0x4  }
0x1c3: {  	[tilespmem:v41+s3+$0x0] =	vst.idx.msk $0xffff, v42  }
0x1c4: {  	v41 =	vld [tilespmem:s9+$0x40];
	_ =	sdelay $0x2  }
0x1c5: {  	p0 =	sne.s32 s26, $0xF00;
	v42 =	vld [tilespmem:s5+$0x40]  }
.Ltmp8:
0x1c6: {  	_ = 	snop;
	(pc) =	sbr.rel @p0 .LBB2_19-.Ltmp8, $2  }
0x1c7: {  	_ =	sdelay $0x2  }
0x1c8: {  	s26 =	sadd.s32 $0xA0, s26;
	s5 =	sadd.s32 $0xA0, s5;
	s9 =	sadd.s32 $0xA0, s9;
	[tilespmem:v41+s3+$0x0] =	vst.idx.msk $0xffff, v42  }
0x1c9: {  	_ =	swait.ge [sflag:s11], $0xFA0  }
0x1ca: {  	[sflag:s11] =	ssyncset.done $0x0  }
0x1cb: {  	[sflag:s11] =	ssyncadd.s32 $0xFFFFF060  }
0x1cc: {  	_ =	swait.ge [sflag:s11], $0xFA0  }
0x1cd: {  	s24 =	simm.s32 $0x0;
	[sflag:s11] =	ssyncset.done $0x0  }
0x1ce: {  	s5 =	simm.s32 $0x12050;
	s9 =	simm.s32 $0x15050;
	[sflag:s11] =	ssyncadd.s32 $0xFFFFF060  }
.LBB2_21:
0x1cf: {  	v41 =	vld [tilespmem:s9+$0xFFFFFFB0];
	_ =	sdelay $0x2  }
0x1d0: {  	v42 =	vld [tilespmem:s5+$0xFFFFFFB0];
	_ =	sdelay $0x4  }
0x1d1: {  	[tilespmem:v41+s3+$0x0] =	vst.idx.msk $0xffff, v42  }
0x1d2: {  	v41 =	vld [tilespmem:s9+$0xFFFFFFC0];
	_ =	sdelay $0x2  }
0x1d3: {  	v42 =	vld [tilespmem:s5+$0xFFFFFFC0];
	_ =	sdelay $0x4  }
0x1d4: {  	[tilespmem:v41+s3+$0x0] =	vst.idx.msk $0xffff, v42  }
0x1d5: {  	v41 =	vld [tilespmem:s9+$0xFFFFFFD0];
	_ =	sdelay $0x2  }
0x1d6: {  	v42 =	vld [tilespmem:s5+$0xFFFFFFD0];
	_ =	sdelay $0x4  }
0x1d7: {  	[tilespmem:v41+s3+$0x0] =	vst.idx.msk $0xffff, v42  }
0x1d8: {  	v41 =	vld [tilespmem:s9+$0xFFFFFFE0];
	_ =	sdelay $0x2  }
0x1d9: {  	v42 =	vld [tilespmem:s5+$0xFFFFFFE0];
	_ =	sdelay $0x4  }
0x1da: {  	[tilespmem:v41+s3+$0x0] =	vst.idx.msk $0xffff, v42  }
0x1db: {  	v41 =	vld [tilespmem:s9+$0xFFFFFFF0];
	_ =	sdelay $0x2  }
0x1dc: {  	v42 =	vld [tilespmem:s5+$0xFFFFFFF0];
	_ =	sdelay $0x4  }
0x1dd: {  	[tilespmem:v41+s3+$0x0] =	vst.idx.msk $0xffff, v42  }
0x1de: {  	v41 =	vld [tilespmem:s9+$0x0];
	_ =	sdelay $0x2  }
0x1df: {  	v42 =	vld [tilespmem:s5+$0x0];
	_ =	sdelay $0x4  }
0x1e0: {  	[tilespmem:v41+s3+$0x0] =	vst.idx.msk $0xffff, v42  }
0x1e1: {  	v41 =	vld [tilespmem:s9+$0x10];
	_ =	sdelay $0x2  }
0x1e2: {  	v42 =	vld [tilespmem:s5+$0x10];
	_ =	sdelay $0x4  }
0x1e3: {  	[tilespmem:v41+s3+$0x0] =	vst.idx.msk $0xffff, v42  }
0x1e4: {  	v41 =	vld [tilespmem:s9+$0x20];
	_ =	sdelay $0x2  }
0x1e5: {  	v42 =	vld [tilespmem:s5+$0x20];
	_ =	sdelay $0x4  }
0x1e6: {  	s15 =	sand.u32 $0x1FE0, s24;
	[tilespmem:v41+s3+$0x0] =	vst.idx.msk $0xffff, v42  }
0x1e7: {  	v41 =	vld [tilespmem:s15+$0x15080];
	_ =	sdelay $0x2  }
0x1e8: {  	v42 =	vld [tilespmem:s15+$0x12080];
	_ =	sdelay $0x4  }
0x1e9: {  	[tilespmem:v41+s3+$0x0] =	vst.idx.msk $0xffff, v42  }
0x1ea: {  	v41 =	vld [tilespmem:s9+$0x40];
	_ =	sdelay $0x2  }
0x1eb: {  	p0 =	sne.s32 s24, $0xF00;
	v42 =	vld [tilespmem:s5+$0x40]  }
.Ltmp9:
0x1ec: {  	_ = 	snop;
	(pc) =	sbr.rel @p0 .LBB2_21-.Ltmp9, $2  }
0x1ed: {  	_ =	sdelay $0x2  }
0x1ee: {  	s24 =	sadd.s32 $0xA0, s24;
	s5 =	sadd.s32 $0xA0, s5;
	s9 =	sadd.s32 $0xA0, s9;
	[tilespmem:v41+s3+$0x0] =	vst.idx.msk $0xffff, v42  }
0x1ef: {  	_ =	swait.ge [sflag:s28], $0xFA0  }
0x1f0: {  	[sflag:s28] =	ssyncset.done $0x0  }
0x1f1: {  	[sflag:s28] =	ssyncadd.s32 $0xFFFFF060  }
0x1f2: {  	_ =	swait.ge [sflag:s28], $0xFA0  }
0x1f3: {  	s24 =	simm.s32 $0x0;
	[sflag:s28] =	ssyncset.done $0x0  }
0x1f4: {  	s5 =	simm.s32 $0x10050;
	s9 =	simm.s32 $0x13050;
	[sflag:s28] =	ssyncadd.s32 $0xFFFFF060  }
.LBB2_23:
0x1f5: {  	v41 =	vld [tilespmem:s9+$0xFFFFFFB0];
	_ =	sdelay $0x2  }
0x1f6: {  	v42 =	vld [tilespmem:s5+$0xFFFFFFB0];
	_ =	sdelay $0x4  }
0x1f7: {  	[tilespmem:v41+s3+$0x0] =	vst.idx.msk $0xffff, v42  }
0x1f8: {  	v41 =	vld [tilespmem:s9+$0xFFFFFFC0];
	_ =	sdelay $0x2  }
0x1f9: {  	v42 =	vld [tilespmem:s5+$0xFFFFFFC0];
	_ =	sdelay $0x4  }
0x1fa: {  	[tilespmem:v41+s3+$0x0] =	vst.idx.msk $0xffff, v42  }
0x1fb: {  	v41 =	vld [tilespmem:s9+$0xFFFFFFD0];
	_ =	sdelay $0x2  }
0x1fc: {  	v42 =	vld [tilespmem:s5+$0xFFFFFFD0];
	_ =	sdelay $0x4  }
0x1fd: {  	[tilespmem:v41+s3+$0x0] =	vst.idx.msk $0xffff, v42  }
0x1fe: {  	v41 =	vld [tilespmem:s9+$0xFFFFFFE0];
	_ =	sdelay $0x2  }
0x1ff: {  	v42 =	vld [tilespmem:s5+$0xFFFFFFE0];
	_ =	sdelay $0x4  }
0x200: {  	[tilespmem:v41+s3+$0x0] =	vst.idx.msk $0xffff, v42  }
0x201: {  	v41 =	vld [tilespmem:s9+$0xFFFFFFF0];
	_ =	sdelay $0x2  }
0x202: {  	v42 =	vld [tilespmem:s5+$0xFFFFFFF0];
	_ =	sdelay $0x4  }
0x203: {  	[tilespmem:v41+s3+$0x0] =	vst.idx.msk $0xffff, v42  }
0x204: {  	v41 =	vld [tilespmem:s9+$0x0];
	_ =	sdelay $0x2  }
0x205: {  	v42 =	vld [tilespmem:s5+$0x0];
	_ =	sdelay $0x4  }
0x206: {  	[tilespmem:v41+s3+$0x0] =	vst.idx.msk $0xffff, v42  }
0x207: {  	v41 =	vld [tilespmem:s9+$0x10];
	_ =	sdelay $0x2  }
0x208: {  	v42 =	vld [tilespmem:s5+$0x10];
	_ =	sdelay $0x4  }
0x209: {  	[tilespmem:v41+s3+$0x0] =	vst.idx.msk $0xffff, v42  }
0x20a: {  	v41 =	vld [tilespmem:s9+$0x20];
	_ =	sdelay $0x2  }
0x20b: {  	v42 =	vld [tilespmem:s5+$0x20];
	_ =	sdelay $0x4  }
0x20c: {  	s15 =	sand.u32 $0x1FE0, s24;
	[tilespmem:v41+s3+$0x0] =	vst.idx.msk $0xffff, v42  }
0x20d: {  	v41 =	vld [tilespmem:s15+$0x13080];
	_ =	sdelay $0x2  }
0x20e: {  	v42 =	vld [tilespmem:s15+$0x10080];
	_ =	sdelay $0x4  }
0x20f: {  	[tilespmem:v41+s3+$0x0] =	vst.idx.msk $0xffff, v42  }
0x210: {  	v41 =	vld [tilespmem:s9+$0x40];
	_ =	sdelay $0x2  }
0x211: {  	p0 =	sne.s32 s24, $0xF00;
	v42 =	vld [tilespmem:s5+$0x40]  }
.Ltmp10:
0x212: {  	_ = 	snop;
	(pc) =	sbr.rel @p0 .LBB2_23-.Ltmp10, $2  }
0x213: {  	_ =	sdelay $0x2  }
0x214: {  	s24 =	sadd.s32 $0xA0, s24;
	s5 =	sadd.s32 $0xA0, s5;
	s9 =	sadd.s32 $0xA0, s9;
	[tilespmem:v41+s3+$0x0] =	vst.idx.msk $0xffff, v42  }
0x215: {  	p0 =	seq.s32 s31, $0xF  }
0x216: {  	s5 =	sadd.s32 @!p0 s23, s29  }
0x217: {  	s9 =	simm.s32 @!p0 $0x0;
	s15 =	simm.s32 @!p0 $0x13000;
	s5 =	smul.u32 @!p0 $0x9C40, s5  }
0x218: {  	[tilespmem:s15], [sflag:$0x1] =	stream.linear.gather @!p0 [hbm4b:s12+s9], $0xFA0, $0x38;
	[tilespmem:$0x1FF80] =	vst v63  }
0x219: {  	s15 =	sshrl.u32 @!p0 s5, $0x3  }
0x21a: {  	s24 =	simm.s32 @!p0 $0x10000;
	s15 =	sadd.s32 @!p0 s4, s15  }
0x21b: {  	[tilespmem:s24], [sflag:$0x1] =	stream.linear.gather @!p0 [hbm4b:s15+s9], $0xFA0, $0x38;
	[tilespmem:$0x1FF80] =	vst v63  }
0x21c: {  	s15 =	simm.s32 @!p0 $0x14000  }
0x21d: {  	[tilespmem:s15], [sflag:$0x2] =	stream.linear.gather @!p0 [hbm4b:s13+s9], $0xFA0, $0x38;
	[tilespmem:$0x1FF80] =	vst v63  }
0x21e: {  	s15 =	sadd.s32 @!p0 $0xFA0, s5  }
0x21f: {  	s15 =	sshrl.u32 @!p0 s15, $0x3  }
0x220: {  	s24 =	simm.s32 @!p0 $0x11000;
	s5 =	sadd.s32 @!p0 $0x1F40, s5;
	s15 =	sadd.s32 @!p0 s4, s15  }
0x221: {  	[tilespmem:s24], [sflag:$0x2] =	stream.linear.gather @!p0 [hbm4b:s15+s9], $0xFA0, $0x38;
	[tilespmem:$0x1FF80] =	vst v63  }
0x222: {  	s26 =	simm.s32 $0x0;
	s5 =	sshrl.u32 @!p0 s5, $0x3;
	s15 =	simm.s32 @!p0 $0x15000  }
0x223: {  	[tilespmem:s15], [sflag:$0x3] =	stream.linear.gather @!p0 [hbm4b:s14+s9], $0xFA0, $0x38;
	[tilespmem:$0x1FF80] =	vst v63  }
0x224: {  	s5 =	sadd.s32 @!p0 s4, s5;
	s24 =	sadd.s32 $0x1, s31;
	s15 =	simm.s32 @!p0 $0x12000  }
0x225: {  	[tilespmem:s15], [sflag:$0x3] =	stream.linear.gather @!p0 [hbm4b:s5+s9], $0xFA0, $0x38;
	[tilespmem:$0x1FF80] =	vst v63  }
.LBB2_25:
0x226: {  	s5 =	sshra.s32 s26, $0x2  }
0x227: {  	v41 =	vld [tilespmem:s5+$0x16000]  }
0x228: {  	v42 =	vld [tilespmem:s5+$0x17F80];
	_ =	sdelay $0x4  }
0x229: {  	v43 =	vld [tilespmem:s5+$0x1BE80]  }
0x22a: {  	v44 =	vld [tilespmem:s5+$0x1DE00]  }
0x22b: {  	v41 =	vld.idx.msk [tilespmem:v41+s3+$0x0], $0xffff  }
0x22c: {  	v42 =	vld.idx.msk [tilespmem:v42+s3+$0x0], $0xffff  }
0x22d: {  	v45 =	vld [tilespmem:s5+$0x19F00];
	_ =	sdelay $0x3  }
0x22e: {  	v46 =	vadd.f32 v42, v41;
	_ =	sdelay $0x1  }
0x22f: {  	[tilespmem:v43+s3+$0x0] =	vst.idx.msk $0xffff, v41;
	v55 =	vmul.f32 $5.000000000e-01, v46  }
0x230: {  	[tilespmem:v44+s3+$0x0] =	vst.idx.msk $0xffff, v42  }
0x231: {  	[tilespmem:v45+s3+$0x0] =	vst.idx.msk $0xffff, v55  }
0x232: {  	v41 =	vld [tilespmem:s5+$0x16010]  }
0x233: {  	v42 =	vld [tilespmem:s5+$0x17F90];
	_ =	sdelay $0x4  }
0x234: {  	v43 =	vld [tilespmem:s5+$0x1BE90]  }
0x235: {  	v44 =	vld [tilespmem:s5+$0x1DE10]  }
0x236: {  	v41 =	vld.idx.msk [tilespmem:v41+s3+$0x0], $0xffff  }
0x237: {  	v42 =	vld.idx.msk [tilespmem:v42+s3+$0x0], $0xffff  }
0x238: {  	v45 =	vld [tilespmem:s5+$0x19F10];
	_ =	sdelay $0x3  }
0x239: {  	v56 =	vadd.f32 v42, v41;
	_ =	sdelay $0x1  }
0x23a: {  	[tilespmem:v43+s3+$0x0] =	vst.idx.msk $0xffff, v41;
	v57 =	vmul.f32 $5.000000000e-01, v56  }
0x23b: {  	[tilespmem:v44+s3+$0x0] =	vst.idx.msk $0xffff, v42  }
0x23c: {  	[tilespmem:v45+s3+$0x0] =	vst.idx.msk $0xffff, v57  }
0x23d: {  	v41 =	vld [tilespmem:s5+$0x16020]  }
0x23e: {  	v42 =	vld [tilespmem:s5+$0x17FA0];
	_ =	sdelay $0x4  }
0x23f: {  	v43 =	vld [tilespmem:s5+$0x1BEA0]  }
0x240: {  	v44 =	vld [tilespmem:s5+$0x1DE20]  }
0x241: {  	v41 =	vld.idx.msk [tilespmem:v41+s3+$0x0], $0xffff  }
0x242: {  	v42 =	vld.idx.msk [tilespmem:v42+s3+$0x0], $0xffff  }
0x243: {  	v45 =	vld [tilespmem:s5+$0x19F20];
	_ =	sdelay $0x3  }
0x244: {  	v58 =	vadd.f32 v42, v41;
	_ =	sdelay $0x1  }
0x245: {  	[tilespmem:v43+s3+$0x0] =	vst.idx.msk $0xffff, v41;
	v59 =	vmul.f32 $5.000000000e-01, v58  }
0x246: {  	[tilespmem:v44+s3+$0x0] =	vst.idx.msk $0xffff, v42  }
0x247: {  	[tilespmem:v45+s3+$0x0] =	vst.idx.msk $0xffff, v59  }
0x248: {  	v41 =	vld [tilespmem:s5+$0x16030]  }
0x249: {  	v42 =	vld [tilespmem:s5+$0x17FB0];
	_ =	sdelay $0x4  }
0x24a: {  	v43 =	vld [tilespmem:s5+$0x1BEB0]  }
0x24b: {  	v44 =	vld [tilespmem:s5+$0x1DE30]  }
0x24c: {  	v41 =	vld.idx.msk [tilespmem:v41+s3+$0x0], $0xffff  }
0x24d: {  	v42 =	vld.idx.msk [tilespmem:v42+s3+$0x0], $0xffff  }
0x24e: {  	v45 =	vld [tilespmem:s5+$0x19F30];
	_ =	sdelay $0x3  }
0x24f: {  	v60 =	vadd.f32 v42, v41;
	_ =	sdelay $0x1  }
0x250: {  	[tilespmem:v43+s3+$0x0] =	vst.idx.msk $0xffff, v41;
	v61 =	vmul.f32 $5.000000000e-01, v60  }
0x251: {  	[tilespmem:v44+s3+$0x0] =	vst.idx.msk $0xffff, v42  }
0x252: {  	[tilespmem:v45+s3+$0x0] =	vst.idx.msk $0xffff, v61  }
0x253: {  	v41 =	vld [tilespmem:s5+$0x16040]  }
0x254: {  	v42 =	vld [tilespmem:s5+$0x17FC0];
	_ =	sdelay $0x4  }
0x255: {  	v43 =	vld [tilespmem:s5+$0x1BEC0]  }
0x256: {  	v44 =	vld [tilespmem:s5+$0x1DE40]  }
0x257: {  	v41 =	vld.idx.msk [tilespmem:v41+s3+$0x0], $0xffff  }
0x258: {  	v42 =	vld.idx.msk [tilespmem:v42+s3+$0x0], $0xffff  }
0x259: {  	v45 =	vld [tilespmem:s5+$0x19F40];
	_ =	sdelay $0x2  }
0x25a: {  	p0 =	sne.s32 s26, $0x7BC0  }
.Ltmp11:
0x25b: {  	v62 =	vadd.f32 v42, v41;
	(pc) =	sbr.rel @p0 .LBB2_25-.Ltmp11, $4  }
0x25c: {  	_ = 	snop  }
0x25d: {  	[tilespmem:v43+s3+$0x0] =	vst.idx.msk $0xffff, v41;
	v63 =	vmul.f32 $5.000000000e-01, v62  }
0x25e: {  	[tilespmem:v44+s3+$0x0] =	vst.idx.msk $0xffff, v42  }
0x25f: {  	s26 =	sadd.s32 $0x140, s26;
	[tilespmem:v45+s3+$0x0] =	vst.idx.msk $0xffff, v63  }
0x260: {  	s5 =	sand.u32 $0x7, s31  }
0x261: {  	p0 =	seq.s32 s23, $0x0;
	p1 =	sne.s32 s5, $0x0  }
0x262: {  	p0 =	por !p0, !p1  }
0x263: {  	s9 =	simm.s32 $0x1;
	p0 =	por !p0, !p0  }
0x264: {  	s15 =	sshrl.u32 s23, $0x3;
	s9 =	simm.s32 @!p0 $0x0  }
0x265: {  	s9 =	ssub.s32 s15, s9  }
0x266: {  	s9 =	sshll.u32 s9, $0xC  }
0x267: {  	s9 =	sadd.s32 s25, s9  }
0x268: {  	s9 =	sor.u32 s5, s9  }
0x269: {  	v41 =	vor.u32 s9, v4  }
0x26a: {  	v53 =	vor.u32 s9, v10;
	[tilespmem:$0x1FD80] =	vst v41  }
0x26b: {  	v54 =	vor.u32 s9, v11;
	[tilespmem:$0x1FD90] =	vst v53  }
0x26c: {  	v55 =	vor.u32 s9, v12;
	[tilespmem:$0x1FDA0] =	vst v54  }
0x26d: {  	v56 =	vor.u32 s9, v13;
	[tilespmem:$0x1FDB0] =	vst v55  }
0x26e: {  	v57 =	vor.u32 s9, v14;
	[tilespmem:$0x1FDC0] =	vst v56  }
0x26f: {  	v58 =	vor.u32 s9, v15;
	[tilespmem:$0x1FDD0] =	vst v57  }
0x270: {  	v59 =	vor.u32 s9, v16;
	[tilespmem:$0x1FDE0] =	vst v58  }
0x271: {  	v60 =	vor.u32 s9, v17;
	[tilespmem:$0x1FDF0] =	vst v59  }
0x272: {  	v61 =	vor.u32 s9, v18;
	[tilespmem:$0x1FE00] =	vst v60  }
0x273: {  	v62 =	vor.u32 s9, v19;
	[tilespmem:$0x1FE10] =	vst v61  }
0x274: {  	v63 =	vor.u32 s9, v20;
	[tilespmem:$0x1FE20] =	vst v62  }
0x275: {  	v44 =	vor.u32 s9, v21;
	[tilespmem:$0x1FE30] =	vst v63  }
0x276: {  	v45 =	vor.u32 s9, v22;
	[tilespmem:$0x1FE40] =	vst v44  }
0x277: {  	v46 =	vor.u32 s9, v23;
	[tilespmem:$0x1FE50] =	vst v45  }
0x278: {  	v47 =	vor.u32 s9, v24;
	[tilespmem:$0x1FE60] =	vst v46  }
0x279: {  	v48 =	vor.u32 s9, v25;
	[tilespmem:$0x1FE70] =	vst v47  }
0x27a: {  	v49 =	vor.u32 s9, v26;
	[tilespmem:$0x1FE80] =	vst v48  }
0x27b: {  	v50 =	vor.u32 s9, v27;
	[tilespmem:$0x1FE90] =	vst v49  }
0x27c: {  	v51 =	vor.u32 s9, v28;
	[tilespmem:$0x1FEA0] =	vst v50  }
0x27d: {  	v52 =	vor.u32 s9, v29;
	[tilespmem:$0x1FEB0] =	vst v51  }
0x27e: {  	[tilespmem:$0x1FEC0] =	vst v52;
	v53 =	vor.u32 s9, v30  }
0x27f: {  	v54 =	vor.u32 s9, v31;
	[tilespmem:$0x1FED0] =	vst v53  }
0x280: {  	v55 =	vor.u32 s9, v32;
	[tilespmem:$0x1FEE0] =	vst v54  }
0x281: {  	v56 =	vor.u32 s9, v33;
	[tilespmem:$0x1FEF0] =	vst v55  }
0x282: {  	v57 =	vor.u32 s9, v34;
	[tilespmem:$0x1FF00] =	vst v56  }
0x283: {  	v58 =	vor.u32 s9, v35;
	[tilespmem:$0x1FF10] =	vst v57  }
0x284: {  	v59 =	vor.u32 s9, v36;
	[tilespmem:$0x1FF20] =	vst v58  }
0x285: {  	v60 =	vor.u32 s9, v37;
	[tilespmem:$0x1FF30] =	vst v59  }
0x286: {  	v61 =	vor.u32 s9, v38;
	[tilespmem:$0x1FF40] =	vst v60  }
0x287: {  	v62 =	vor.u32 s9, v39;
	[tilespmem:$0x1FF50] =	vst v61  }
0x288: {  	v63 =	vor.u32 s9, v40;
	[tilespmem:$0x1FF60] =	vst v62  }
0x289: {  	s15 =	simm.s32 $0x1FD80;
	[tilespmem:$0x1FF70] =	vst v63  }
0x28a: {  	[hbm4b:s2+s22] =	stream.indirect.scatter [tilespmem:s3], [sflag:$0x4], $0x80, s15, s22, $0xb8;
	[tilespmem:$0x1FF80] =	vst v63  }
0x28b: {  	s23 =	simm.s32 $0x1FE00;
	s26 =	simm.s32 $0x4000;
	p0 =	sne.s32 s24, $0x10  }
0x28c: {  	[hbm4b:s2+s22] =	stream.indirect.scatter [tilespmem:s26], [sflag:$0x4], $0x80, s23, s22, $0xb8;
	[tilespmem:$0x1FF80] =	vst v63  }
.Ltmp12:
0x28d: {  	_ = 	snop;
	(pc) =	sbr.rel @p0 .LBB2_4-.Ltmp12, $4  }
0x28e: {  	s9 =	simm.s32 $0x1FE80;
	s15 =	simm.s32 $0x8000  }
0x28f: {  	[hbm4b:s2+s22] =	stream.indirect.scatter [tilespmem:s15], [sflag:$0x4], $0x80, s9, s22, $0xb8;
	[tilespmem:$0x1FF80] =	vst v63  }
0x290: {  	s31 =	smov.u32 s24;
	s23 =	simm.s32 $0x1FF00;
	s26 =	simm.s32 $0xC000  }
0x291: {  	[hbm4b:s2+s22] =	stream.indirect.scatter [tilespmem:s26], [sflag:$0x4], $0x80, s23, s22, $0xb8;
	[tilespmem:$0x1FF80] =	vst v63  }
0x292: {  	s9 =	simm.s32 $0x4  }
0x293: {  	_ =	swait.ge [sflag:s9], $0x4000  }
0x294: {  	[sflag:s9] =	ssyncset.done $0x0  }
0x295: {  	[sflag:s9] =	ssyncadd.s32 $0xFFFFC000  }
0x296: {  	_ =	swait.ge [sflag:s9], $0x4000  }
0x297: {  	[sflag:s9] =	ssyncset.done $0x0  }
0x298: {  	[sflag:s9] =	ssyncadd.s32 $0xFFFFC000  }
0x299: {  	_ =	swait.ge [sflag:s9], $0x4000  }
0x29a: {  	[sflag:s9] =	ssyncset.done $0x0  }
0x29b: {  	[sflag:s9] =	ssyncadd.s32 $0xFFFFC000  }
0x29c: {  	_ =	swait.ge [sflag:s9], $0x4000  }
0x29d: {  	s15 =	rddreg [dreg:$0xf]  }
0x29e: {  	s5 =	rddreg [dreg:$0xe];
	s15 =	sadd.s32 $0x1, s15  }
0x29f: {  	p0 =	sne.s32 s15, s5  }
.Ltmp13:
0x2a0: {  	_ = 	snop;
	(pc) =	sbr.rel @p0 .LBB2_1-.Ltmp13, $3  }
0x2a1: {  	_ =	sdelay $0x1  }
0x2a2: {  	[sflag:s9] =	ssyncset.done $0x0  }
0x2a3: {  	[sflag:s9] =	ssyncadd.s32 $0xFFFFC000  }
0x2a4: {  	_ =	sfence.sel $0x180000  }
0x2a5: {  	[bflag:$0x0] =	sbarrier.arrive $0xFFFF  }
0x2a6: {  	_ =	strace $0x90000047  }
0x2a7: {  	s0 =	stileid.u32;
	[bflag:$0x2] =	sbarrier.arrive $0xFFFF  }
0x2a8: {  	p0 =	sne.s32 s0, $0x0;
	s0 =	rddreg [dreg:$0x2]  }
0x2a9: {  	s0 =	sadd.s32 @!p0 $0x100000, s0  }
0x2aa: {  	[sflag:s0] =	ssyncadd.tile.s32 @!p0 $0x1;
	_ =	shalt  }
.Lfunc_end2:
_tile_overlayer_lowered:
.L_overlay_start_2:
0x2ab: {  	(tag) =	ssettag $0x2  }
0x2ac: {  	s0 =	rddreg [dreg:$0x0];
	s2 =	stileid.u32  }
0x2ad: {  	s1 =	rddreg [dreg:$0x1];
	p0 =	sne.s32 s2, $0x0  }
0x2ae: {  	s3 =	rddreg [dreg:$0x2];
	[bflag:$0x3] =	sbarrier.arrive $0xFFFF;
	s2 =	simm.s32 @!p0 $0x1C05  }
0x2af: {  	[timem:s3], [sflag:s2] =	dma.local @!p0 [hbm:s0], s1  }
0x2b0: {  	s0 =	simm.s32 @!p0 $0x5  }
0x2b1: {  	_ =	swait.ge @!p0 [sflag:s0], s1  }
0x2b2: {  	s1 =	ssub.s32 @!p0 $0x0, s1;
	[sflag:s0] =	ssyncset.done @!p0 $0x0  }
0x2b3: {  	[sflag:s0] =	ssyncadd.s32 @!p0 s1  }
0x2b4: {  	[bflag:$0x3] =	sbarrier.arrive $0xFFFF  }
0x2b5: {  	_ =	shalt  }

</sc_bundles>
